<compile_context>
chip_gen: v7x
topology: tpu7x:2x2x1
jax: 0.10.2.dev20260603
libtpu: 0.0.44.dev20260713+nightly
codegen_flags: <defaults>
</compile_context>

<pallas_src>
import functools

import jax
import jax.numpy as jnp
from jax import lax
from jax.experimental import pallas as pl
from jax.experimental.pallas import tpu as pltpu
from jax.experimental.pallas import tpu_sc as plsc

N_CLS = 1000
CTX_LEN = 16
D_MODEL = 512
SEQ = 77
NSUF = SEQ - 1 - CTX_LEN
SUF_OFF = 8
TAIL_OFF = 64
NTAIL = 5
IDX_W = 72
LANES = 16

NUM_CORES = 2
NUM_SUBCORES = 16
NW = NUM_CORES * NUM_SUBCORES
ITERS = (N_CLS + NW - 1) // NW
NBUF = 2


@functools.partial(
    pl.kernel,
    out_type=jax.ShapeDtypeStruct((N_CLS, SEQ, D_MODEL), jnp.float32),
    mesh=plsc.VectorSubcoreMesh(core_axis_name="c", subcore_axis_name="s"),
    scratch_types=[
        [pltpu.VMEM((IDX_W,), jnp.int32)] * NBUF,
        [pltpu.VMEM((SEQ, D_MODEL), jnp.float32)] * NBUF,
        [pltpu.VMEM((CTX_LEN, D_MODEL), jnp.float32)] * NBUF,
        [pltpu.VMEM((8, D_MODEL), jnp.float32)] * NBUF,
        [pltpu.SemaphoreType.DMA] * NBUF,
        [pltpu.SemaphoreType.DMA] * NBUF,
    ],
)
def _assemble(table_hbm, ctx_hbm, gidx_hbm, out_hbm, idxs, bufs, cbufs, tbufs,
              sis, sos):
    wid = lax.axis_index("s") * NUM_CORES + lax.axis_index("c")

    def vcopy_rows(dst, dst_row0, src, n_rows):
        def crow(r, carry2):
            for k in range(D_MODEL // LANES):
                sl = pl.ds(k * LANES, LANES)
                dst[dst_row0 + r, sl] = src[r, sl]
            return carry2

        lax.fori_loop(0, n_rows, crow, 0)

    def in_copies(c, b):
        idx_v, buf = idxs[b], bufs[b]
        return (
            pltpu.make_async_copy(table_hbm.at[idx_v.at[pl.ds(0, 8)]],
                                  buf.at[pl.ds(0, 8)], sis[b]),
            pltpu.make_async_copy(table_hbm.at[idx_v.at[pl.ds(SUF_OFF, 56)]],
                                  buf.at[pl.ds(16, 56)], sis[b]),
            pltpu.make_async_copy(table_hbm.at[idx_v.at[pl.ds(TAIL_OFF, 8)]],
                                  tbufs[b], sis[b]),
            pltpu.make_async_copy(ctx_hbm.at[c], cbufs[b], sis[b]),
        )

    def issue(j, b):
        c = j * NW + wid

        @pl.when(c < N_CLS)
        def _():
            pltpu.sync_copy(gidx_hbm.at[pl.ds(c * IDX_W, IDX_W)], idxs[b])
            for cp in in_copies(c, b):
                cp.start()

    def finish(j, b):
        c = j * NW + wid

        @pl.when(c < N_CLS)
        def _():
            for cp in in_copies(c, b):
                cp.wait()
            vcopy_rows(bufs[b], 72, tbufs[b], NTAIL)
            vcopy_rows(bufs[b], 1, cbufs[b], CTX_LEN)
            pltpu.make_async_copy(bufs[b], out_hbm.at[c], sos[b]).start()

    def drain_out(j, b):
        c = j * NW + wid

        @pl.when(c < N_CLS)
        def _():
            pltpu.make_async_copy(bufs[b], out_hbm.at[c], sos[b]).wait()

    issue(0, 0)
    issue(1, 1)

    def body(g, carry):
        j0 = g * NBUF
        j1 = j0 + 1
        finish(j0, 0)
        finish(j1, 1)
        drain_out(j0, 0)
        issue(j0 + NBUF, 0)
        drain_out(j1, 1)
        issue(j1 + NBUF, 1)
        return carry

    lax.fori_loop(0, ITERS // NBUF, body, 0)


def kernel(token_embedding, ctx, tokenized_prompts):
    z = jnp.zeros((N_CLS, 1), jnp.int32)
    gidx = jnp.concatenate(
        [
            tokenized_prompts[:, :1],
            jnp.broadcast_to(z, (N_CLS, 7)),
            z,
            tokenized_prompts[:, 1 + CTX_LEN:72],
            tokenized_prompts[:, 72:],
            jnp.broadcast_to(z, (N_CLS, 3)),
        ],
        axis=1,
    ).reshape(-1)
    return _assemble(token_embedding, ctx, gidx)

# --- scband reference (transcript-rebuilt; emitter-appended) ---
"""Pipeline reference for scband-co-op-prompt-learner-36739150250366 (READ-ONLY COPY).

The authoritative reference and input builder live on the scoring server;
editing this copy changes nothing except your own understanding.
"""

import jax, jax.numpy as jnp
import numpy as np

N_CLS = 1000
CTX_LEN = 16
D_MODEL = 512
VOCAB = 49408
SEQ = 77


def setup_inputs(seed: int = 0) -> dict:
    key = jax.random.key(seed)
    k1, k2, k3 = jax.random.split(key, 3)
    token_embedding = jax.random.normal(k1, (VOCAB, D_MODEL), dtype=jnp.float32) * 0.02
    ctx = jax.random.normal(k2, (N_CLS, CTX_LEN, D_MODEL), dtype=jnp.float32)
    tokenized_prompts = jax.random.randint(k3, (N_CLS, SEQ), 0, VOCAB, dtype=jnp.int32)
    return {
        "token_embedding": token_embedding,
        "ctx": ctx,
        "tokenized_prompts": tokenized_prompts,
    }


def reference(token_embedding, ctx, tokenized_prompts):
    # token_embedding lookup (CLIP token_embedding under torch.no_grad)
    emb = jnp.take(token_embedding, tokenized_prompts, axis=0)  # [N_CLS, SEQ, D]
    prefix = emb[:, :1, :]                # SOS token embedding
    suffix = emb[:, 1 + CTX_LEN:, :]      # class tokens + EOS + padding
    out = jnp.concatenate([prefix, ctx, suffix], axis=1)  # [N_CLS, SEQ, D]
    return out

if __name__ == "__main__":
    import jax
    _d = setup_inputs()
    print(jax.jit(kernel)(*tuple(_d.values())))

</pallas_src>

<mosaic_0001>
#map = affine_map<(d0, d1) -> (0, 0)>
#map1 = affine_map<(d0, d1) -> (0, 0, 0)>
#map2 = affine_map<(d0, d1) -> (0)>
module attributes {stable_mosaic.version = 14 : i64} {
  func.func @_assemble(%arg0: i32, %arg1: i32, %arg2: memref<49408x512xf32, #tpu.memory_space<hbm>>, %arg3: memref<1000x16x512xf32, #tpu.memory_space<hbm>>, %arg4: memref<72000xi32, #tpu.memory_space<hbm>>, %arg5: memref<1000x77x512xf32, #tpu.memory_space<hbm>>, %arg6: memref<72xi32, #tpu.memory_space<vmem>>, %arg7: memref<72xi32, #tpu.memory_space<vmem>>, %arg8: memref<77x512xf32, #tpu.memory_space<vmem>>, %arg9: memref<77x512xf32, #tpu.memory_space<vmem>>, %arg10: memref<16x512xf32, #tpu.memory_space<vmem>>, %arg11: memref<16x512xf32, #tpu.memory_space<vmem>>, %arg12: memref<8x512xf32, #tpu.memory_space<vmem>>, %arg13: memref<8x512xf32, #tpu.memory_space<vmem>>, %arg14: memref<!tpu.dma_semaphore, #tpu.memory_space<semaphore_mem>>, %arg15: memref<!tpu.dma_semaphore, #tpu.memory_space<semaphore_mem>>, %arg16: memref<!tpu.dma_semaphore, #tpu.memory_space<semaphore_mem>>, %arg17: memref<!tpu.dma_semaphore, #tpu.memory_space<semaphore_mem>>) attributes {dimension_semantics = [#tpu.dimension_semantics<core_parallel>, #tpu.dimension_semantics<subcore_parallel>], iteration_bounds = array<i64: 2, 16>, scalar_prefetch = 0 : i64, scratch_operands = 12 : i64, tpu.core_type = #tpu.core_type<sc_vector_subcore>, window_params = [{transform_indices = #map}, {transform_indices = #map1}, {transform_indices = #map2}, {transform_indices = #map1}]} {
    %mul3A = arith.constant 2 : i32
    %mul3A_0 = arith.muli %arg1, %mul3A : i32
    %add3A = arith.addi %mul3A_0, %arg0 : i32
    %add3A_1 = arith.constant 0 : i32
    %add3A_2 = arith.addi %add3A_1, %add3A : i32
    %lt3A = arith.constant 1000 : i32
    %lt3A_3 = arith.cmpi slt, %add3A_2, %lt3A : i32
    %convert_element_type3A = arith.extui %lt3A_3 : i1 to i32
    %cond3A = arith.constant 0 : i32
    %cond3A_4 = arith.cmpi ne, %convert_element_type3A, %cond3A : i32
    scf.if %cond3A_4 {
      %mul3A_17 = arith.constant 72 : i32
      %mul3A_18 = arith.muli %add3A_2, %mul3A_17 : i32
      "tpu.region"() ({
        %run_scoped3A = tpu.sem_alloc : memref<!tpu.dma_semaphore, #tpu.memory_space<semaphore_mem>>
        %dma_start3A_47 = tpu.memref_slice %arg4[%mul3A_18] : memref<72000xi32, #tpu.memory_space<hbm>> -> memref<72xi32, #tpu.memory_space<hbm>>
        %dma_start3A_48 = tpu.memref_slice %arg4[%mul3A_18] : memref<72000xi32, #tpu.memory_space<hbm>> -> memref<72xi32, #tpu.memory_space<hbm>>
        tpu.enqueue_dma source(%dma_start3A_48 : memref<72xi32, #tpu.memory_space<hbm>>) target(%arg6 : memref<72xi32, #tpu.memory_space<vmem>>) target_semaphore(%run_scoped3A : memref<!tpu.dma_semaphore, #tpu.memory_space<semaphore_mem>>)
        %dma_wait3A = tpu.memref_slice %arg4[%mul3A_18] : memref<72000xi32, #tpu.memory_space<hbm>> -> memref<72xi32, #tpu.memory_space<hbm>>
        %dma_wait3A_49 = tpu.memref_slice %arg4[%mul3A_18] : memref<72000xi32, #tpu.memory_space<hbm>> -> memref<72xi32, #tpu.memory_space<hbm>>
        tpu.wait_dma2 semaphore(%run_scoped3A : memref<!tpu.dma_semaphore, #tpu.memory_space<semaphore_mem>>) src(%dma_wait3A_49 : memref<72xi32, #tpu.memory_space<hbm>>) dst(%arg6 : memref<72xi32, #tpu.memory_space<vmem>>)
        tpu.yield
      }) : () -> ()
      %dma_start3A = arith.constant 0 : i32
      %dma_start3A_19 = arith.constant 0 : i32
      %dma_start3A_20 = tpu.memref_slice %arg8[%dma_start3A, %dma_start3A_19] : memref<77x512xf32, #tpu.memory_space<vmem>> -> memref<8x512xf32, #tpu.memory_space<vmem>>
      %dma_start3A_21 = arith.constant 0 : i32
      %dma_start3A_22 = tpu.memref_slice %arg6[%dma_start3A_21] : memref<72xi32, #tpu.memory_space<vmem>> -> memref<8xi32, #tpu.memory_space<vmem>>
      %dma_start3A_23 = arith.constant 0 : i32
      %dma_start3A_24 = arith.constant 0 : i32
      %dma_start3A_25 = tpu.memref_slice %arg2[%dma_start3A_23, %dma_start3A_24] : memref<49408x512xf32, #tpu.memory_space<hbm>> -> memref<49408x512xf32, #tpu.memory_space<hbm>>
      tpu.enqueue_indirect_dma source(%dma_start3A_25 : memref<49408x512xf32, #tpu.memory_space<hbm>>) target(%dma_start3A_20 : memref<8x512xf32, #tpu.memory_space<vmem>>) offsets(%dma_start3A_22 : memref<8xi32, #tpu.memory_space<vmem>>) semaphore(%arg14 : memref<!tpu.dma_semaphore, #tpu.memory_space<semaphore_mem>>)
      %dma_start3A_26 = arith.constant 16 : i32
      %dma_start3A_27 = arith.constant 0 : i32
      %dma_start3A_28 = tpu.memref_slice %arg8[%dma_start3A_26, %dma_start3A_27] : memref<77x512xf32, #tpu.memory_space<vmem>> -> memref<56x512xf32, #tpu.memory_space<vmem>>
      %dma_start3A_29 = arith.constant 8 : i32
      %dma_start3A_30 = tpu.memref_slice %arg6[%dma_start3A_29] : memref<72xi32, #tpu.memory_space<vmem>> -> memref<56xi32, #tpu.memory_space<vmem>>
      %dma_start3A_31 = arith.constant 0 : i32
      %dma_start3A_32 = arith.constant 0 : i32
      %dma_start3A_33 = tpu.memref_slice %arg2[%dma_start3A_31, %dma_start3A_32] : memref<49408x512xf32, #tpu.memory_space<hbm>> -> memref<49408x512xf32, #tpu.memory_space<hbm>>
      tpu.enqueue_indirect_dma source(%dma_start3A_33 : memref<49408x512xf32, #tpu.memory_space<hbm>>) target(%dma_start3A_28 : memref<56x512xf32, #tpu.memory_space<vmem>>) offsets(%dma_start3A_30 : memref<56xi32, #tpu.memory_space<vmem>>) semaphore(%arg14 : memref<!tpu.dma_semaphore, #tpu.memory_space<semaphore_mem>>)
      %dma_start3A_34 = arith.constant 64 : i32
      %dma_start3A_35 = tpu.memref_slice %arg6[%dma_start3A_34] : memref<72xi32, #tpu.memory_space<vmem>> -> memref<8xi32, #tpu.memory_space<vmem>>
      %dma_start3A_36 = arith.constant 0 : i32
      %dma_start3A_37 = arith.constant 0 : i32
      %dma_start3A_38 = tpu.memref_slice %arg2[%dma_start3A_36, %dma_start3A_37] : memref<49408x512xf32, #tpu.memory_space<hbm>> -> memref<49408x512xf32, #tpu.memory_space<hbm>>
      tpu.enqueue_indirect_dma source(%dma_start3A_38 : memref<49408x512xf32, #tpu.memory_space<hbm>>) target(%arg12 : memref<8x512xf32, #tpu.memory_space<vmem>>) offsets(%dma_start3A_35 : memref<8xi32, #tpu.memory_space<vmem>>) semaphore(%arg14 : memref<!tpu.dma_semaphore, #tpu.memory_space<semaphore_mem>>)
      %dma_start3A_39 = arith.constant 0 : i32
      %dma_start3A_40 = arith.constant 0 : i32
      %dma_start3A_41 = tpu.memref_slice %arg3[%add3A_2, %dma_start3A_39, %dma_start3A_40] : memref<1000x16x512xf32, #tpu.memory_space<hbm>> -> memref<1x16x512xf32, #tpu.memory_space<hbm>>
      %dma_start3A_42 = tpu.memref_squeeze %dma_start3A_41 : memref<1x16x512xf32, #tpu.memory_space<hbm>> -> memref<16x512xf32, #tpu.memory_space<hbm>>
      %dma_start3A_43 = arith.constant 0 : i32
      %dma_start3A_44 = arith.constant 0 : i32
      %dma_start3A_45 = tpu.memref_slice %arg3[%add3A_2, %dma_start3A_43, %dma_start3A_44] : memref<1000x16x512xf32, #tpu.memory_space<hbm>> -> memref<1x16x512xf32, #tpu.memory_space<hbm>>
      %dma_start3A_46 = tpu.memref_squeeze %dma_start3A_45 : memref<1x16x512xf32, #tpu.memory_space<hbm>> -> memref<16x512xf32, #tpu.memory_space<hbm>>
      tpu.enqueue_dma source(%dma_start3A_46 : memref<16x512xf32, #tpu.memory_space<hbm>>) target(%arg10 : memref<16x512xf32, #tpu.memory_space<vmem>>) target_semaphore(%arg14 : memref<!tpu.dma_semaphore, #tpu.memory_space<semaphore_mem>>)
    } else {
    }
    %add3A_5 = arith.constant 32 : i32
    %add3A_6 = arith.addi %add3A_5, %add3A : i32
    %lt3A_7 = arith.constant 1000 : i32
    %lt3A_8 = arith.cmpi slt, %add3A_6, %lt3A_7 : i32
    %convert_element_type3A_9 = arith.extui %lt3A_8 : i1 to i32
    %cond3A_10 = arith.constant 0 : i32
    %cond3A_11 = arith.cmpi ne, %convert_element_type3A_9, %cond3A_10 : i32
    scf.if %cond3A_11 {
      %mul3A_17 = arith.constant 72 : i32
      %mul3A_18 = arith.muli %add3A_6, %mul3A_17 : i32
      "tpu.region"() ({
        %run_scoped3A = tpu.sem_alloc : memref<!tpu.dma_semaphore, #tpu.memory_space<semaphore_mem>>
        %dma_start3A_47 = tpu.memref_slice %arg4[%mul3A_18] : memref<72000xi32, #tpu.memory_space<hbm>> -> memref<72xi32, #tpu.memory_space<hbm>>
        %dma_start3A_48 = tpu.memref_slice %arg4[%mul3A_18] : memref<72000xi32, #tpu.memory_space<hbm>> -> memref<72xi32, #tpu.memory_space<hbm>>
        tpu.enqueue_dma source(%dma_start3A_48 : memref<72xi32, #tpu.memory_space<hbm>>) target(%arg7 : memref<72xi32, #tpu.memory_space<vmem>>) target_semaphore(%run_scoped3A : memref<!tpu.dma_semaphore, #tpu.memory_space<semaphore_mem>>)
        %dma_wait3A = tpu.memref_slice %arg4[%mul3A_18] : memref<72000xi32, #tpu.memory_space<hbm>> -> memref<72xi32, #tpu.memory_space<hbm>>
        %dma_wait3A_49 = tpu.memref_slice %arg4[%mul3A_18] : memref<72000xi32, #tpu.memory_space<hbm>> -> memref<72xi32, #tpu.memory_space<hbm>>
        tpu.wait_dma2 semaphore(%run_scoped3A : memref<!tpu.dma_semaphore, #tpu.memory_space<semaphore_mem>>) src(%dma_wait3A_49 : memref<72xi32, #tpu.memory_space<hbm>>) dst(%arg7 : memref<72xi32, #tpu.memory_space<vmem>>)
        tpu.yield
      }) : () -> ()
      %dma_start3A = arith.constant 0 : i32
      %dma_start3A_19 = arith.constant 0 : i32
      %dma_start3A_20 = tpu.memref_slice %arg9[%dma_start3A, %dma_start3A_19] : memref<77x512xf32, #tpu.memory_space<vmem>> -> memref<8x512xf32, #tpu.memory_space<vmem>>
      %dma_start3A_21 = arith.constant 0 : i32
      %dma_start3A_22 = tpu.memref_slice %arg7[%dma_start3A_21] : memref<72xi32, #tpu.memory_space<vmem>> -> memref<8xi32, #tpu.memory_space<vmem>>
      %dma_start3A_23 = arith.constant 0 : i32
      %dma_start3A_24 = arith.constant 0 : i32
      %dma_start3A_25 = tpu.memref_slice %arg2[%dma_start3A_23, %dma_start3A_24] : memref<49408x512xf32, #tpu.memory_space<hbm>> -> memref<49408x512xf32, #tpu.memory_space<hbm>>
      tpu.enqueue_indirect_dma source(%dma_start3A_25 : memref<49408x512xf32, #tpu.memory_space<hbm>>) target(%dma_start3A_20 : memref<8x512xf32, #tpu.memory_space<vmem>>) offsets(%dma_start3A_22 : memref<8xi32, #tpu.memory_space<vmem>>) semaphore(%arg15 : memref<!tpu.dma_semaphore, #tpu.memory_space<semaphore_mem>>)
      %dma_start3A_26 = arith.constant 16 : i32
      %dma_start3A_27 = arith.constant 0 : i32
      %dma_start3A_28 = tpu.memref_slice %arg9[%dma_start3A_26, %dma_start3A_27] : memref<77x512xf32, #tpu.memory_space<vmem>> -> memref<56x512xf32, #tpu.memory_space<vmem>>
      %dma_start3A_29 = arith.constant 8 : i32
      %dma_start3A_30 = tpu.memref_slice %arg7[%dma_start3A_29] : memref<72xi32, #tpu.memory_space<vmem>> -> memref<56xi32, #tpu.memory_space<vmem>>
      %dma_start3A_31 = arith.constant 0 : i32
      %dma_start3A_32 = arith.constant 0 : i32
      %dma_start3A_33 = tpu.memref_slice %arg2[%dma_start3A_31, %dma_start3A_32] : memref<49408x512xf32, #tpu.memory_space<hbm>> -> memref<49408x512xf32, #tpu.memory_space<hbm>>
      tpu.enqueue_indirect_dma source(%dma_start3A_33 : memref<49408x512xf32, #tpu.memory_space<hbm>>) target(%dma_start3A_28 : memref<56x512xf32, #tpu.memory_space<vmem>>) offsets(%dma_start3A_30 : memref<56xi32, #tpu.memory_space<vmem>>) semaphore(%arg15 : memref<!tpu.dma_semaphore, #tpu.memory_space<semaphore_mem>>)
      %dma_start3A_34 = arith.constant 64 : i32
      %dma_start3A_35 = tpu.memref_slice %arg7[%dma_start3A_34] : memref<72xi32, #tpu.memory_space<vmem>> -> memref<8xi32, #tpu.memory_space<vmem>>
      %dma_start3A_36 = arith.constant 0 : i32
      %dma_start3A_37 = arith.constant 0 : i32
      %dma_start3A_38 = tpu.memref_slice %arg2[%dma_start3A_36, %dma_start3A_37] : memref<49408x512xf32, #tpu.memory_space<hbm>> -> memref<49408x512xf32, #tpu.memory_space<hbm>>
      tpu.enqueue_indirect_dma source(%dma_start3A_38 : memref<49408x512xf32, #tpu.memory_space<hbm>>) target(%arg13 : memref<8x512xf32, #tpu.memory_space<vmem>>) offsets(%dma_start3A_35 : memref<8xi32, #tpu.memory_space<vmem>>) semaphore(%arg15 : memref<!tpu.dma_semaphore, #tpu.memory_space<semaphore_mem>>)
      %dma_start3A_39 = arith.constant 0 : i32
      %dma_start3A_40 = arith.constant 0 : i32
      %dma_start3A_41 = tpu.memref_slice %arg3[%add3A_6, %dma_start3A_39, %dma_start3A_40] : memref<1000x16x512xf32, #tpu.memory_space<hbm>> -> memref<1x16x512xf32, #tpu.memory_space<hbm>>
      %dma_start3A_42 = tpu.memref_squeeze %dma_start3A_41 : memref<1x16x512xf32, #tpu.memory_space<hbm>> -> memref<16x512xf32, #tpu.memory_space<hbm>>
      %dma_start3A_43 = arith.constant 0 : i32
      %dma_start3A_44 = arith.constant 0 : i32
      %dma_start3A_45 = tpu.memref_slice %arg3[%add3A_6, %dma_start3A_43, %dma_start3A_44] : memref<1000x16x512xf32, #tpu.memory_space<hbm>> -> memref<1x16x512xf32, #tpu.memory_space<hbm>>
      %dma_start3A_46 = tpu.memref_squeeze %dma_start3A_45 : memref<1x16x512xf32, #tpu.memory_space<hbm>> -> memref<16x512xf32, #tpu.memory_space<hbm>>
      tpu.enqueue_dma source(%dma_start3A_46 : memref<16x512xf32, #tpu.memory_space<hbm>>) target(%arg11 : memref<16x512xf32, #tpu.memory_space<vmem>>) target_semaphore(%arg15 : memref<!tpu.dma_semaphore, #tpu.memory_space<semaphore_mem>>)
    } else {
    }
    %scan3A = arith.constant 0 : i32
    %scan3A_12 = arith.constant 0 : i32
    %scan3A_13 = arith.constant 16 : i32
    %scan3A_14 = arith.addi %scan3A_12, %scan3A_13 : i32
    %scan3A_15 = arith.constant 1 : i32
    scf.for %scan3A_17 = %scan3A_12 to %scan3A_14 step %scan3A_15  : i32 {
      %mul3A_18 = arith.constant 2 : i32
      %mul3A_19 = arith.muli %scan3A_17, %mul3A_18 : i32
      %add3A_20 = arith.constant 1 : i32
      %add3A_21 = arith.addi %mul3A_19, %add3A_20 : i32
      %mul3A_22 = arith.constant 32 : i32
      %mul3A_23 = arith.muli %mul3A_19, %mul3A_22 : i32
      %add3A_24 = arith.addi %mul3A_23, %add3A : i32
      %lt3A_25 = arith.constant 1000 : i32
      %lt3A_26 = arith.cmpi slt, %add3A_24, %lt3A_25 : i32
      %convert_element_type3A_27 = arith.extui %lt3A_26 : i1 to i32
      %cond3A_28 = arith.constant 0 : i32
      %cond3A_29 = arith.cmpi ne, %convert_element_type3A_27, %cond3A_28 : i32
      scf.if %cond3A_29 {
        %dma_wait3A = arith.constant 0 : i32
        %dma_wait3A_74 = arith.constant 0 : i32
        %dma_wait3A_75 = tpu.memref_slice %arg8[%dma_wait3A, %dma_wait3A_74] : memref<77x512xf32, #tpu.memory_space<vmem>> -> memref<8x512xf32, #tpu.memory_space<vmem>>
        %dma_wait3A_76 = arith.constant 0 : i32
        %dma_wait3A_77 = tpu.memref_slice %arg6[%dma_wait3A_76] : memref<72xi32, #tpu.memory_space<vmem>> -> memref<8xi32, #tpu.memory_space<vmem>>
        %dma_wait3A_78 = arith.constant 0 : i32
        %dma_wait3A_79 = arith.constant 0 : i32
        %dma_wait3A_80 = tpu.memref_slice %arg2[%dma_wait3A_78, %dma_wait3A_79] : memref<49408x512xf32, #tpu.memory_space<hbm>> -> memref<49408x512xf32, #tpu.memory_space<hbm>>
        tpu.wait_indirect_dma semaphore(%arg14 : memref<!tpu.dma_semaphore, #tpu.memory_space<semaphore_mem>>) src(%dma_wait3A_80 : memref<49408x512xf32, #tpu.memory_space<hbm>>) dst(%dma_wait3A_75 : memref<8x512xf32, #tpu.memory_space<vmem>>)
        %dma_wait3A_81 = arith.constant 16 : i32
        %dma_wait3A_82 = arith.constant 0 : i32
        %dma_wait3A_83 = tpu.memref_slice %arg8[%dma_wait3A_81, %dma_wait3A_82] : memref<77x512xf32, #tpu.memory_space<vmem>> -> memref<56x512xf32, #tpu.memory_space<vmem>>
        %dma_wait3A_84 = arith.constant 8 : i32
        %dma_wait3A_85 = tpu.memref_slice %arg6[%dma_wait3A_84] : memref<72xi32, #tpu.memory_space<vmem>> -> memref<56xi32, #tpu.memory_space<vmem>>
        %dma_wait3A_86 = arith.constant 0 : i32
        %dma_wait3A_87 = arith.constant 0 : i32
        %dma_wait3A_88 = tpu.memref_slice %arg2[%dma_wait3A_86, %dma_wait3A_87] : memref<49408x512xf32, #tpu.memory_space<hbm>> -> memref<49408x512xf32, #tpu.memory_space<hbm>>
        tpu.wait_indirect_dma semaphore(%arg14 : memref<!tpu.dma_semaphore, #tpu.memory_space<semaphore_mem>>) src(%dma_wait3A_88 : memref<49408x512xf32, #tpu.memory_space<hbm>>) dst(%dma_wait3A_83 : memref<56x512xf32, #tpu.memory_space<vmem>>)
        %dma_wait3A_89 = arith.constant 64 : i32
        %dma_wait3A_90 = tpu.memref_slice %arg6[%dma_wait3A_89] : memref<72xi32, #tpu.memory_space<vmem>> -> memref<8xi32, #tpu.memory_space<vmem>>
        %dma_wait3A_91 = arith.constant 0 : i32
        %dma_wait3A_92 = arith.constant 0 : i32
        %dma_wait3A_93 = tpu.memref_slice %arg2[%dma_wait3A_91, %dma_wait3A_92] : memref<49408x512xf32, #tpu.memory_space<hbm>> -> memref<49408x512xf32, #tpu.memory_space<hbm>>
        tpu.wait_indirect_dma semaphore(%arg14 : memref<!tpu.dma_semaphore, #tpu.memory_space<semaphore_mem>>) src(%dma_wait3A_93 : memref<49408x512xf32, #tpu.memory_space<hbm>>) dst(%arg12 : memref<8x512xf32, #tpu.memory_space<vmem>>)
        %dma_wait3A_94 = arith.constant 0 : i32
        %dma_wait3A_95 = arith.constant 0 : i32
        %dma_wait3A_96 = tpu.memref_slice %arg3[%add3A_24, %dma_wait3A_94, %dma_wait3A_95] : memref<1000x16x512xf32, #tpu.memory_space<hbm>> -> memref<1x16x512xf32, #tpu.memory_space<hbm>>
        %dma_wait3A_97 = tpu.memref_squeeze %dma_wait3A_96 : memref<1x16x512xf32, #tpu.memory_space<hbm>> -> memref<16x512xf32, #tpu.memory_space<hbm>>
        %dma_wait3A_98 = arith.constant 0 : i32
        %dma_wait3A_99 = arith.constant 0 : i32
        %dma_wait3A_100 = tpu.memref_slice %arg3[%add3A_24, %dma_wait3A_98, %dma_wait3A_99] : memref<1000x16x512xf32, #tpu.memory_space<hbm>> -> memref<1x16x512xf32, #tpu.memory_space<hbm>>
        %dma_wait3A_101 = tpu.memref_squeeze %dma_wait3A_100 : memref<1x16x512xf32, #tpu.memory_space<hbm>> -> memref<16x512xf32, #tpu.memory_space<hbm>>
        tpu.wait_dma2 semaphore(%arg14 : memref<!tpu.dma_semaphore, #tpu.memory_space<semaphore_mem>>) src(%dma_wait3A_101 : memref<16x512xf32, #tpu.memory_space<hbm>>) dst(%arg10 : memref<16x512xf32, #tpu.memory_space<vmem>>)
        %scan3A_102 = arith.constant 0 : i32
        %scan3A_103 = arith.constant 0 : i32
        %scan3A_104 = arith.constant 5 : i32
        %scan3A_105 = arith.addi %scan3A_103, %scan3A_104 : i32
        %scan3A_106 = arith.constant 1 : i32
        scf.for %scan3A_121 = %scan3A_103 to %scan3A_105 step %scan3A_106  : i32 {
          %get3A = arith.index_cast %scan3A_121 : i32 to index
          %get3A_122 = arith.constant 0 : index
          %get3A_123 = tpu.vector_load %arg12[%get3A, %get3A_122] {strides = array<i32>} : memref<8x512xf32, #tpu.memory_space<vmem>>, vector<1x16xf32>,
          %get3A_124 = vector.shape_cast %get3A_123 : vector<1x16xf32> to vector<16xf32>
          %add3A_125 = arith.constant 72 : i32
          %add3A_126 = arith.addi %add3A_125, %scan3A_121 : i32
          %swap3A = arith.index_cast %add3A_126 : i32 to index
          %swap3A_127 = arith.constant 0 : index
          %swap3A_128 = tpu.vector_load %arg8[%swap3A, %swap3A_127] {strides = array<i32>} : memref<77x512xf32, #tpu.memory_space<vmem>>, vector<1x16xf32>,
          %swap3A_129 = vector.shape_cast %swap3A_128 : vector<1x16xf32> to vector<16xf32>
          %swap3A_130 = vector.shape_cast %get3A_124 : vector<16xf32> to vector<1x16xf32>
          tpu.vector_store %arg8[%swap3A, %swap3A_127], %swap3A_130 {strides = array<i32>} : memref<77x512xf32, #tpu.memory_space<vmem>>, vector<1x16xf32>,
          %get3A_131 = arith.index_cast %scan3A_121 : i32 to index
          %get3A_132 = arith.constant 16 : index
          %get3A_133 = tpu.vector_load %arg12[%get3A_131, %get3A_132] {strides = array<i32>} : memref<8x512xf32, #tpu.memory_space<vmem>>, vector<1x16xf32>,
          %get3A_134 = vector.shape_cast %get3A_133 : vector<1x16xf32> to vector<16xf32>
          %add3A_135 = arith.constant 72 : i32
          %add3A_136 = arith.addi %add3A_135, %scan3A_121 : i32
          %swap3A_137 = arith.index_cast %add3A_136 : i32 to index
          %swap3A_138 = arith.constant 16 : index
          %swap3A_139 = tpu.vector_load %arg8[%swap3A_137, %swap3A_138] {strides = array<i32>} : memref<77x512xf32, #tpu.memory_space<vmem>>, vector<1x16xf32>,
          %swap3A_140 = vector.shape_cast %swap3A_139 : vector<1x16xf32> to vector<16xf32>
          %swap3A_141 = vector.shape_cast %get3A_134 : vector<16xf32> to vector<1x16xf32>
          tpu.vector_store %arg8[%swap3A_137, %swap3A_138], %swap3A_141 {strides = array<i32>} : memref<77x512xf32, #tpu.memory_space<vmem>>, vector<1x16xf32>,
          %get3A_142 = arith.index_cast %scan3A_121 : i32 to index
          %get3A_143 = arith.constant 32 : index
          %get3A_144 = tpu.vector_load %arg12[%get3A_142, %get3A_143] {strides = array<i32>} : memref<8x512xf32, #tpu.memory_space<vmem>>, vector<1x16xf32>,
          %get3A_145 = vector.shape_cast %get3A_144 : vector<1x16xf32> to vector<16xf32>
          %add3A_146 = arith.constant 72 : i32
          %add3A_147 = arith.addi %add3A_146, %scan3A_121 : i32
          %swap3A_148 = arith.index_cast %add3A_147 : i32 to index
          %swap3A_149 = arith.constant 32 : index
          %swap3A_150 = tpu.vector_load %arg8[%swap3A_148, %swap3A_149] {strides = array<i32>} : memref<77x512xf32, #tpu.memory_space<vmem>>, vector<1x16xf32>,
          %swap3A_151 = vector.shape_cast %swap3A_150 : vector<1x16xf32> to vector<16xf32>
          %swap3A_152 = vector.shape_cast %get3A_145 : vector<16xf32> to vector<1x16xf32>
          tpu.vector_store %arg8[%swap3A_148, %swap3A_149], %swap3A_152 {strides = array<i32>} : memref<77x512xf32, #tpu.memory_space<vmem>>, vector<1x16xf32>,
          %get3A_153 = arith.index_cast %scan3A_121 : i32 to index
          %get3A_154 = arith.constant 48 : index
          %get3A_155 = tpu.vector_load %arg12[%get3A_153, %get3A_154] {strides = array<i32>} : memref<8x512xf32, #tpu.memory_space<vmem>>, vector<1x16xf32>,
          %get3A_156 = vector.shape_cast %get3A_155 : vector<1x16xf32> to vector<16xf32>
          %add3A_157 = arith.constant 72 : i32
          %add3A_158 = arith.addi %add3A_157, %scan3A_121 : i32
          %swap3A_159 = arith.index_cast %add3A_158 : i32 to index
          %swap3A_160 = arith.constant 48 : index
          %swap3A_161 = tpu.vector_load %arg8[%swap3A_159, %swap3A_160] {strides = array<i32>} : memref<77x512xf32, #tpu.memory_space<vmem>>, vector<1x16xf32>,
          %swap3A_162 = vector.shape_cast %swap3A_161 : vector<1x16xf32> to vector<16xf32>
          %swap3A_163 = vector.shape_cast %get3A_156 : vector<16xf32> to vector<1x16xf32>
          tpu.vector_store %arg8[%swap3A_159, %swap3A_160], %swap3A_163 {strides = array<i32>} : memref<77x512xf32, #tpu.memory_space<vmem>>, vector<1x16xf32>,
          %get3A_164 = arith.index_cast %scan3A_121 : i32 to index
          %get3A_165 = arith.constant 64 : index
          %get3A_166 = tpu.vector_load %arg12[%get3A_164, %get3A_165] {strides = array<i32>} : memref<8x512xf32, #tpu.memory_space<vmem>>, vector<1x16xf32>,
          %get3A_167 = vector.shape_cast %get3A_166 : vector<1x16xf32> to vector<16xf32>
          %add3A_168 = arith.constant 72 : i32
          %add3A_169 = arith.addi %add3A_168, %scan3A_121 : i32
          %swap3A_170 = arith.index_cast %add3A_169 : i32 to index
          %swap3A_171 = arith.constant 64 : index
          %swap3A_172 = tpu.vector_load %arg8[%swap3A_170, %swap3A_171] {strides = array<i32>} : memref<77x512xf32, #tpu.memory_space<vmem>>, vector<1x16xf32>,
          %swap3A_173 = vector.shape_cast %swap3A_172 : vector<1x16xf32> to vector<16xf32>
          %swap3A_174 = vector.shape_cast %get3A_167 : vector<16xf32> to vector<1x16xf32>
          tpu.vector_store %arg8[%swap3A_170, %swap3A_171], %swap3A_174 {strides = array<i32>} : memref<77x512xf32, #tpu.memory_space<vmem>>, vector<1x16xf32>,
          %get3A_175 = arith.index_cast %scan3A_121 : i32 to index
          %get3A_176 = arith.constant 80 : index
          %get3A_177 = tpu.vector_load %arg12[%get3A_175, %get3A_176] {strides = array<i32>} : memref<8x512xf32, #tpu.memory_space<vmem>>, vector<1x16xf32>,
          %get3A_178 = vector.shape_cast %get3A_177 : vector<1x16xf32> to vector<16xf32>
          %add3A_179 = arith.constant 72 : i32
          %add3A_180 = arith.addi %add3A_179, %scan3A_121 : i32
          %swap3A_181 = arith.index_cast %add3A_180 : i32 to index
          %swap3A_182 = arith.constant 80 : index
          %swap3A_183 = tpu.vector_load %arg8[%swap3A_181, %swap3A_182] {strides = array<i32>} : memref<77x512xf32, #tpu.memory_space<vmem>>, vector<1x16xf32>,
          %swap3A_184 = vector.shape_cast %swap3A_183 : vector<1x16xf32> to vector<16xf32>
          %swap3A_185 = vector.shape_cast %get3A_178 : vector<16xf32> to vector<1x16xf32>
          tpu.vector_store %arg8[%swap3A_181, %swap3A_182], %swap3A_185 {strides = array<i32>} : memref<77x512xf32, #tpu.memory_space<vmem>>, vector<1x16xf32>,
          %get3A_186 = arith.index_cast %scan3A_121 : i32 to index
          %get3A_187 = arith.constant 96 : index
          %get3A_188 = tpu.vector_load %arg12[%get3A_186, %get3A_187] {strides = array<i32>} : memref<8x512xf32, #tpu.memory_space<vmem>>, vector<1x16xf32>,
          %get3A_189 = vector.shape_cast %get3A_188 : vector<1x16xf32> to vector<16xf32>
          %add3A_190 = arith.constant 72 : i32
          %add3A_191 = arith.addi %add3A_190, %scan3A_121 : i32
          %swap3A_192 = arith.index_cast %add3A_191 : i32 to index
          %swap3A_193 = arith.constant 96 : index
          %swap3A_194 = tpu.vector_load %arg8[%swap3A_192, %swap3A_193] {strides = array<i32>} : memref<77x512xf32, #tpu.memory_space<vmem>>, vector<1x16xf32>,
          %swap3A_195 = vector.shape_cast %swap3A_194 : vector<1x16xf32> to vector<16xf32>
          %swap3A_196 = vector.shape_cast %get3A_189 : vector<16xf32> to vector<1x16xf32>
          tpu.vector_store %arg8[%swap3A_192, %swap3A_193], %swap3A_196 {strides = array<i32>} : memref<77x512xf32, #tpu.memory_space<vmem>>, vector<1x16xf32>,
          %get3A_197 = arith.index_cast %scan3A_121 : i32 to index
          %get3A_198 = arith.constant 112 : index
          %get3A_199 = tpu.vector_load %arg12[%get3A_197, %get3A_198] {strides = array<i32>} : memref<8x512xf32, #tpu.memory_space<vmem>>, vector<1x16xf32>,
          %get3A_200 = vector.shape_cast %get3A_199 : vector<1x16xf32> to vector<16xf32>
          %add3A_201 = arith.constant 72 : i32
          %add3A_202 = arith.addi %add3A_201, %scan3A_121 : i32
          %swap3A_203 = arith.index_cast %add3A_202 : i32 to index
          %swap3A_204 = arith.constant 112 : index
          %swap3A_205 = tpu.vector_load %arg8[%swap3A_203, %swap3A_204] {strides = array<i32>} : memref<77x512xf32, #tpu.memory_space<vmem>>, vector<1x16xf32>,
          %swap3A_206 = vector.shape_cast %swap3A_205 : vector<1x16xf32> to vector<16xf32>
          %swap3A_207 = vector.shape_cast %get3A_200 : vector<16xf32> to vector<1x16xf32>
          tpu.vector_store %arg8[%swap3A_203, %swap3A_204], %swap3A_207 {strides = array<i32>} : memref<77x512xf32, #tpu.memory_space<vmem>>, vector<1x16xf32>,
          %get3A_208 = arith.index_cast %scan3A_121 : i32 to index
          %get3A_209 = arith.constant 128 : index
          %get3A_210 = tpu.vector_load %arg12[%get3A_208, %get3A_209] {strides = array<i32>} : memref<8x512xf32, #tpu.memory_space<vmem>>, vector<1x16xf32>,
          %get3A_211 = vector.shape_cast %get3A_210 : vector<1x16xf32> to vector<16xf32>
          %add3A_212 = arith.constant 72 : i32
          %add3A_213 = arith.addi %add3A_212, %scan3A_121 : i32
          %swap3A_214 = arith.index_cast %add3A_213 : i32 to index
          %swap3A_215 = arith.constant 128 : index
          %swap3A_216 = tpu.vector_load %arg8[%swap3A_214, %swap3A_215] {strides = array<i32>} : memref<77x512xf32, #tpu.memory_space<vmem>>, vector<1x16xf32>,
          %swap3A_217 = vector.shape_cast %swap3A_216 : vector<1x16xf32> to vector<16xf32>
          %swap3A_218 = vector.shape_cast %get3A_211 : vector<16xf32> to vector<1x16xf32>
          tpu.vector_store %arg8[%swap3A_214, %swap3A_215], %swap3A_218 {strides = array<i32>} : memref<77x512xf32, #tpu.memory_space<vmem>>, vector<1x16xf32>,
          %get3A_219 = arith.index_cast %scan3A_121 : i32 to index
          %get3A_220 = arith.constant 144 : index
          %get3A_221 = tpu.vector_load %arg12[%get3A_219, %get3A_220] {strides = array<i32>} : memref<8x512xf32, #tpu.memory_space<vmem>>, vector<1x16xf32>,
          %get3A_222 = vector.shape_cast %get3A_221 : vector<1x16xf32> to vector<16xf32>
          %add3A_223 = arith.constant 72 : i32
          %add3A_224 = arith.addi %add3A_223, %scan3A_121 : i32
          %swap3A_225 = arith.index_cast %add3A_224 : i32 to index
          %swap3A_226 = arith.constant 144 : index
          %swap3A_227 = tpu.vector_load %arg8[%swap3A_225, %swap3A_226] {strides = array<i32>} : memref<77x512xf32, #tpu.memory_space<vmem>>, vector<1x16xf32>,
          %swap3A_228 = vector.shape_cast %swap3A_227 : vector<1x16xf32> to vector<16xf32>
          %swap3A_229 = vector.shape_cast %get3A_222 : vector<16xf32> to vector<1x16xf32>
          tpu.vector_store %arg8[%swap3A_225, %swap3A_226], %swap3A_229 {strides = array<i32>} : memref<77x512xf32, #tpu.memory_space<vmem>>, vector<1x16xf32>,
          %get3A_230 = arith.index_cast %scan3A_121 : i32 to index
          %get3A_231 = arith.constant 160 : index
          %get3A_232 = tpu.vector_load %arg12[%get3A_230, %get3A_231] {strides = array<i32>} : memref<8x512xf32, #tpu.memory_space<vmem>>, vector<1x16xf32>,
          %get3A_233 = vector.shape_cast %get3A_232 : vector<1x16xf32> to vector<16xf32>
          %add3A_234 = arith.constant 72 : i32
          %add3A_235 = arith.addi %add3A_234, %scan3A_121 : i32
          %swap3A_236 = arith.index_cast %add3A_235 : i32 to index
          %swap3A_237 = arith.constant 160 : index
          %swap3A_238 = tpu.vector_load %arg8[%swap3A_236, %swap3A_237] {strides = array<i32>} : memref<77x512xf32, #tpu.memory_space<vmem>>, vector<1x16xf32>,
          %swap3A_239 = vector.shape_cast %swap3A_238 : vector<1x16xf32> to vector<16xf32>
          %swap3A_240 = vector.shape_cast %get3A_233 : vector<16xf32> to vector<1x16xf32>
          tpu.vector_store %arg8[%swap3A_236, %swap3A_237], %swap3A_240 {strides = array<i32>} : memref<77x512xf32, #tpu.memory_space<vmem>>, vector<1x16xf32>,
          %get3A_241 = arith.index_cast %scan3A_121 : i32 to index
          %get3A_242 = arith.constant 176 : index
          %get3A_243 = tpu.vector_load %arg12[%get3A_241, %get3A_242] {strides = array<i32>} : memref<8x512xf32, #tpu.memory_space<vmem>>, vector<1x16xf32>,
          %get3A_244 = vector.shape_cast %get3A_243 : vector<1x16xf32> to vector<16xf32>
          %add3A_245 = arith.constant 72 : i32
          %add3A_246 = arith.addi %add3A_245, %scan3A_121 : i32
          %swap3A_247 = arith.index_cast %add3A_246 : i32 to index
          %swap3A_248 = arith.constant 176 : index
          %swap3A_249 = tpu.vector_load %arg8[%swap3A_247, %swap3A_248] {strides = array<i32>} : memref<77x512xf32, #tpu.memory_space<vmem>>, vector<1x16xf32>,
          %swap3A_250 = vector.shape_cast %swap3A_249 : vector<1x16xf32> to vector<16xf32>
          %swap3A_251 = vector.shape_cast %get3A_244 : vector<16xf32> to vector<1x16xf32>
          tpu.vector_store %arg8[%swap3A_247, %swap3A_248], %swap3A_251 {strides = array<i32>} : memref<77x512xf32, #tpu.memory_space<vmem>>, vector<1x16xf32>,
          %get3A_252 = arith.index_cast %scan3A_121 : i32 to index
          %get3A_253 = arith.constant 192 : index
          %get3A_254 = tpu.vector_load %arg12[%get3A_252, %get3A_253] {strides = array<i32>} : memref<8x512xf32, #tpu.memory_space<vmem>>, vector<1x16xf32>,
          %get3A_255 = vector.shape_cast %get3A_254 : vector<1x16xf32> to vector<16xf32>
          %add3A_256 = arith.constant 72 : i32
          %add3A_257 = arith.addi %add3A_256, %scan3A_121 : i32
          %swap3A_258 = arith.index_cast %add3A_257 : i32 to index
          %swap3A_259 = arith.constant 192 : index
          %swap3A_260 = tpu.vector_load %arg8[%swap3A_258, %swap3A_259] {strides = array<i32>} : memref<77x512xf32, #tpu.memory_space<vmem>>, vector<1x16xf32>,
          %swap3A_261 = vector.shape_cast %swap3A_260 : vector<1x16xf32> to vector<16xf32>
          %swap3A_262 = vector.shape_cast %get3A_255 : vector<16xf32> to vector<1x16xf32>
          tpu.vector_store %arg8[%swap3A_258, %swap3A_259], %swap3A_262 {strides = array<i32>} : memref<77x512xf32, #tpu.memory_space<vmem>>, vector<1x16xf32>,
          %get3A_263 = arith.index_cast %scan3A_121 : i32 to index
          %get3A_264 = arith.constant 208 : index
          %get3A_265 = tpu.vector_load %arg12[%get3A_263, %get3A_264] {strides = array<i32>} : memref<8x512xf32, #tpu.memory_space<vmem>>, vector<1x16xf32>,
          %get3A_266 = vector.shape_cast %get3A_265 : vector<1x16xf32> to vector<16xf32>
          %add3A_267 = arith.constant 72 : i32
          %add3A_268 = arith.addi %add3A_267, %scan3A_121 : i32
          %swap3A_269 = arith.index_cast %add3A_268 : i32 to index
          %swap3A_270 = arith.constant 208 : index
          %swap3A_271 = tpu.vector_load %arg8[%swap3A_269, %swap3A_270] {strides = array<i32>} : memref<77x512xf32, #tpu.memory_space<vmem>>, vector<1x16xf32>,
          %swap3A_272 = vector.shape_cast %swap3A_271 : vector<1x16xf32> to vector<16xf32>
          %swap3A_273 = vector.shape_cast %get3A_266 : vector<16xf32> to vector<1x16xf32>
          tpu.vector_store %arg8[%swap3A_269, %swap3A_270], %swap3A_273 {strides = array<i32>} : memref<77x512xf32, #tpu.memory_space<vmem>>, vector<1x16xf32>,
          %get3A_274 = arith.index_cast %scan3A_121 : i32 to index
          %get3A_275 = arith.constant 224 : index
          %get3A_276 = tpu.vector_load %arg12[%get3A_274, %get3A_275] {strides = array<i32>} : memref<8x512xf32, #tpu.memory_space<vmem>>, vector<1x16xf32>,
          %get3A_277 = vector.shape_cast %get3A_276 : vector<1x16xf32> to vector<16xf32>
          %add3A_278 = arith.constant 72 : i32
          %add3A_279 = arith.addi %add3A_278, %scan3A_121 : i32
          %swap3A_280 = arith.index_cast %add3A_279 : i32 to index
          %swap3A_281 = arith.constant 224 : index
          %swap3A_282 = tpu.vector_load %arg8[%swap3A_280, %swap3A_281] {strides = array<i32>} : memref<77x512xf32, #tpu.memory_space<vmem>>, vector<1x16xf32>,
          %swap3A_283 = vector.shape_cast %swap3A_282 : vector<1x16xf32> to vector<16xf32>
          %swap3A_284 = vector.shape_cast %get3A_277 : vector<16xf32> to vector<1x16xf32>
          tpu.vector_store %arg8[%swap3A_280, %swap3A_281], %swap3A_284 {strides = array<i32>} : memref<77x512xf32, #tpu.memory_space<vmem>>, vector<1x16xf32>,
          %get3A_285 = arith.index_cast %scan3A_121 : i32 to index
          %get3A_286 = arith.constant 240 : index
          %get3A_287 = tpu.vector_load %arg12[%get3A_285, %get3A_286] {strides = array<i32>} : memref<8x512xf32, #tpu.memory_space<vmem>>, vector<1x16xf32>,
          %get3A_288 = vector.shape_cast %get3A_287 : vector<1x16xf32> to vector<16xf32>
          %add3A_289 = arith.constant 72 : i32
          %add3A_290 = arith.addi %add3A_289, %scan3A_121 : i32
          %swap3A_291 = arith.index_cast %add3A_290 : i32 to index
          %swap3A_292 = arith.constant 240 : index
          %swap3A_293 = tpu.vector_load %arg8[%swap3A_291, %swap3A_292] {strides = array<i32>} : memref<77x512xf32, #tpu.memory_space<vmem>>, vector<1x16xf32>,
          %swap3A_294 = vector.shape_cast %swap3A_293 : vector<1x16xf32> to vector<16xf32>
          %swap3A_295 = vector.shape_cast %get3A_288 : vector<16xf32> to vector<1x16xf32>
          tpu.vector_store %arg8[%swap3A_291, %swap3A_292], %swap3A_295 {strides = array<i32>} : memref<77x512xf32, #tpu.memory_space<vmem>>, vector<1x16xf32>,
          %get3A_296 = arith.index_cast %scan3A_121 : i32 to index
          %get3A_297 = arith.constant 256 : index
          %get3A_298 = tpu.vector_load %arg12[%get3A_296, %get3A_297] {strides = array<i32>} : memref<8x512xf32, #tpu.memory_space<vmem>>, vector<1x16xf32>,
          %get3A_299 = vector.shape_cast %get3A_298 : vector<1x16xf32> to vector<16xf32>
          %add3A_300 = arith.constant 72 : i32
          %add3A_301 = arith.addi %add3A_300, %scan3A_121 : i32
          %swap3A_302 = arith.index_cast %add3A_301 : i32 to index
          %swap3A_303 = arith.constant 256 : index
          %swap3A_304 = tpu.vector_load %arg8[%swap3A_302, %swap3A_303] {strides = array<i32>} : memref<77x512xf32, #tpu.memory_space<vmem>>, vector<1x16xf32>,
          %swap3A_305 = vector.shape_cast %swap3A_304 : vector<1x16xf32> to vector<16xf32>
          %swap3A_306 = vector.shape_cast %get3A_299 : vector<16xf32> to vector<1x16xf32>
          tpu.vector_store %arg8[%swap3A_302, %swap3A_303], %swap3A_306 {strides = array<i32>} : memref<77x512xf32, #tpu.memory_space<vmem>>, vector<1x16xf32>,
          %get3A_307 = arith.index_cast %scan3A_121 : i32 to index
          %get3A_308 = arith.constant 272 : index
          %get3A_309 = tpu.vector_load %arg12[%get3A_307, %get3A_308] {strides = array<i32>} : memref<8x512xf32, #tpu.memory_space<vmem>>, vector<1x16xf32>,
          %get3A_310 = vector.shape_cast %get3A_309 : vector<1x16xf32> to vector<16xf32>
          %add3A_311 = arith.constant 72 : i32
          %add3A_312 = arith.addi %add3A_311, %scan3A_121 : i32
          %swap3A_313 = arith.index_cast %add3A_312 : i32 to index
          %swap3A_314 = arith.constant 272 : index
          %swap3A_315 = tpu.vector_load %arg8[%swap3A_313, %swap3A_314] {strides = array<i32>} : memref<77x512xf32, #tpu.memory_space<vmem>>, vector<1x16xf32>,
          %swap3A_316 = vector.shape_cast %swap3A_315 : vector<1x16xf32> to vector<16xf32>
          %swap3A_317 = vector.shape_cast %get3A_310 : vector<16xf32> to vector<1x16xf32>
          tpu.vector_store %arg8[%swap3A_313, %swap3A_314], %swap3A_317 {strides = array<i32>} : memref<77x512xf32, #tpu.memory_space<vmem>>, vector<1x16xf32>,
          %get3A_318 = arith.index_cast %scan3A_121 : i32 to index
          %get3A_319 = arith.constant 288 : index
          %get3A_320 = tpu.vector_load %arg12[%get3A_318, %get3A_319] {strides = array<i32>} : memref<8x512xf32, #tpu.memory_space<vmem>>, vector<1x16xf32>,
          %get3A_321 = vector.shape_cast %get3A_320 : vector<1x16xf32> to vector<16xf32>
          %add3A_322 = arith.constant 72 : i32
          %add3A_323 = arith.addi %add3A_322, %scan3A_121 : i32
          %swap3A_324 = arith.index_cast %add3A_323 : i32 to index
          %swap3A_325 = arith.constant 288 : index
          %swap3A_326 = tpu.vector_load %arg8[%swap3A_324, %swap3A_325] {strides = array<i32>} : memref<77x512xf32, #tpu.memory_space<vmem>>, vector<1x16xf32>,
          %swap3A_327 = vector.shape_cast %swap3A_326 : vector<1x16xf32> to vector<16xf32>
          %swap3A_328 = vector.shape_cast %get3A_321 : vector<16xf32> to vector<1x16xf32>
          tpu.vector_store %arg8[%swap3A_324, %swap3A_325], %swap3A_328 {strides = array<i32>} : memref<77x512xf32, #tpu.memory_space<vmem>>, vector<1x16xf32>,
          %get3A_329 = arith.index_cast %scan3A_121 : i32 to index
          %get3A_330 = arith.constant 304 : index
          %get3A_331 = tpu.vector_load %arg12[%get3A_329, %get3A_330] {strides = array<i32>} : memref<8x512xf32, #tpu.memory_space<vmem>>, vector<1x16xf32>,
          %get3A_332 = vector.shape_cast %get3A_331 : vector<1x16xf32> to vector<16xf32>
          %add3A_333 = arith.constant 72 : i32
          %add3A_334 = arith.addi %add3A_333, %scan3A_121 : i32
          %swap3A_335 = arith.index_cast %add3A_334 : i32 to index
          %swap3A_336 = arith.constant 304 : index
          %swap3A_337 = tpu.vector_load %arg8[%swap3A_335, %swap3A_336] {strides = array<i32>} : memref<77x512xf32, #tpu.memory_space<vmem>>, vector<1x16xf32>,
          %swap3A_338 = vector.shape_cast %swap3A_337 : vector<1x16xf32> to vector<16xf32>
          %swap3A_339 = vector.shape_cast %get3A_332 : vector<16xf32> to vector<1x16xf32>
          tpu.vector_store %arg8[%swap3A_335, %swap3A_336], %swap3A_339 {strides = array<i32>} : memref<77x512xf32, #tpu.memory_space<vmem>>, vector<1x16xf32>,
          %get3A_340 = arith.index_cast %scan3A_121 : i32 to index
          %get3A_341 = arith.constant 320 : index
          %get3A_342 = tpu.vector_load %arg12[%get3A_340, %get3A_341] {strides = array<i32>} : memref<8x512xf32, #tpu.memory_space<vmem>>, vector<1x16xf32>,
          %get3A_343 = vector.shape_cast %get3A_342 : vector<1x16xf32> to vector<16xf32>
          %add3A_344 = arith.constant 72 : i32
          %add3A_345 = arith.addi %add3A_344, %scan3A_121 : i32
          %swap3A_346 = arith.index_cast %add3A_345 : i32 to index
          %swap3A_347 = arith.constant 320 : index
          %swap3A_348 = tpu.vector_load %arg8[%swap3A_346, %swap3A_347] {strides = array<i32>} : memref<77x512xf32, #tpu.memory_space<vmem>>, vector<1x16xf32>,
          %swap3A_349 = vector.shape_cast %swap3A_348 : vector<1x16xf32> to vector<16xf32>
          %swap3A_350 = vector.shape_cast %get3A_343 : vector<16xf32> to vector<1x16xf32>
          tpu.vector_store %arg8[%swap3A_346, %swap3A_347], %swap3A_350 {strides = array<i32>} : memref<77x512xf32, #tpu.memory_space<vmem>>, vector<1x16xf32>,
          %get3A_351 = arith.index_cast %scan3A_121 : i32 to index
          %get3A_352 = arith.constant 336 : index
          %get3A_353 = tpu.vector_load %arg12[%get3A_351, %get3A_352] {strides = array<i32>} : memref<8x512xf32, #tpu.memory_space<vmem>>, vector<1x16xf32>,
          %get3A_354 = vector.shape_cast %get3A_353 : vector<1x16xf32> to vector<16xf32>
          %add3A_355 = arith.constant 72 : i32
          %add3A_356 = arith.addi %add3A_355, %scan3A_121 : i32
          %swap3A_357 = arith.index_cast %add3A_356 : i32 to index
          %swap3A_358 = arith.constant 336 : index
          %swap3A_359 = tpu.vector_load %arg8[%swap3A_357, %swap3A_358] {strides = array<i32>} : memref<77x512xf32, #tpu.memory_space<vmem>>, vector<1x16xf32>,
          %swap3A_360 = vector.shape_cast %swap3A_359 : vector<1x16xf32> to vector<16xf32>
          %swap3A_361 = vector.shape_cast %get3A_354 : vector<16xf32> to vector<1x16xf32>
          tpu.vector_store %arg8[%swap3A_357, %swap3A_358], %swap3A_361 {strides = array<i32>} : memref<77x512xf32, #tpu.memory_space<vmem>>, vector<1x16xf32>,
          %get3A_362 = arith.index_cast %scan3A_121 : i32 to index
          %get3A_363 = arith.constant 352 : index
          %get3A_364 = tpu.vector_load %arg12[%get3A_362, %get3A_363] {strides = array<i32>} : memref<8x512xf32, #tpu.memory_space<vmem>>, vector<1x16xf32>,
          %get3A_365 = vector.shape_cast %get3A_364 : vector<1x16xf32> to vector<16xf32>
          %add3A_366 = arith.constant 72 : i32
          %add3A_367 = arith.addi %add3A_366, %scan3A_121 : i32
          %swap3A_368 = arith.index_cast %add3A_367 : i32 to index
          %swap3A_369 = arith.constant 352 : index
          %swap3A_370 = tpu.vector_load %arg8[%swap3A_368, %swap3A_369] {strides = array<i32>} : memref<77x512xf32, #tpu.memory_space<vmem>>, vector<1x16xf32>,
          %swap3A_371 = vector.shape_cast %swap3A_370 : vector<1x16xf32> to vector<16xf32>
          %swap3A_372 = vector.shape_cast %get3A_365 : vector<16xf32> to vector<1x16xf32>
          tpu.vector_store %arg8[%swap3A_368, %swap3A_369], %swap3A_372 {strides = array<i32>} : memref<77x512xf32, #tpu.memory_space<vmem>>, vector<1x16xf32>,
          %get3A_373 = arith.index_cast %scan3A_121 : i32 to index
          %get3A_374 = arith.constant 368 : index
          %get3A_375 = tpu.vector_load %arg12[%get3A_373, %get3A_374] {strides = array<i32>} : memref<8x512xf32, #tpu.memory_space<vmem>>, vector<1x16xf32>,
          %get3A_376 = vector.shape_cast %get3A_375 : vector<1x16xf32> to vector<16xf32>
          %add3A_377 = arith.constant 72 : i32
          %add3A_378 = arith.addi %add3A_377, %scan3A_121 : i32
          %swap3A_379 = arith.index_cast %add3A_378 : i32 to index
          %swap3A_380 = arith.constant 368 : index
          %swap3A_381 = tpu.vector_load %arg8[%swap3A_379, %swap3A_380] {strides = array<i32>} : memref<77x512xf32, #tpu.memory_space<vmem>>, vector<1x16xf32>,
          %swap3A_382 = vector.shape_cast %swap3A_381 : vector<1x16xf32> to vector<16xf32>
          %swap3A_383 = vector.shape_cast %get3A_376 : vector<16xf32> to vector<1x16xf32>
          tpu.vector_store %arg8[%swap3A_379, %swap3A_380], %swap3A_383 {strides = array<i32>} : memref<77x512xf32, #tpu.memory_space<vmem>>, vector<1x16xf32>,
          %get3A_384 = arith.index_cast %scan3A_121 : i32 to index
          %get3A_385 = arith.constant 384 : index
          %get3A_386 = tpu.vector_load %arg12[%get3A_384, %get3A_385] {strides = array<i32>} : memref<8x512xf32, #tpu.memory_space<vmem>>, vector<1x16xf32>,
          %get3A_387 = vector.shape_cast %get3A_386 : vector<1x16xf32> to vector<16xf32>
          %add3A_388 = arith.constant 72 : i32
          %add3A_389 = arith.addi %add3A_388, %scan3A_121 : i32
          %swap3A_390 = arith.index_cast %add3A_389 : i32 to index
          %swap3A_391 = arith.constant 384 : index
          %swap3A_392 = tpu.vector_load %arg8[%swap3A_390, %swap3A_391] {strides = array<i32>} : memref<77x512xf32, #tpu.memory_space<vmem>>, vector<1x16xf32>,
          %swap3A_393 = vector.shape_cast %swap3A_392 : vector<1x16xf32> to vector<16xf32>
          %swap3A_394 = vector.shape_cast %get3A_387 : vector<16xf32> to vector<1x16xf32>
          tpu.vector_store %arg8[%swap3A_390, %swap3A_391], %swap3A_394 {strides = array<i32>} : memref<77x512xf32, #tpu.memory_space<vmem>>, vector<1x16xf32>,
          %get3A_395 = arith.index_cast %scan3A_121 : i32 to index
          %get3A_396 = arith.constant 400 : index
          %get3A_397 = tpu.vector_load %arg12[%get3A_395, %get3A_396] {strides = array<i32>} : memref<8x512xf32, #tpu.memory_space<vmem>>, vector<1x16xf32>,
          %get3A_398 = vector.shape_cast %get3A_397 : vector<1x16xf32> to vector<16xf32>
          %add3A_399 = arith.constant 72 : i32
          %add3A_400 = arith.addi %add3A_399, %scan3A_121 : i32
          %swap3A_401 = arith.index_cast %add3A_400 : i32 to index
          %swap3A_402 = arith.constant 400 : index
          %swap3A_403 = tpu.vector_load %arg8[%swap3A_401, %swap3A_402] {strides = array<i32>} : memref<77x512xf32, #tpu.memory_space<vmem>>, vector<1x16xf32>,
          %swap3A_404 = vector.shape_cast %swap3A_403 : vector<1x16xf32> to vector<16xf32>
          %swap3A_405 = vector.shape_cast %get3A_398 : vector<16xf32> to vector<1x16xf32>
          tpu.vector_store %arg8[%swap3A_401, %swap3A_402], %swap3A_405 {strides = array<i32>} : memref<77x512xf32, #tpu.memory_space<vmem>>, vector<1x16xf32>,
          %get3A_406 = arith.index_cast %scan3A_121 : i32 to index
          %get3A_407 = arith.constant 416 : index
          %get3A_408 = tpu.vector_load %arg12[%get3A_406, %get3A_407] {strides = array<i32>} : memref<8x512xf32, #tpu.memory_space<vmem>>, vector<1x16xf32>,
          %get3A_409 = vector.shape_cast %get3A_408 : vector<1x16xf32> to vector<16xf32>
          %add3A_410 = arith.constant 72 : i32
          %add3A_411 = arith.addi %add3A_410, %scan3A_121 : i32
          %swap3A_412 = arith.index_cast %add3A_411 : i32 to index
          %swap3A_413 = arith.constant 416 : index
          %swap3A_414 = tpu.vector_load %arg8[%swap3A_412, %swap3A_413] {strides = array<i32>} : memref<77x512xf32, #tpu.memory_space<vmem>>, vector<1x16xf32>,
          %swap3A_415 = vector.shape_cast %swap3A_414 : vector<1x16xf32> to vector<16xf32>
          %swap3A_416 = vector.shape_cast %get3A_409 : vector<16xf32> to vector<1x16xf32>
          tpu.vector_store %arg8[%swap3A_412, %swap3A_413], %swap3A_416 {strides = array<i32>} : memref<77x512xf32, #tpu.memory_space<vmem>>, vector<1x16xf32>,
          %get3A_417 = arith.index_cast %scan3A_121 : i32 to index
          %get3A_418 = arith.constant 432 : index
          %get3A_419 = tpu.vector_load %arg12[%get3A_417, %get3A_418] {strides = array<i32>} : memref<8x512xf32, #tpu.memory_space<vmem>>, vector<1x16xf32>,
          %get3A_420 = vector.shape_cast %get3A_419 : vector<1x16xf32> to vector<16xf32>
          %add3A_421 = arith.constant 72 : i32
          %add3A_422 = arith.addi %add3A_421, %scan3A_121 : i32
          %swap3A_423 = arith.index_cast %add3A_422 : i32 to index
          %swap3A_424 = arith.constant 432 : index
          %swap3A_425 = tpu.vector_load %arg8[%swap3A_423, %swap3A_424] {strides = array<i32>} : memref<77x512xf32, #tpu.memory_space<vmem>>, vector<1x16xf32>,
          %swap3A_426 = vector.shape_cast %swap3A_425 : vector<1x16xf32> to vector<16xf32>
          %swap3A_427 = vector.shape_cast %get3A_420 : vector<16xf32> to vector<1x16xf32>
          tpu.vector_store %arg8[%swap3A_423, %swap3A_424], %swap3A_427 {strides = array<i32>} : memref<77x512xf32, #tpu.memory_space<vmem>>, vector<1x16xf32>,
          %get3A_428 = arith.index_cast %scan3A_121 : i32 to index
          %get3A_429 = arith.constant 448 : index
          %get3A_430 = tpu.vector_load %arg12[%get3A_428, %get3A_429] {strides = array<i32>} : memref<8x512xf32, #tpu.memory_space<vmem>>, vector<1x16xf32>,
          %get3A_431 = vector.shape_cast %get3A_430 : vector<1x16xf32> to vector<16xf32>
          %add3A_432 = arith.constant 72 : i32
          %add3A_433 = arith.addi %add3A_432, %scan3A_121 : i32
          %swap3A_434 = arith.index_cast %add3A_433 : i32 to index
          %swap3A_435 = arith.constant 448 : index
          %swap3A_436 = tpu.vector_load %arg8[%swap3A_434, %swap3A_435] {strides = array<i32>} : memref<77x512xf32, #tpu.memory_space<vmem>>, vector<1x16xf32>,
          %swap3A_437 = vector.shape_cast %swap3A_436 : vector<1x16xf32> to vector<16xf32>
          %swap3A_438 = vector.shape_cast %get3A_431 : vector<16xf32> to vector<1x16xf32>
          tpu.vector_store %arg8[%swap3A_434, %swap3A_435], %swap3A_438 {strides = array<i32>} : memref<77x512xf32, #tpu.memory_space<vmem>>, vector<1x16xf32>,
          %get3A_439 = arith.index_cast %scan3A_121 : i32 to index
          %get3A_440 = arith.constant 464 : index
          %get3A_441 = tpu.vector_load %arg12[%get3A_439, %get3A_440] {strides = array<i32>} : memref<8x512xf32, #tpu.memory_space<vmem>>, vector<1x16xf32>,
          %get3A_442 = vector.shape_cast %get3A_441 : vector<1x16xf32> to vector<16xf32>
          %add3A_443 = arith.constant 72 : i32
          %add3A_444 = arith.addi %add3A_443, %scan3A_121 : i32
          %swap3A_445 = arith.index_cast %add3A_444 : i32 to index
          %swap3A_446 = arith.constant 464 : index
          %swap3A_447 = tpu.vector_load %arg8[%swap3A_445, %swap3A_446] {strides = array<i32>} : memref<77x512xf32, #tpu.memory_space<vmem>>, vector<1x16xf32>,
          %swap3A_448 = vector.shape_cast %swap3A_447 : vector<1x16xf32> to vector<16xf32>
          %swap3A_449 = vector.shape_cast %get3A_442 : vector<16xf32> to vector<1x16xf32>
          tpu.vector_store %arg8[%swap3A_445, %swap3A_446], %swap3A_449 {strides = array<i32>} : memref<77x512xf32, #tpu.memory_space<vmem>>, vector<1x16xf32>,
          %get3A_450 = arith.index_cast %scan3A_121 : i32 to index
          %get3A_451 = arith.constant 480 : index
          %get3A_452 = tpu.vector_load %arg12[%get3A_450, %get3A_451] {strides = array<i32>} : memref<8x512xf32, #tpu.memory_space<vmem>>, vector<1x16xf32>,
          %get3A_453 = vector.shape_cast %get3A_452 : vector<1x16xf32> to vector<16xf32>
          %add3A_454 = arith.constant 72 : i32
          %add3A_455 = arith.addi %add3A_454, %scan3A_121 : i32
          %swap3A_456 = arith.index_cast %add3A_455 : i32 to index
          %swap3A_457 = arith.constant 480 : index
          %swap3A_458 = tpu.vector_load %arg8[%swap3A_456, %swap3A_457] {strides = array<i32>} : memref<77x512xf32, #tpu.memory_space<vmem>>, vector<1x16xf32>,
          %swap3A_459 = vector.shape_cast %swap3A_458 : vector<1x16xf32> to vector<16xf32>
          %swap3A_460 = vector.shape_cast %get3A_453 : vector<16xf32> to vector<1x16xf32>
          tpu.vector_store %arg8[%swap3A_456, %swap3A_457], %swap3A_460 {strides = array<i32>} : memref<77x512xf32, #tpu.memory_space<vmem>>, vector<1x16xf32>,
          %get3A_461 = arith.index_cast %scan3A_121 : i32 to index
          %get3A_462 = arith.constant 496 : index
          %get3A_463 = tpu.vector_load %arg12[%get3A_461, %get3A_462] {strides = array<i32>} : memref<8x512xf32, #tpu.memory_space<vmem>>, vector<1x16xf32>,
          %get3A_464 = vector.shape_cast %get3A_463 : vector<1x16xf32> to vector<16xf32>
          %add3A_465 = arith.constant 72 : i32
          %add3A_466 = arith.addi %add3A_465, %scan3A_121 : i32
          %swap3A_467 = arith.index_cast %add3A_466 : i32 to index
          %swap3A_468 = arith.constant 496 : index
          %swap3A_469 = tpu.vector_load %arg8[%swap3A_467, %swap3A_468] {strides = array<i32>} : memref<77x512xf32, #tpu.memory_space<vmem>>, vector<1x16xf32>,
          %swap3A_470 = vector.shape_cast %swap3A_469 : vector<1x16xf32> to vector<16xf32>
          %swap3A_471 = vector.shape_cast %get3A_464 : vector<16xf32> to vector<1x16xf32>
          tpu.vector_store %arg8[%swap3A_467, %swap3A_468], %swap3A_471 {strides = array<i32>} : memref<77x512xf32, #tpu.memory_space<vmem>>, vector<1x16xf32>,
        }
        %scan3A_107 = arith.constant 5 : i32
        %scan3A_108 = arith.constant 0 : i32
        %scan3A_109 = arith.constant 0 : i32
        %scan3A_110 = arith.constant 16 : i32
        %scan3A_111 = arith.addi %scan3A_109, %scan3A_110 : i32
        %scan3A_112 = arith.constant 1 : i32
        scf.for %scan3A_121 = %scan3A_109 to %scan3A_111 step %scan3A_112  : i32 {
          %get3A = arith.index_cast %scan3A_121 : i32 to index
          %get3A_122 = arith.constant 0 : index
          %get3A_123 = tpu.vector_load %arg10[%get3A, %get3A_122] {strides = array<i32>} : memref<16x512xf32, #tpu.memory_space<vmem>>, vector<1x16xf32>,
          %get3A_124 = vector.shape_cast %get3A_123 : vector<1x16xf32> to vector<16xf32>
          %add3A_125 = arith.constant 1 : i32
          %add3A_126 = arith.addi %add3A_125, %scan3A_121 : i32
          %swap3A = arith.index_cast %add3A_126 : i32 to index
          %swap3A_127 = arith.constant 0 : index
          %swap3A_128 = tpu.vector_load %arg8[%swap3A, %swap3A_127] {strides = array<i32>} : memref<77x512xf32, #tpu.memory_space<vmem>>, vector<1x16xf32>,
          %swap3A_129 = vector.shape_cast %swap3A_128 : vector<1x16xf32> to vector<16xf32>
          %swap3A_130 = vector.shape_cast %get3A_124 : vector<16xf32> to vector<1x16xf32>
          tpu.vector_store %arg8[%swap3A, %swap3A_127], %swap3A_130 {strides = array<i32>} : memref<77x512xf32, #tpu.memory_space<vmem>>, vector<1x16xf32>,
          %get3A_131 = arith.index_cast %scan3A_121 : i32 to index
          %get3A_132 = arith.constant 16 : index
          %get3A_133 = tpu.vector_load %arg10[%get3A_131, %get3A_132] {strides = array<i32>} : memref<16x512xf32, #tpu.memory_space<vmem>>, vector<1x16xf32>,
          %get3A_134 = vector.shape_cast %get3A_133 : vector<1x16xf32> to vector<16xf32>
          %add3A_135 = arith.constant 1 : i32
          %add3A_136 = arith.addi %add3A_135, %scan3A_121 : i32
          %swap3A_137 = arith.index_cast %add3A_136 : i32 to index
          %swap3A_138 = arith.constant 16 : index
          %swap3A_139 = tpu.vector_load %arg8[%swap3A_137, %swap3A_138] {strides = array<i32>} : memref<77x512xf32, #tpu.memory_space<vmem>>, vector<1x16xf32>,
          %swap3A_140 = vector.shape_cast %swap3A_139 : vector<1x16xf32> to vector<16xf32>
          %swap3A_141 = vector.shape_cast %get3A_134 : vector<16xf32> to vector<1x16xf32>
          tpu.vector_store %arg8[%swap3A_137, %swap3A_138], %swap3A_141 {strides = array<i32>} : memref<77x512xf32, #tpu.memory_space<vmem>>, vector<1x16xf32>,
          %get3A_142 = arith.index_cast %scan3A_121 : i32 to index
          %get3A_143 = arith.constant 32 : index
          %get3A_144 = tpu.vector_load %arg10[%get3A_142, %get3A_143] {strides = array<i32>} : memref<16x512xf32, #tpu.memory_space<vmem>>, vector<1x16xf32>,
          %get3A_145 = vector.shape_cast %get3A_144 : vector<1x16xf32> to vector<16xf32>
          %add3A_146 = arith.constant 1 : i32
          %add3A_147 = arith.addi %add3A_146, %scan3A_121 : i32
          %swap3A_148 = arith.index_cast %add3A_147 : i32 to index
          %swap3A_149 = arith.constant 32 : index
          %swap3A_150 = tpu.vector_load %arg8[%swap3A_148, %swap3A_149] {strides = array<i32>} : memref<77x512xf32, #tpu.memory_space<vmem>>, vector<1x16xf32>,
          %swap3A_151 = vector.shape_cast %swap3A_150 : vector<1x16xf32> to vector<16xf32>
          %swap3A_152 = vector.shape_cast %get3A_145 : vector<16xf32> to vector<1x16xf32>
          tpu.vector_store %arg8[%swap3A_148, %swap3A_149], %swap3A_152 {strides = array<i32>} : memref<77x512xf32, #tpu.memory_space<vmem>>, vector<1x16xf32>,
          %get3A_153 = arith.index_cast %scan3A_121 : i32 to index
          %get3A_154 = arith.constant 48 : index
          %get3A_155 = tpu.vector_load %arg10[%get3A_153, %get3A_154] {strides = array<i32>} : memref<16x512xf32, #tpu.memory_space<vmem>>, vector<1x16xf32>,
          %get3A_156 = vector.shape_cast %get3A_155 : vector<1x16xf32> to vector<16xf32>
          %add3A_157 = arith.constant 1 : i32
          %add3A_158 = arith.addi %add3A_157, %scan3A_121 : i32
          %swap3A_159 = arith.index_cast %add3A_158 : i32 to index
          %swap3A_160 = arith.constant 48 : index
          %swap3A_161 = tpu.vector_load %arg8[%swap3A_159, %swap3A_160] {strides = array<i32>} : memref<77x512xf32, #tpu.memory_space<vmem>>, vector<1x16xf32>,
          %swap3A_162 = vector.shape_cast %swap3A_161 : vector<1x16xf32> to vector<16xf32>
          %swap3A_163 = vector.shape_cast %get3A_156 : vector<16xf32> to vector<1x16xf32>
          tpu.vector_store %arg8[%swap3A_159, %swap3A_160], %swap3A_163 {strides = array<i32>} : memref<77x512xf32, #tpu.memory_space<vmem>>, vector<1x16xf32>,
          %get3A_164 = arith.index_cast %scan3A_121 : i32 to index
          %get3A_165 = arith.constant 64 : index
          %get3A_166 = tpu.vector_load %arg10[%get3A_164, %get3A_165] {strides = array<i32>} : memref<16x512xf32, #tpu.memory_space<vmem>>, vector<1x16xf32>,
          %get3A_167 = vector.shape_cast %get3A_166 : vector<1x16xf32> to vector<16xf32>
          %add3A_168 = arith.constant 1 : i32
          %add3A_169 = arith.addi %add3A_168, %scan3A_121 : i32
          %swap3A_170 = arith.index_cast %add3A_169 : i32 to index
          %swap3A_171 = arith.constant 64 : index
          %swap3A_172 = tpu.vector_load %arg8[%swap3A_170, %swap3A_171] {strides = array<i32>} : memref<77x512xf32, #tpu.memory_space<vmem>>, vector<1x16xf32>,
          %swap3A_173 = vector.shape_cast %swap3A_172 : vector<1x16xf32> to vector<16xf32>
          %swap3A_174 = vector.shape_cast %get3A_167 : vector<16xf32> to vector<1x16xf32>
          tpu.vector_store %arg8[%swap3A_170, %swap3A_171], %swap3A_174 {strides = array<i32>} : memref<77x512xf32, #tpu.memory_space<vmem>>, vector<1x16xf32>,
          %get3A_175 = arith.index_cast %scan3A_121 : i32 to index
          %get3A_176 = arith.constant 80 : index
          %get3A_177 = tpu.vector_load %arg10[%get3A_175, %get3A_176] {strides = array<i32>} : memref<16x512xf32, #tpu.memory_space<vmem>>, vector<1x16xf32>,
          %get3A_178 = vector.shape_cast %get3A_177 : vector<1x16xf32> to vector<16xf32>
          %add3A_179 = arith.constant 1 : i32
          %add3A_180 = arith.addi %add3A_179, %scan3A_121 : i32
          %swap3A_181 = arith.index_cast %add3A_180 : i32 to index
          %swap3A_182 = arith.constant 80 : index
          %swap3A_183 = tpu.vector_load %arg8[%swap3A_181, %swap3A_182] {strides = array<i32>} : memref<77x512xf32, #tpu.memory_space<vmem>>, vector<1x16xf32>,
          %swap3A_184 = vector.shape_cast %swap3A_183 : vector<1x16xf32> to vector<16xf32>
          %swap3A_185 = vector.shape_cast %get3A_178 : vector<16xf32> to vector<1x16xf32>
          tpu.vector_store %arg8[%swap3A_181, %swap3A_182], %swap3A_185 {strides = array<i32>} : memref<77x512xf32, #tpu.memory_space<vmem>>, vector<1x16xf32>,
          %get3A_186 = arith.index_cast %scan3A_121 : i32 to index
          %get3A_187 = arith.constant 96 : index
          %get3A_188 = tpu.vector_load %arg10[%get3A_186, %get3A_187] {strides = array<i32>} : memref<16x512xf32, #tpu.memory_space<vmem>>, vector<1x16xf32>,
          %get3A_189 = vector.shape_cast %get3A_188 : vector<1x16xf32> to vector<16xf32>
          %add3A_190 = arith.constant 1 : i32
          %add3A_191 = arith.addi %add3A_190, %scan3A_121 : i32
          %swap3A_192 = arith.index_cast %add3A_191 : i32 to index
          %swap3A_193 = arith.constant 96 : index
          %swap3A_194 = tpu.vector_load %arg8[%swap3A_192, %swap3A_193] {strides = array<i32>} : memref<77x512xf32, #tpu.memory_space<vmem>>, vector<1x16xf32>,
          %swap3A_195 = vector.shape_cast %swap3A_194 : vector<1x16xf32> to vector<16xf32>
          %swap3A_196 = vector.shape_cast %get3A_189 : vector<16xf32> to vector<1x16xf32>
          tpu.vector_store %arg8[%swap3A_192, %swap3A_193], %swap3A_196 {strides = array<i32>} : memref<77x512xf32, #tpu.memory_space<vmem>>, vector<1x16xf32>,
          %get3A_197 = arith.index_cast %scan3A_121 : i32 to index
          %get3A_198 = arith.constant 112 : index
          %get3A_199 = tpu.vector_load %arg10[%get3A_197, %get3A_198] {strides = array<i32>} : memref<16x512xf32, #tpu.memory_space<vmem>>, vector<1x16xf32>,
          %get3A_200 = vector.shape_cast %get3A_199 : vector<1x16xf32> to vector<16xf32>
          %add3A_201 = arith.constant 1 : i32
          %add3A_202 = arith.addi %add3A_201, %scan3A_121 : i32
          %swap3A_203 = arith.index_cast %add3A_202 : i32 to index
          %swap3A_204 = arith.constant 112 : index
          %swap3A_205 = tpu.vector_load %arg8[%swap3A_203, %swap3A_204] {strides = array<i32>} : memref<77x512xf32, #tpu.memory_space<vmem>>, vector<1x16xf32>,
          %swap3A_206 = vector.shape_cast %swap3A_205 : vector<1x16xf32> to vector<16xf32>
          %swap3A_207 = vector.shape_cast %get3A_200 : vector<16xf32> to vector<1x16xf32>
          tpu.vector_store %arg8[%swap3A_203, %swap3A_204], %swap3A_207 {strides = array<i32>} : memref<77x512xf32, #tpu.memory_space<vmem>>, vector<1x16xf32>,
          %get3A_208 = arith.index_cast %scan3A_121 : i32 to index
          %get3A_209 = arith.constant 128 : index
          %get3A_210 = tpu.vector_load %arg10[%get3A_208, %get3A_209] {strides = array<i32>} : memref<16x512xf32, #tpu.memory_space<vmem>>, vector<1x16xf32>,
          %get3A_211 = vector.shape_cast %get3A_210 : vector<1x16xf32> to vector<16xf32>
          %add3A_212 = arith.constant 1 : i32
          %add3A_213 = arith.addi %add3A_212, %scan3A_121 : i32
          %swap3A_214 = arith.index_cast %add3A_213 : i32 to index
          %swap3A_215 = arith.constant 128 : index
          %swap3A_216 = tpu.vector_load %arg8[%swap3A_214, %swap3A_215] {strides = array<i32>} : memref<77x512xf32, #tpu.memory_space<vmem>>, vector<1x16xf32>,
          %swap3A_217 = vector.shape_cast %swap3A_216 : vector<1x16xf32> to vector<16xf32>
          %swap3A_218 = vector.shape_cast %get3A_211 : vector<16xf32> to vector<1x16xf32>
          tpu.vector_store %arg8[%swap3A_214, %swap3A_215], %swap3A_218 {strides = array<i32>} : memref<77x512xf32, #tpu.memory_space<vmem>>, vector<1x16xf32>,
          %get3A_219 = arith.index_cast %scan3A_121 : i32 to index
          %get3A_220 = arith.constant 144 : index
          %get3A_221 = tpu.vector_load %arg10[%get3A_219, %get3A_220] {strides = array<i32>} : memref<16x512xf32, #tpu.memory_space<vmem>>, vector<1x16xf32>,
          %get3A_222 = vector.shape_cast %get3A_221 : vector<1x16xf32> to vector<16xf32>
          %add3A_223 = arith.constant 1 : i32
          %add3A_224 = arith.addi %add3A_223, %scan3A_121 : i32
          %swap3A_225 = arith.index_cast %add3A_224 : i32 to index
          %swap3A_226 = arith.constant 144 : index
          %swap3A_227 = tpu.vector_load %arg8[%swap3A_225, %swap3A_226] {strides = array<i32>} : memref<77x512xf32, #tpu.memory_space<vmem>>, vector<1x16xf32>,
          %swap3A_228 = vector.shape_cast %swap3A_227 : vector<1x16xf32> to vector<16xf32>
          %swap3A_229 = vector.shape_cast %get3A_222 : vector<16xf32> to vector<1x16xf32>
          tpu.vector_store %arg8[%swap3A_225, %swap3A_226], %swap3A_229 {strides = array<i32>} : memref<77x512xf32, #tpu.memory_space<vmem>>, vector<1x16xf32>,
          %get3A_230 = arith.index_cast %scan3A_121 : i32 to index
          %get3A_231 = arith.constant 160 : index
          %get3A_232 = tpu.vector_load %arg10[%get3A_230, %get3A_231] {strides = array<i32>} : memref<16x512xf32, #tpu.memory_space<vmem>>, vector<1x16xf32>,
          %get3A_233 = vector.shape_cast %get3A_232 : vector<1x16xf32> to vector<16xf32>
          %add3A_234 = arith.constant 1 : i32
          %add3A_235 = arith.addi %add3A_234, %scan3A_121 : i32
          %swap3A_236 = arith.index_cast %add3A_235 : i32 to index
          %swap3A_237 = arith.constant 160 : index
          %swap3A_238 = tpu.vector_load %arg8[%swap3A_236, %swap3A_237] {strides = array<i32>} : memref<77x512xf32, #tpu.memory_space<vmem>>, vector<1x16xf32>,
          %swap3A_239 = vector.shape_cast %swap3A_238 : vector<1x16xf32> to vector<16xf32>
          %swap3A_240 = vector.shape_cast %get3A_233 : vector<16xf32> to vector<1x16xf32>
          tpu.vector_store %arg8[%swap3A_236, %swap3A_237], %swap3A_240 {strides = array<i32>} : memref<77x512xf32, #tpu.memory_space<vmem>>, vector<1x16xf32>,
          %get3A_241 = arith.index_cast %scan3A_121 : i32 to index
          %get3A_242 = arith.constant 176 : index
          %get3A_243 = tpu.vector_load %arg10[%get3A_241, %get3A_242] {strides = array<i32>} : memref<16x512xf32, #tpu.memory_space<vmem>>, vector<1x16xf32>,
          %get3A_244 = vector.shape_cast %get3A_243 : vector<1x16xf32> to vector<16xf32>
          %add3A_245 = arith.constant 1 : i32
          %add3A_246 = arith.addi %add3A_245, %scan3A_121 : i32
          %swap3A_247 = arith.index_cast %add3A_246 : i32 to index
          %swap3A_248 = arith.constant 176 : index
          %swap3A_249 = tpu.vector_load %arg8[%swap3A_247, %swap3A_248] {strides = array<i32>} : memref<77x512xf32, #tpu.memory_space<vmem>>, vector<1x16xf32>,
          %swap3A_250 = vector.shape_cast %swap3A_249 : vector<1x16xf32> to vector<16xf32>
          %swap3A_251 = vector.shape_cast %get3A_244 : vector<16xf32> to vector<1x16xf32>
          tpu.vector_store %arg8[%swap3A_247, %swap3A_248], %swap3A_251 {strides = array<i32>} : memref<77x512xf32, #tpu.memory_space<vmem>>, vector<1x16xf32>,
          %get3A_252 = arith.index_cast %scan3A_121 : i32 to index
          %get3A_253 = arith.constant 192 : index
          %get3A_254 = tpu.vector_load %arg10[%get3A_252, %get3A_253] {strides = array<i32>} : memref<16x512xf32, #tpu.memory_space<vmem>>, vector<1x16xf32>,
          %get3A_255 = vector.shape_cast %get3A_254 : vector<1x16xf32> to vector<16xf32>
          %add3A_256 = arith.constant 1 : i32
          %add3A_257 = arith.addi %add3A_256, %scan3A_121 : i32
          %swap3A_258 = arith.index_cast %add3A_257 : i32 to index
          %swap3A_259 = arith.constant 192 : index
          %swap3A_260 = tpu.vector_load %arg8[%swap3A_258, %swap3A_259] {strides = array<i32>} : memref<77x512xf32, #tpu.memory_space<vmem>>, vector<1x16xf32>,
          %swap3A_261 = vector.shape_cast %swap3A_260 : vector<1x16xf32> to vector<16xf32>
          %swap3A_262 = vector.shape_cast %get3A_255 : vector<16xf32> to vector<1x16xf32>
          tpu.vector_store %arg8[%swap3A_258, %swap3A_259], %swap3A_262 {strides = array<i32>} : memref<77x512xf32, #tpu.memory_space<vmem>>, vector<1x16xf32>,
          %get3A_263 = arith.index_cast %scan3A_121 : i32 to index
          %get3A_264 = arith.constant 208 : index
          %get3A_265 = tpu.vector_load %arg10[%get3A_263, %get3A_264] {strides = array<i32>} : memref<16x512xf32, #tpu.memory_space<vmem>>, vector<1x16xf32>,
          %get3A_266 = vector.shape_cast %get3A_265 : vector<1x16xf32> to vector<16xf32>
          %add3A_267 = arith.constant 1 : i32
          %add3A_268 = arith.addi %add3A_267, %scan3A_121 : i32
          %swap3A_269 = arith.index_cast %add3A_268 : i32 to index
          %swap3A_270 = arith.constant 208 : index
          %swap3A_271 = tpu.vector_load %arg8[%swap3A_269, %swap3A_270] {strides = array<i32>} : memref<77x512xf32, #tpu.memory_space<vmem>>, vector<1x16xf32>,
          %swap3A_272 = vector.shape_cast %swap3A_271 : vector<1x16xf32> to vector<16xf32>
          %swap3A_273 = vector.shape_cast %get3A_266 : vector<16xf32> to vector<1x16xf32>
          tpu.vector_store %arg8[%swap3A_269, %swap3A_270], %swap3A_273 {strides = array<i32>} : memref<77x512xf32, #tpu.memory_space<vmem>>, vector<1x16xf32>,
          %get3A_274 = arith.index_cast %scan3A_121 : i32 to index
          %get3A_275 = arith.constant 224 : index
          %get3A_276 = tpu.vector_load %arg10[%get3A_274, %get3A_275] {strides = array<i32>} : memref<16x512xf32, #tpu.memory_space<vmem>>, vector<1x16xf32>,
          %get3A_277 = vector.shape_cast %get3A_276 : vector<1x16xf32> to vector<16xf32>
          %add3A_278 = arith.constant 1 : i32
          %add3A_279 = arith.addi %add3A_278, %scan3A_121 : i32
          %swap3A_280 = arith.index_cast %add3A_279 : i32 to index
          %swap3A_281 = arith.constant 224 : index
          %swap3A_282 = tpu.vector_load %arg8[%swap3A_280, %swap3A_281] {strides = array<i32>} : memref<77x512xf32, #tpu.memory_space<vmem>>, vector<1x16xf32>,
          %swap3A_283 = vector.shape_cast %swap3A_282 : vector<1x16xf32> to vector<16xf32>
          %swap3A_284 = vector.shape_cast %get3A_277 : vector<16xf32> to vector<1x16xf32>
          tpu.vector_store %arg8[%swap3A_280, %swap3A_281], %swap3A_284 {strides = array<i32>} : memref<77x512xf32, #tpu.memory_space<vmem>>, vector<1x16xf32>,
          %get3A_285 = arith.index_cast %scan3A_121 : i32 to index
          %get3A_286 = arith.constant 240 : index
          %get3A_287 = tpu.vector_load %arg10[%get3A_285, %get3A_286] {strides = array<i32>} : memref<16x512xf32, #tpu.memory_space<vmem>>, vector<1x16xf32>,
          %get3A_288 = vector.shape_cast %get3A_287 : vector<1x16xf32> to vector<16xf32>
          %add3A_289 = arith.constant 1 : i32
          %add3A_290 = arith.addi %add3A_289, %scan3A_121 : i32
          %swap3A_291 = arith.index_cast %add3A_290 : i32 to index
          %swap3A_292 = arith.constant 240 : index
          %swap3A_293 = tpu.vector_load %arg8[%swap3A_291, %swap3A_292] {strides = array<i32>} : memref<77x512xf32, #tpu.memory_space<vmem>>, vector<1x16xf32>,
          %swap3A_294 = vector.shape_cast %swap3A_293 : vector<1x16xf32> to vector<16xf32>
          %swap3A_295 = vector.shape_cast %get3A_288 : vector<16xf32> to vector<1x16xf32>
          tpu.vector_store %arg8[%swap3A_291, %swap3A_292], %swap3A_295 {strides = array<i32>} : memref<77x512xf32, #tpu.memory_space<vmem>>, vector<1x16xf32>,
          %get3A_296 = arith.index_cast %scan3A_121 : i32 to index
          %get3A_297 = arith.constant 256 : index
          %get3A_298 = tpu.vector_load %arg10[%get3A_296, %get3A_297] {strides = array<i32>} : memref<16x512xf32, #tpu.memory_space<vmem>>, vector<1x16xf32>,
          %get3A_299 = vector.shape_cast %get3A_298 : vector<1x16xf32> to vector<16xf32>
          %add3A_300 = arith.constant 1 : i32
          %add3A_301 = arith.addi %add3A_300, %scan3A_121 : i32
          %swap3A_302 = arith.index_cast %add3A_301 : i32 to index
          %swap3A_303 = arith.constant 256 : index
          %swap3A_304 = tpu.vector_load %arg8[%swap3A_302, %swap3A_303] {strides = array<i32>} : memref<77x512xf32, #tpu.memory_space<vmem>>, vector<1x16xf32>,
          %swap3A_305 = vector.shape_cast %swap3A_304 : vector<1x16xf32> to vector<16xf32>
          %swap3A_306 = vector.shape_cast %get3A_299 : vector<16xf32> to vector<1x16xf32>
          tpu.vector_store %arg8[%swap3A_302, %swap3A_303], %swap3A_306 {strides = array<i32>} : memref<77x512xf32, #tpu.memory_space<vmem>>, vector<1x16xf32>,
          %get3A_307 = arith.index_cast %scan3A_121 : i32 to index
          %get3A_308 = arith.constant 272 : index
          %get3A_309 = tpu.vector_load %arg10[%get3A_307, %get3A_308] {strides = array<i32>} : memref<16x512xf32, #tpu.memory_space<vmem>>, vector<1x16xf32>,
          %get3A_310 = vector.shape_cast %get3A_309 : vector<1x16xf32> to vector<16xf32>
          %add3A_311 = arith.constant 1 : i32
          %add3A_312 = arith.addi %add3A_311, %scan3A_121 : i32
          %swap3A_313 = arith.index_cast %add3A_312 : i32 to index
          %swap3A_314 = arith.constant 272 : index
          %swap3A_315 = tpu.vector_load %arg8[%swap3A_313, %swap3A_314] {strides = array<i32>} : memref<77x512xf32, #tpu.memory_space<vmem>>, vector<1x16xf32>,
          %swap3A_316 = vector.shape_cast %swap3A_315 : vector<1x16xf32> to vector<16xf32>
          %swap3A_317 = vector.shape_cast %get3A_310 : vector<16xf32> to vector<1x16xf32>
          tpu.vector_store %arg8[%swap3A_313, %swap3A_314], %swap3A_317 {strides = array<i32>} : memref<77x512xf32, #tpu.memory_space<vmem>>, vector<1x16xf32>,
          %get3A_318 = arith.index_cast %scan3A_121 : i32 to index
          %get3A_319 = arith.constant 288 : index
          %get3A_320 = tpu.vector_load %arg10[%get3A_318, %get3A_319] {strides = array<i32>} : memref<16x512xf32, #tpu.memory_space<vmem>>, vector<1x16xf32>,
          %get3A_321 = vector.shape_cast %get3A_320 : vector<1x16xf32> to vector<16xf32>
          %add3A_322 = arith.constant 1 : i32
          %add3A_323 = arith.addi %add3A_322, %scan3A_121 : i32
          %swap3A_324 = arith.index_cast %add3A_323 : i32 to index
          %swap3A_325 = arith.constant 288 : index
          %swap3A_326 = tpu.vector_load %arg8[%swap3A_324, %swap3A_325] {strides = array<i32>} : memref<77x512xf32, #tpu.memory_space<vmem>>, vector<1x16xf32>,
          %swap3A_327 = vector.shape_cast %swap3A_326 : vector<1x16xf32> to vector<16xf32>
          %swap3A_328 = vector.shape_cast %get3A_321 : vector<16xf32> to vector<1x16xf32>
          tpu.vector_store %arg8[%swap3A_324, %swap3A_325], %swap3A_328 {strides = array<i32>} : memref<77x512xf32, #tpu.memory_space<vmem>>, vector<1x16xf32>,
          %get3A_329 = arith.index_cast %scan3A_121 : i32 to index
          %get3A_330 = arith.constant 304 : index
          %get3A_331 = tpu.vector_load %arg10[%get3A_329, %get3A_330] {strides = array<i32>} : memref<16x512xf32, #tpu.memory_space<vmem>>, vector<1x16xf32>,
          %get3A_332 = vector.shape_cast %get3A_331 : vector<1x16xf32> to vector<16xf32>
          %add3A_333 = arith.constant 1 : i32
          %add3A_334 = arith.addi %add3A_333, %scan3A_121 : i32
          %swap3A_335 = arith.index_cast %add3A_334 : i32 to index
          %swap3A_336 = arith.constant 304 : index
          %swap3A_337 = tpu.vector_load %arg8[%swap3A_335, %swap3A_336] {strides = array<i32>} : memref<77x512xf32, #tpu.memory_space<vmem>>, vector<1x16xf32>,
          %swap3A_338 = vector.shape_cast %swap3A_337 : vector<1x16xf32> to vector<16xf32>
          %swap3A_339 = vector.shape_cast %get3A_332 : vector<16xf32> to vector<1x16xf32>
          tpu.vector_store %arg8[%swap3A_335, %swap3A_336], %swap3A_339 {strides = array<i32>} : memref<77x512xf32, #tpu.memory_space<vmem>>, vector<1x16xf32>,
          %get3A_340 = arith.index_cast %scan3A_121 : i32 to index
          %get3A_341 = arith.constant 320 : index
          %get3A_342 = tpu.vector_load %arg10[%get3A_340, %get3A_341] {strides = array<i32>} : memref<16x512xf32, #tpu.memory_space<vmem>>, vector<1x16xf32>,
          %get3A_343 = vector.shape_cast %get3A_342 : vector<1x16xf32> to vector<16xf32>
          %add3A_344 = arith.constant 1 : i32
          %add3A_345 = arith.addi %add3A_344, %scan3A_121 : i32
          %swap3A_346 = arith.index_cast %add3A_345 : i32 to index
          %swap3A_347 = arith.constant 320 : index
          %swap3A_348 = tpu.vector_load %arg8[%swap3A_346, %swap3A_347] {strides = array<i32>} : memref<77x512xf32, #tpu.memory_space<vmem>>, vector<1x16xf32>,
          %swap3A_349 = vector.shape_cast %swap3A_348 : vector<1x16xf32> to vector<16xf32>
          %swap3A_350 = vector.shape_cast %get3A_343 : vector<16xf32> to vector<1x16xf32>
          tpu.vector_store %arg8[%swap3A_346, %swap3A_347], %swap3A_350 {strides = array<i32>} : memref<77x512xf32, #tpu.memory_space<vmem>>, vector<1x16xf32>,
          %get3A_351 = arith.index_cast %scan3A_121 : i32 to index
          %get3A_352 = arith.constant 336 : index
          %get3A_353 = tpu.vector_load %arg10[%get3A_351, %get3A_352] {strides = array<i32>} : memref<16x512xf32, #tpu.memory_space<vmem>>, vector<1x16xf32>,
          %get3A_354 = vector.shape_cast %get3A_353 : vector<1x16xf32> to vector<16xf32>
          %add3A_355 = arith.constant 1 : i32
          %add3A_356 = arith.addi %add3A_355, %scan3A_121 : i32
          %swap3A_357 = arith.index_cast %add3A_356 : i32 to index
          %swap3A_358 = arith.constant 336 : index
          %swap3A_359 = tpu.vector_load %arg8[%swap3A_357, %swap3A_358] {strides = array<i32>} : memref<77x512xf32, #tpu.memory_space<vmem>>, vector<1x16xf32>,
          %swap3A_360 = vector.shape_cast %swap3A_359 : vector<1x16xf32> to vector<16xf32>
          %swap3A_361 = vector.shape_cast %get3A_354 : vector<16xf32> to vector<1x16xf32>
          tpu.vector_store %arg8[%swap3A_357, %swap3A_358], %swap3A_361 {strides = array<i32>} : memref<77x512xf32, #tpu.memory_space<vmem>>, vector<1x16xf32>,
          %get3A_362 = arith.index_cast %scan3A_121 : i32 to index
          %get3A_363 = arith.constant 352 : index
          %get3A_364 = tpu.vector_load %arg10[%get3A_362, %get3A_363] {strides = array<i32>} : memref<16x512xf32, #tpu.memory_space<vmem>>, vector<1x16xf32>,
          %get3A_365 = vector.shape_cast %get3A_364 : vector<1x16xf32> to vector<16xf32>
          %add3A_366 = arith.constant 1 : i32
          %add3A_367 = arith.addi %add3A_366, %scan3A_121 : i32
          %swap3A_368 = arith.index_cast %add3A_367 : i32 to index
          %swap3A_369 = arith.constant 352 : index
          %swap3A_370 = tpu.vector_load %arg8[%swap3A_368, %swap3A_369] {strides = array<i32>} : memref<77x512xf32, #tpu.memory_space<vmem>>, vector<1x16xf32>,
          %swap3A_371 = vector.shape_cast %swap3A_370 : vector<1x16xf32> to vector<16xf32>
          %swap3A_372 = vector.shape_cast %get3A_365 : vector<16xf32> to vector<1x16xf32>
          tpu.vector_store %arg8[%swap3A_368, %swap3A_369], %swap3A_372 {strides = array<i32>} : memref<77x512xf32, #tpu.memory_space<vmem>>, vector<1x16xf32>,
          %get3A_373 = arith.index_cast %scan3A_121 : i32 to index
          %get3A_374 = arith.constant 368 : index
          %get3A_375 = tpu.vector_load %arg10[%get3A_373, %get3A_374] {strides = array<i32>} : memref<16x512xf32, #tpu.memory_space<vmem>>, vector<1x16xf32>,
          %get3A_376 = vector.shape_cast %get3A_375 : vector<1x16xf32> to vector<16xf32>
          %add3A_377 = arith.constant 1 : i32
          %add3A_378 = arith.addi %add3A_377, %scan3A_121 : i32
          %swap3A_379 = arith.index_cast %add3A_378 : i32 to index
          %swap3A_380 = arith.constant 368 : index
          %swap3A_381 = tpu.vector_load %arg8[%swap3A_379, %swap3A_380] {strides = array<i32>} : memref<77x512xf32, #tpu.memory_space<vmem>>, vector<1x16xf32>,
          %swap3A_382 = vector.shape_cast %swap3A_381 : vector<1x16xf32> to vector<16xf32>
          %swap3A_383 = vector.shape_cast %get3A_376 : vector<16xf32> to vector<1x16xf32>
          tpu.vector_store %arg8[%swap3A_379, %swap3A_380], %swap3A_383 {strides = array<i32>} : memref<77x512xf32, #tpu.memory_space<vmem>>, vector<1x16xf32>,
          %get3A_384 = arith.index_cast %scan3A_121 : i32 to index
          %get3A_385 = arith.constant 384 : index
          %get3A_386 = tpu.vector_load %arg10[%get3A_384, %get3A_385] {strides = array<i32>} : memref<16x512xf32, #tpu.memory_space<vmem>>, vector<1x16xf32>,
          %get3A_387 = vector.shape_cast %get3A_386 : vector<1x16xf32> to vector<16xf32>
          %add3A_388 = arith.constant 1 : i32
          %add3A_389 = arith.addi %add3A_388, %scan3A_121 : i32
          %swap3A_390 = arith.index_cast %add3A_389 : i32 to index
          %swap3A_391 = arith.constant 384 : index
          %swap3A_392 = tpu.vector_load %arg8[%swap3A_390, %swap3A_391] {strides = array<i32>} : memref<77x512xf32, #tpu.memory_space<vmem>>, vector<1x16xf32>,
          %swap3A_393 = vector.shape_cast %swap3A_392 : vector<1x16xf32> to vector<16xf32>
          %swap3A_394 = vector.shape_cast %get3A_387 : vector<16xf32> to vector<1x16xf32>
          tpu.vector_store %arg8[%swap3A_390, %swap3A_391], %swap3A_394 {strides = array<i32>} : memref<77x512xf32, #tpu.memory_space<vmem>>, vector<1x16xf32>,
          %get3A_395 = arith.index_cast %scan3A_121 : i32 to index
          %get3A_396 = arith.constant 400 : index
          %get3A_397 = tpu.vector_load %arg10[%get3A_395, %get3A_396] {strides = array<i32>} : memref<16x512xf32, #tpu.memory_space<vmem>>, vector<1x16xf32>,
          %get3A_398 = vector.shape_cast %get3A_397 : vector<1x16xf32> to vector<16xf32>
          %add3A_399 = arith.constant 1 : i32
          %add3A_400 = arith.addi %add3A_399, %scan3A_121 : i32
          %swap3A_401 = arith.index_cast %add3A_400 : i32 to index
          %swap3A_402 = arith.constant 400 : index
          %swap3A_403 = tpu.vector_load %arg8[%swap3A_401, %swap3A_402] {strides = array<i32>} : memref<77x512xf32, #tpu.memory_space<vmem>>, vector<1x16xf32>,
          %swap3A_404 = vector.shape_cast %swap3A_403 : vector<1x16xf32> to vector<16xf32>
          %swap3A_405 = vector.shape_cast %get3A_398 : vector<16xf32> to vector<1x16xf32>
          tpu.vector_store %arg8[%swap3A_401, %swap3A_402], %swap3A_405 {strides = array<i32>} : memref<77x512xf32, #tpu.memory_space<vmem>>, vector<1x16xf32>,
          %get3A_406 = arith.index_cast %scan3A_121 : i32 to index
          %get3A_407 = arith.constant 416 : index
          %get3A_408 = tpu.vector_load %arg10[%get3A_406, %get3A_407] {strides = array<i32>} : memref<16x512xf32, #tpu.memory_space<vmem>>, vector<1x16xf32>,
          %get3A_409 = vector.shape_cast %get3A_408 : vector<1x16xf32> to vector<16xf32>
          %add3A_410 = arith.constant 1 : i32
          %add3A_411 = arith.addi %add3A_410, %scan3A_121 : i32
          %swap3A_412 = arith.index_cast %add3A_411 : i32 to index
          %swap3A_413 = arith.constant 416 : index
          %swap3A_414 = tpu.vector_load %arg8[%swap3A_412, %swap3A_413] {strides = array<i32>} : memref<77x512xf32, #tpu.memory_space<vmem>>, vector<1x16xf32>,
          %swap3A_415 = vector.shape_cast %swap3A_414 : vector<1x16xf32> to vector<16xf32>
          %swap3A_416 = vector.shape_cast %get3A_409 : vector<16xf32> to vector<1x16xf32>
          tpu.vector_store %arg8[%swap3A_412, %swap3A_413], %swap3A_416 {strides = array<i32>} : memref<77x512xf32, #tpu.memory_space<vmem>>, vector<1x16xf32>,
          %get3A_417 = arith.index_cast %scan3A_121 : i32 to index
          %get3A_418 = arith.constant 432 : index
          %get3A_419 = tpu.vector_load %arg10[%get3A_417, %get3A_418] {strides = array<i32>} : memref<16x512xf32, #tpu.memory_space<vmem>>, vector<1x16xf32>,
          %get3A_420 = vector.shape_cast %get3A_419 : vector<1x16xf32> to vector<16xf32>
          %add3A_421 = arith.constant 1 : i32
          %add3A_422 = arith.addi %add3A_421, %scan3A_121 : i32
          %swap3A_423 = arith.index_cast %add3A_422 : i32 to index
          %swap3A_424 = arith.constant 432 : index
          %swap3A_425 = tpu.vector_load %arg8[%swap3A_423, %swap3A_424] {strides = array<i32>} : memref<77x512xf32, #tpu.memory_space<vmem>>, vector<1x16xf32>,
          %swap3A_426 = vector.shape_cast %swap3A_425 : vector<1x16xf32> to vector<16xf32>
          %swap3A_427 = vector.shape_cast %get3A_420 : vector<16xf32> to vector<1x16xf32>
          tpu.vector_store %arg8[%swap3A_423, %swap3A_424], %swap3A_427 {strides = array<i32>} : memref<77x512xf32, #tpu.memory_space<vmem>>, vector<1x16xf32>,
          %get3A_428 = arith.index_cast %scan3A_121 : i32 to index
          %get3A_429 = arith.constant 448 : index
          %get3A_430 = tpu.vector_load %arg10[%get3A_428, %get3A_429] {strides = array<i32>} : memref<16x512xf32, #tpu.memory_space<vmem>>, vector<1x16xf32>,
          %get3A_431 = vector.shape_cast %get3A_430 : vector<1x16xf32> to vector<16xf32>
          %add3A_432 = arith.constant 1 : i32
          %add3A_433 = arith.addi %add3A_432, %scan3A_121 : i32
          %swap3A_434 = arith.index_cast %add3A_433 : i32 to index
          %swap3A_435 = arith.constant 448 : index
          %swap3A_436 = tpu.vector_load %arg8[%swap3A_434, %swap3A_435] {strides = array<i32>} : memref<77x512xf32, #tpu.memory_space<vmem>>, vector<1x16xf32>,
          %swap3A_437 = vector.shape_cast %swap3A_436 : vector<1x16xf32> to vector<16xf32>
          %swap3A_438 = vector.shape_cast %get3A_431 : vector<16xf32> to vector<1x16xf32>
          tpu.vector_store %arg8[%swap3A_434, %swap3A_435], %swap3A_438 {strides = array<i32>} : memref<77x512xf32, #tpu.memory_space<vmem>>, vector<1x16xf32>,
          %get3A_439 = arith.index_cast %scan3A_121 : i32 to index
          %get3A_440 = arith.constant 464 : index
          %get3A_441 = tpu.vector_load %arg10[%get3A_439, %get3A_440] {strides = array<i32>} : memref<16x512xf32, #tpu.memory_space<vmem>>, vector<1x16xf32>,
          %get3A_442 = vector.shape_cast %get3A_441 : vector<1x16xf32> to vector<16xf32>
          %add3A_443 = arith.constant 1 : i32
          %add3A_444 = arith.addi %add3A_443, %scan3A_121 : i32
          %swap3A_445 = arith.index_cast %add3A_444 : i32 to index
          %swap3A_446 = arith.constant 464 : index
          %swap3A_447 = tpu.vector_load %arg8[%swap3A_445, %swap3A_446] {strides = array<i32>} : memref<77x512xf32, #tpu.memory_space<vmem>>, vector<1x16xf32>,
          %swap3A_448 = vector.shape_cast %swap3A_447 : vector<1x16xf32> to vector<16xf32>
          %swap3A_449 = vector.shape_cast %get3A_442 : vector<16xf32> to vector<1x16xf32>
          tpu.vector_store %arg8[%swap3A_445, %swap3A_446], %swap3A_449 {strides = array<i32>} : memref<77x512xf32, #tpu.memory_space<vmem>>, vector<1x16xf32>,
          %get3A_450 = arith.index_cast %scan3A_121 : i32 to index
          %get3A_451 = arith.constant 480 : index
          %get3A_452 = tpu.vector_load %arg10[%get3A_450, %get3A_451] {strides = array<i32>} : memref<16x512xf32, #tpu.memory_space<vmem>>, vector<1x16xf32>,
          %get3A_453 = vector.shape_cast %get3A_452 : vector<1x16xf32> to vector<16xf32>
          %add3A_454 = arith.constant 1 : i32
          %add3A_455 = arith.addi %add3A_454, %scan3A_121 : i32
          %swap3A_456 = arith.index_cast %add3A_455 : i32 to index
          %swap3A_457 = arith.constant 480 : index
          %swap3A_458 = tpu.vector_load %arg8[%swap3A_456, %swap3A_457] {strides = array<i32>} : memref<77x512xf32, #tpu.memory_space<vmem>>, vector<1x16xf32>,
          %swap3A_459 = vector.shape_cast %swap3A_458 : vector<1x16xf32> to vector<16xf32>
          %swap3A_460 = vector.shape_cast %get3A_453 : vector<16xf32> to vector<1x16xf32>
          tpu.vector_store %arg8[%swap3A_456, %swap3A_457], %swap3A_460 {strides = array<i32>} : memref<77x512xf32, #tpu.memory_space<vmem>>, vector<1x16xf32>,
          %get3A_461 = arith.index_cast %scan3A_121 : i32 to index
          %get3A_462 = arith.constant 496 : index
          %get3A_463 = tpu.vector_load %arg10[%get3A_461, %get3A_462] {strides = array<i32>} : memref<16x512xf32, #tpu.memory_space<vmem>>, vector<1x16xf32>,
          %get3A_464 = vector.shape_cast %get3A_463 : vector<1x16xf32> to vector<16xf32>
          %add3A_465 = arith.constant 1 : i32
          %add3A_466 = arith.addi %add3A_465, %scan3A_121 : i32
          %swap3A_467 = arith.index_cast %add3A_466 : i32 to index
          %swap3A_468 = arith.constant 496 : index
          %swap3A_469 = tpu.vector_load %arg8[%swap3A_467, %swap3A_468] {strides = array<i32>} : memref<77x512xf32, #tpu.memory_space<vmem>>, vector<1x16xf32>,
          %swap3A_470 = vector.shape_cast %swap3A_469 : vector<1x16xf32> to vector<16xf32>
          %swap3A_471 = vector.shape_cast %get3A_464 : vector<16xf32> to vector<1x16xf32>
          tpu.vector_store %arg8[%swap3A_467, %swap3A_468], %swap3A_471 {strides = array<i32>} : memref<77x512xf32, #tpu.memory_space<vmem>>, vector<1x16xf32>,
        }
        %scan3A_113 = arith.constant 16 : i32
        %dma_start3A = arith.constant 0 : i32
        %dma_start3A_114 = arith.constant 0 : i32
        %dma_start3A_115 = tpu.memref_slice %arg5[%add3A_24, %dma_start3A, %dma_start3A_114] : memref<1000x77x512xf32, #tpu.memory_space<hbm>> -> memref<1x77x512xf32, #tpu.memory_space<hbm>>
        %dma_start3A_116 = tpu.memref_squeeze %dma_start3A_115 : memref<1x77x512xf32, #tpu.memory_space<hbm>> -> memref<77x512xf32, #tpu.memory_space<hbm>>
        %dma_start3A_117 = arith.constant 0 : i32
        %dma_start3A_118 = arith.constant 0 : i32
        %dma_start3A_119 = tpu.memref_slice %arg5[%add3A_24, %dma_start3A_117, %dma_start3A_118] : memref<1000x77x512xf32, #tpu.memory_space<hbm>> -> memref<1x77x512xf32, #tpu.memory_space<hbm>>
        %dma_start3A_120 = tpu.memref_squeeze %dma_start3A_119 : memref<1x77x512xf32, #tpu.memory_space<hbm>> -> memref<77x512xf32, #tpu.memory_space<hbm>>
        tpu.enqueue_dma source(%arg8 : memref<77x512xf32, #tpu.memory_space<vmem>>) target(%dma_start3A_120 : memref<77x512xf32, #tpu.memory_space<hbm>>) target_semaphore(%arg16 : memref<!tpu.dma_semaphore, #tpu.memory_space<semaphore_mem>>)
      } else {
      }
      %mul3A_30 = arith.constant 32 : i32
      %mul3A_31 = arith.muli %add3A_21, %mul3A_30 : i32
      %add3A_32 = arith.addi %mul3A_31, %add3A : i32
      %lt3A_33 = arith.constant 1000 : i32
      %lt3A_34 = arith.cmpi slt, %add3A_32, %lt3A_33 : i32
      %convert_element_type3A_35 = arith.extui %lt3A_34 : i1 to i32
      %cond3A_36 = arith.constant 0 : i32
      %cond3A_37 = arith.cmpi ne, %convert_element_type3A_35, %cond3A_36 : i32
      scf.if %cond3A_37 {
        %dma_wait3A = arith.constant 0 : i32
        %dma_wait3A_74 = arith.constant 0 : i32
        %dma_wait3A_75 = tpu.memref_slice %arg9[%dma_wait3A, %dma_wait3A_74] : memref<77x512xf32, #tpu.memory_space<vmem>> -> memref<8x512xf32, #tpu.memory_space<vmem>>
        %dma_wait3A_76 = arith.constant 0 : i32
        %dma_wait3A_77 = tpu.memref_slice %arg7[%dma_wait3A_76] : memref<72xi32, #tpu.memory_space<vmem>> -> memref<8xi32, #tpu.memory_space<vmem>>
        %dma_wait3A_78 = arith.constant 0 : i32
        %dma_wait3A_79 = arith.constant 0 : i32
        %dma_wait3A_80 = tpu.memref_slice %arg2[%dma_wait3A_78, %dma_wait3A_79] : memref<49408x512xf32, #tpu.memory_space<hbm>> -> memref<49408x512xf32, #tpu.memory_space<hbm>>
        tpu.wait_indirect_dma semaphore(%arg15 : memref<!tpu.dma_semaphore, #tpu.memory_space<semaphore_mem>>) src(%dma_wait3A_80 : memref<49408x512xf32, #tpu.memory_space<hbm>>) dst(%dma_wait3A_75 : memref<8x512xf32, #tpu.memory_space<vmem>>)
        %dma_wait3A_81 = arith.constant 16 : i32
        %dma_wait3A_82 = arith.constant 0 : i32
        %dma_wait3A_83 = tpu.memref_slice %arg9[%dma_wait3A_81, %dma_wait3A_82] : memref<77x512xf32, #tpu.memory_space<vmem>> -> memref<56x512xf32, #tpu.memory_space<vmem>>
        %dma_wait3A_84 = arith.constant 8 : i32
        %dma_wait3A_85 = tpu.memref_slice %arg7[%dma_wait3A_84] : memref<72xi32, #tpu.memory_space<vmem>> -> memref<56xi32, #tpu.memory_space<vmem>>
        %dma_wait3A_86 = arith.constant 0 : i32
        %dma_wait3A_87 = arith.constant 0 : i32
        %dma_wait3A_88 = tpu.memref_slice %arg2[%dma_wait3A_86, %dma_wait3A_87] : memref<49408x512xf32, #tpu.memory_space<hbm>> -> memref<49408x512xf32, #tpu.memory_space<hbm>>
        tpu.wait_indirect_dma semaphore(%arg15 : memref<!tpu.dma_semaphore, #tpu.memory_space<semaphore_mem>>) src(%dma_wait3A_88 : memref<49408x512xf32, #tpu.memory_space<hbm>>) dst(%dma_wait3A_83 : memref<56x512xf32, #tpu.memory_space<vmem>>)
        %dma_wait3A_89 = arith.constant 64 : i32
        %dma_wait3A_90 = tpu.memref_slice %arg7[%dma_wait3A_89] : memref<72xi32, #tpu.memory_space<vmem>> -> memref<8xi32, #tpu.memory_space<vmem>>
        %dma_wait3A_91 = arith.constant 0 : i32
        %dma_wait3A_92 = arith.constant 0 : i32
        %dma_wait3A_93 = tpu.memref_slice %arg2[%dma_wait3A_91, %dma_wait3A_92] : memref<49408x512xf32, #tpu.memory_space<hbm>> -> memref<49408x512xf32, #tpu.memory_space<hbm>>
        tpu.wait_indirect_dma semaphore(%arg15 : memref<!tpu.dma_semaphore, #tpu.memory_space<semaphore_mem>>) src(%dma_wait3A_93 : memref<49408x512xf32, #tpu.memory_space<hbm>>) dst(%arg13 : memref<8x512xf32, #tpu.memory_space<vmem>>)
        %dma_wait3A_94 = arith.constant 0 : i32
        %dma_wait3A_95 = arith.constant 0 : i32
        %dma_wait3A_96 = tpu.memref_slice %arg3[%add3A_32, %dma_wait3A_94, %dma_wait3A_95] : memref<1000x16x512xf32, #tpu.memory_space<hbm>> -> memref<1x16x512xf32, #tpu.memory_space<hbm>>
        %dma_wait3A_97 = tpu.memref_squeeze %dma_wait3A_96 : memref<1x16x512xf32, #tpu.memory_space<hbm>> -> memref<16x512xf32, #tpu.memory_space<hbm>>
        %dma_wait3A_98 = arith.constant 0 : i32
        %dma_wait3A_99 = arith.constant 0 : i32
        %dma_wait3A_100 = tpu.memref_slice %arg3[%add3A_32, %dma_wait3A_98, %dma_wait3A_99] : memref<1000x16x512xf32, #tpu.memory_space<hbm>> -> memref<1x16x512xf32, #tpu.memory_space<hbm>>
        %dma_wait3A_101 = tpu.memref_squeeze %dma_wait3A_100 : memref<1x16x512xf32, #tpu.memory_space<hbm>> -> memref<16x512xf32, #tpu.memory_space<hbm>>
        tpu.wait_dma2 semaphore(%arg15 : memref<!tpu.dma_semaphore, #tpu.memory_space<semaphore_mem>>) src(%dma_wait3A_101 : memref<16x512xf32, #tpu.memory_space<hbm>>) dst(%arg11 : memref<16x512xf32, #tpu.memory_space<vmem>>)
        %scan3A_102 = arith.constant 0 : i32
        %scan3A_103 = arith.constant 0 : i32
        %scan3A_104 = arith.constant 5 : i32
        %scan3A_105 = arith.addi %scan3A_103, %scan3A_104 : i32
        %scan3A_106 = arith.constant 1 : i32
        scf.for %scan3A_121 = %scan3A_103 to %scan3A_105 step %scan3A_106  : i32 {
          %get3A = arith.index_cast %scan3A_121 : i32 to index
          %get3A_122 = arith.constant 0 : index
          %get3A_123 = tpu.vector_load %arg13[%get3A, %get3A_122] {strides = array<i32>} : memref<8x512xf32, #tpu.memory_space<vmem>>, vector<1x16xf32>,
          %get3A_124 = vector.shape_cast %get3A_123 : vector<1x16xf32> to vector<16xf32>
          %add3A_125 = arith.constant 72 : i32
          %add3A_126 = arith.addi %add3A_125, %scan3A_121 : i32
          %swap3A = arith.index_cast %add3A_126 : i32 to index
          %swap3A_127 = arith.constant 0 : index
          %swap3A_128 = tpu.vector_load %arg9[%swap3A, %swap3A_127] {strides = array<i32>} : memref<77x512xf32, #tpu.memory_space<vmem>>, vector<1x16xf32>,
          %swap3A_129 = vector.shape_cast %swap3A_128 : vector<1x16xf32> to vector<16xf32>
          %swap3A_130 = vector.shape_cast %get3A_124 : vector<16xf32> to vector<1x16xf32>
          tpu.vector_store %arg9[%swap3A, %swap3A_127], %swap3A_130 {strides = array<i32>} : memref<77x512xf32, #tpu.memory_space<vmem>>, vector<1x16xf32>,
          %get3A_131 = arith.index_cast %scan3A_121 : i32 to index
          %get3A_132 = arith.constant 16 : index
          %get3A_133 = tpu.vector_load %arg13[%get3A_131, %get3A_132] {strides = array<i32>} : memref<8x512xf32, #tpu.memory_space<vmem>>, vector<1x16xf32>,
          %get3A_134 = vector.shape_cast %get3A_133 : vector<1x16xf32> to vector<16xf32>
          %add3A_135 = arith.constant 72 : i32
          %add3A_136 = arith.addi %add3A_135, %scan3A_121 : i32
          %swap3A_137 = arith.index_cast %add3A_136 : i32 to index
          %swap3A_138 = arith.constant 16 : index
          %swap3A_139 = tpu.vector_load %arg9[%swap3A_137, %swap3A_138] {strides = array<i32>} : memref<77x512xf32, #tpu.memory_space<vmem>>, vector<1x16xf32>,
          %swap3A_140 = vector.shape_cast %swap3A_139 : vector<1x16xf32> to vector<16xf32>
          %swap3A_141 = vector.shape_cast %get3A_134 : vector<16xf32> to vector<1x16xf32>
          tpu.vector_store %arg9[%swap3A_137, %swap3A_138], %swap3A_141 {strides = array<i32>} : memref<77x512xf32, #tpu.memory_space<vmem>>, vector<1x16xf32>,
          %get3A_142 = arith.index_cast %scan3A_121 : i32 to index
          %get3A_143 = arith.constant 32 : index
          %get3A_144 = tpu.vector_load %arg13[%get3A_142, %get3A_143] {strides = array<i32>} : memref<8x512xf32, #tpu.memory_space<vmem>>, vector<1x16xf32>,
          %get3A_145 = vector.shape_cast %get3A_144 : vector<1x16xf32> to vector<16xf32>
          %add3A_146 = arith.constant 72 : i32
          %add3A_147 = arith.addi %add3A_146, %scan3A_121 : i32
          %swap3A_148 = arith.index_cast %add3A_147 : i32 to index
          %swap3A_149 = arith.constant 32 : index
          %swap3A_150 = tpu.vector_load %arg9[%swap3A_148, %swap3A_149] {strides = array<i32>} : memref<77x512xf32, #tpu.memory_space<vmem>>, vector<1x16xf32>,
          %swap3A_151 = vector.shape_cast %swap3A_150 : vector<1x16xf32> to vector<16xf32>
          %swap3A_152 = vector.shape_cast %get3A_145 : vector<16xf32> to vector<1x16xf32>
          tpu.vector_store %arg9[%swap3A_148, %swap3A_149], %swap3A_152 {strides = array<i32>} : memref<77x512xf32, #tpu.memory_space<vmem>>, vector<1x16xf32>,
          %get3A_153 = arith.index_cast %scan3A_121 : i32 to index
          %get3A_154 = arith.constant 48 : index
          %get3A_155 = tpu.vector_load %arg13[%get3A_153, %get3A_154] {strides = array<i32>} : memref<8x512xf32, #tpu.memory_space<vmem>>, vector<1x16xf32>,
          %get3A_156 = vector.shape_cast %get3A_155 : vector<1x16xf32> to vector<16xf32>
          %add3A_157 = arith.constant 72 : i32
          %add3A_158 = arith.addi %add3A_157, %scan3A_121 : i32
          %swap3A_159 = arith.index_cast %add3A_158 : i32 to index
          %swap3A_160 = arith.constant 48 : index
          %swap3A_161 = tpu.vector_load %arg9[%swap3A_159, %swap3A_160] {strides = array<i32>} : memref<77x512xf32, #tpu.memory_space<vmem>>, vector<1x16xf32>,
          %swap3A_162 = vector.shape_cast %swap3A_161 : vector<1x16xf32> to vector<16xf32>
          %swap3A_163 = vector.shape_cast %get3A_156 : vector<16xf32> to vector<1x16xf32>
          tpu.vector_store %arg9[%swap3A_159, %swap3A_160], %swap3A_163 {strides = array<i32>} : memref<77x512xf32, #tpu.memory_space<vmem>>, vector<1x16xf32>,
          %get3A_164 = arith.index_cast %scan3A_121 : i32 to index
          %get3A_165 = arith.constant 64 : index
          %get3A_166 = tpu.vector_load %arg13[%get3A_164, %get3A_165] {strides = array<i32>} : memref<8x512xf32, #tpu.memory_space<vmem>>, vector<1x16xf32>,
          %get3A_167 = vector.shape_cast %get3A_166 : vector<1x16xf32> to vector<16xf32>
          %add3A_168 = arith.constant 72 : i32
          %add3A_169 = arith.addi %add3A_168, %scan3A_121 : i32
          %swap3A_170 = arith.index_cast %add3A_169 : i32 to index
          %swap3A_171 = arith.constant 64 : index
          %swap3A_172 = tpu.vector_load %arg9[%swap3A_170, %swap3A_171] {strides = array<i32>} : memref<77x512xf32, #tpu.memory_space<vmem>>, vector<1x16xf32>,
          %swap3A_173 = vector.shape_cast %swap3A_172 : vector<1x16xf32> to vector<16xf32>
          %swap3A_174 = vector.shape_cast %get3A_167 : vector<16xf32> to vector<1x16xf32>
          tpu.vector_store %arg9[%swap3A_170, %swap3A_171], %swap3A_174 {strides = array<i32>} : memref<77x512xf32, #tpu.memory_space<vmem>>, vector<1x16xf32>,
          %get3A_175 = arith.index_cast %scan3A_121 : i32 to index
          %get3A_176 = arith.constant 80 : index
          %get3A_177 = tpu.vector_load %arg13[%get3A_175, %get3A_176] {strides = array<i32>} : memref<8x512xf32, #tpu.memory_space<vmem>>, vector<1x16xf32>,
          %get3A_178 = vector.shape_cast %get3A_177 : vector<1x16xf32> to vector<16xf32>
          %add3A_179 = arith.constant 72 : i32
          %add3A_180 = arith.addi %add3A_179, %scan3A_121 : i32
          %swap3A_181 = arith.index_cast %add3A_180 : i32 to index
          %swap3A_182 = arith.constant 80 : index
          %swap3A_183 = tpu.vector_load %arg9[%swap3A_181, %swap3A_182] {strides = array<i32>} : memref<77x512xf32, #tpu.memory_space<vmem>>, vector<1x16xf32>,
          %swap3A_184 = vector.shape_cast %swap3A_183 : vector<1x16xf32> to vector<16xf32>
          %swap3A_185 = vector.shape_cast %get3A_178 : vector<16xf32> to vector<1x16xf32>
          tpu.vector_store %arg9[%swap3A_181, %swap3A_182], %swap3A_185 {strides = array<i32>} : memref<77x512xf32, #tpu.memory_space<vmem>>, vector<1x16xf32>,
          %get3A_186 = arith.index_cast %scan3A_121 : i32 to index
          %get3A_187 = arith.constant 96 : index
          %get3A_188 = tpu.vector_load %arg13[%get3A_186, %get3A_187] {strides = array<i32>} : memref<8x512xf32, #tpu.memory_space<vmem>>, vector<1x16xf32>,
          %get3A_189 = vector.shape_cast %get3A_188 : vector<1x16xf32> to vector<16xf32>
          %add3A_190 = arith.constant 72 : i32
          %add3A_191 = arith.addi %add3A_190, %scan3A_121 : i32
          %swap3A_192 = arith.index_cast %add3A_191 : i32 to index
          %swap3A_193 = arith.constant 96 : index
          %swap3A_194 = tpu.vector_load %arg9[%swap3A_192, %swap3A_193] {strides = array<i32>} : memref<77x512xf32, #tpu.memory_space<vmem>>, vector<1x16xf32>,
          %swap3A_195 = vector.shape_cast %swap3A_194 : vector<1x16xf32> to vector<16xf32>
          %swap3A_196 = vector.shape_cast %get3A_189 : vector<16xf32> to vector<1x16xf32>
          tpu.vector_store %arg9[%swap3A_192, %swap3A_193], %swap3A_196 {strides = array<i32>} : memref<77x512xf32, #tpu.memory_space<vmem>>, vector<1x16xf32>,
          %get3A_197 = arith.index_cast %scan3A_121 : i32 to index
          %get3A_198 = arith.constant 112 : index
          %get3A_199 = tpu.vector_load %arg13[%get3A_197, %get3A_198] {strides = array<i32>} : memref<8x512xf32, #tpu.memory_space<vmem>>, vector<1x16xf32>,
          %get3A_200 = vector.shape_cast %get3A_199 : vector<1x16xf32> to vector<16xf32>
          %add3A_201 = arith.constant 72 : i32
          %add3A_202 = arith.addi %add3A_201, %scan3A_121 : i32
          %swap3A_203 = arith.index_cast %add3A_202 : i32 to index
          %swap3A_204 = arith.constant 112 : index
          %swap3A_205 = tpu.vector_load %arg9[%swap3A_203, %swap3A_204] {strides = array<i32>} : memref<77x512xf32, #tpu.memory_space<vmem>>, vector<1x16xf32>,
          %swap3A_206 = vector.shape_cast %swap3A_205 : vector<1x16xf32> to vector<16xf32>
          %swap3A_207 = vector.shape_cast %get3A_200 : vector<16xf32> to vector<1x16xf32>
          tpu.vector_store %arg9[%swap3A_203, %swap3A_204], %swap3A_207 {strides = array<i32>} : memref<77x512xf32, #tpu.memory_space<vmem>>, vector<1x16xf32>,
          %get3A_208 = arith.index_cast %scan3A_121 : i32 to index
          %get3A_209 = arith.constant 128 : index
          %get3A_210 = tpu.vector_load %arg13[%get3A_208, %get3A_209] {strides = array<i32>} : memref<8x512xf32, #tpu.memory_space<vmem>>, vector<1x16xf32>,
          %get3A_211 = vector.shape_cast %get3A_210 : vector<1x16xf32> to vector<16xf32>
          %add3A_212 = arith.constant 72 : i32
          %add3A_213 = arith.addi %add3A_212, %scan3A_121 : i32
          %swap3A_214 = arith.index_cast %add3A_213 : i32 to index
          %swap3A_215 = arith.constant 128 : index
          %swap3A_216 = tpu.vector_load %arg9[%swap3A_214, %swap3A_215] {strides = array<i32>} : memref<77x512xf32, #tpu.memory_space<vmem>>, vector<1x16xf32>,
          %swap3A_217 = vector.shape_cast %swap3A_216 : vector<1x16xf32> to vector<16xf32>
          %swap3A_218 = vector.shape_cast %get3A_211 : vector<16xf32> to vector<1x16xf32>
          tpu.vector_store %arg9[%swap3A_214, %swap3A_215], %swap3A_218 {strides = array<i32>} : memref<77x512xf32, #tpu.memory_space<vmem>>, vector<1x16xf32>,
          %get3A_219 = arith.index_cast %scan3A_121 : i32 to index
          %get3A_220 = arith.constant 144 : index
          %get3A_221 = tpu.vector_load %arg13[%get3A_219, %get3A_220] {strides = array<i32>} : memref<8x512xf32, #tpu.memory_space<vmem>>, vector<1x16xf32>,
          %get3A_222 = vector.shape_cast %get3A_221 : vector<1x16xf32> to vector<16xf32>
          %add3A_223 = arith.constant 72 : i32
          %add3A_224 = arith.addi %add3A_223, %scan3A_121 : i32
          %swap3A_225 = arith.index_cast %add3A_224 : i32 to index
          %swap3A_226 = arith.constant 144 : index
          %swap3A_227 = tpu.vector_load %arg9[%swap3A_225, %swap3A_226] {strides = array<i32>} : memref<77x512xf32, #tpu.memory_space<vmem>>, vector<1x16xf32>,
          %swap3A_228 = vector.shape_cast %swap3A_227 : vector<1x16xf32> to vector<16xf32>
          %swap3A_229 = vector.shape_cast %get3A_222 : vector<16xf32> to vector<1x16xf32>
          tpu.vector_store %arg9[%swap3A_225, %swap3A_226], %swap3A_229 {strides = array<i32>} : memref<77x512xf32, #tpu.memory_space<vmem>>, vector<1x16xf32>,
          %get3A_230 = arith.index_cast %scan3A_121 : i32 to index
          %get3A_231 = arith.constant 160 : index
          %get3A_232 = tpu.vector_load %arg13[%get3A_230, %get3A_231] {strides = array<i32>} : memref<8x512xf32, #tpu.memory_space<vmem>>, vector<1x16xf32>,
          %get3A_233 = vector.shape_cast %get3A_232 : vector<1x16xf32> to vector<16xf32>
          %add3A_234 = arith.constant 72 : i32
          %add3A_235 = arith.addi %add3A_234, %scan3A_121 : i32
          %swap3A_236 = arith.index_cast %add3A_235 : i32 to index
          %swap3A_237 = arith.constant 160 : index
          %swap3A_238 = tpu.vector_load %arg9[%swap3A_236, %swap3A_237] {strides = array<i32>} : memref<77x512xf32, #tpu.memory_space<vmem>>, vector<1x16xf32>,
          %swap3A_239 = vector.shape_cast %swap3A_238 : vector<1x16xf32> to vector<16xf32>
          %swap3A_240 = vector.shape_cast %get3A_233 : vector<16xf32> to vector<1x16xf32>
          tpu.vector_store %arg9[%swap3A_236, %swap3A_237], %swap3A_240 {strides = array<i32>} : memref<77x512xf32, #tpu.memory_space<vmem>>, vector<1x16xf32>,
          %get3A_241 = arith.index_cast %scan3A_121 : i32 to index
          %get3A_242 = arith.constant 176 : index
          %get3A_243 = tpu.vector_load %arg13[%get3A_241, %get3A_242] {strides = array<i32>} : memref<8x512xf32, #tpu.memory_space<vmem>>, vector<1x16xf32>,
          %get3A_244 = vector.shape_cast %get3A_243 : vector<1x16xf32> to vector<16xf32>
          %add3A_245 = arith.constant 72 : i32
          %add3A_246 = arith.addi %add3A_245, %scan3A_121 : i32
          %swap3A_247 = arith.index_cast %add3A_246 : i32 to index
          %swap3A_248 = arith.constant 176 : index
          %swap3A_249 = tpu.vector_load %arg9[%swap3A_247, %swap3A_248] {strides = array<i32>} : memref<77x512xf32, #tpu.memory_space<vmem>>, vector<1x16xf32>,
          %swap3A_250 = vector.shape_cast %swap3A_249 : vector<1x16xf32> to vector<16xf32>
          %swap3A_251 = vector.shape_cast %get3A_244 : vector<16xf32> to vector<1x16xf32>
          tpu.vector_store %arg9[%swap3A_247, %swap3A_248], %swap3A_251 {strides = array<i32>} : memref<77x512xf32, #tpu.memory_space<vmem>>, vector<1x16xf32>,
          %get3A_252 = arith.index_cast %scan3A_121 : i32 to index
          %get3A_253 = arith.constant 192 : index
          %get3A_254 = tpu.vector_load %arg13[%get3A_252, %get3A_253] {strides = array<i32>} : memref<8x512xf32, #tpu.memory_space<vmem>>, vector<1x16xf32>,
          %get3A_255 = vector.shape_cast %get3A_254 : vector<1x16xf32> to vector<16xf32>
          %add3A_256 = arith.constant 72 : i32
          %add3A_257 = arith.addi %add3A_256, %scan3A_121 : i32
          %swap3A_258 = arith.index_cast %add3A_257 : i32 to index
          %swap3A_259 = arith.constant 192 : index
          %swap3A_260 = tpu.vector_load %arg9[%swap3A_258, %swap3A_259] {strides = array<i32>} : memref<77x512xf32, #tpu.memory_space<vmem>>, vector<1x16xf32>,
          %swap3A_261 = vector.shape_cast %swap3A_260 : vector<1x16xf32> to vector<16xf32>
          %swap3A_262 = vector.shape_cast %get3A_255 : vector<16xf32> to vector<1x16xf32>
          tpu.vector_store %arg9[%swap3A_258, %swap3A_259], %swap3A_262 {strides = array<i32>} : memref<77x512xf32, #tpu.memory_space<vmem>>, vector<1x16xf32>,
          %get3A_263 = arith.index_cast %scan3A_121 : i32 to index
          %get3A_264 = arith.constant 208 : index
          %get3A_265 = tpu.vector_load %arg13[%get3A_263, %get3A_264] {strides = array<i32>} : memref<8x512xf32, #tpu.memory_space<vmem>>, vector<1x16xf32>,
          %get3A_266 = vector.shape_cast %get3A_265 : vector<1x16xf32> to vector<16xf32>
          %add3A_267 = arith.constant 72 : i32
          %add3A_268 = arith.addi %add3A_267, %scan3A_121 : i32
          %swap3A_269 = arith.index_cast %add3A_268 : i32 to index
          %swap3A_270 = arith.constant 208 : index
          %swap3A_271 = tpu.vector_load %arg9[%swap3A_269, %swap3A_270] {strides = array<i32>} : memref<77x512xf32, #tpu.memory_space<vmem>>, vector<1x16xf32>,
          %swap3A_272 = vector.shape_cast %swap3A_271 : vector<1x16xf32> to vector<16xf32>
          %swap3A_273 = vector.shape_cast %get3A_266 : vector<16xf32> to vector<1x16xf32>
          tpu.vector_store %arg9[%swap3A_269, %swap3A_270], %swap3A_273 {strides = array<i32>} : memref<77x512xf32, #tpu.memory_space<vmem>>, vector<1x16xf32>,
          %get3A_274 = arith.index_cast %scan3A_121 : i32 to index
          %get3A_275 = arith.constant 224 : index
          %get3A_276 = tpu.vector_load %arg13[%get3A_274, %get3A_275] {strides = array<i32>} : memref<8x512xf32, #tpu.memory_space<vmem>>, vector<1x16xf32>,
          %get3A_277 = vector.shape_cast %get3A_276 : vector<1x16xf32> to vector<16xf32>
          %add3A_278 = arith.constant 72 : i32
          %add3A_279 = arith.addi %add3A_278, %scan3A_121 : i32
          %swap3A_280 = arith.index_cast %add3A_279 : i32 to index
          %swap3A_281 = arith.constant 224 : index
          %swap3A_282 = tpu.vector_load %arg9[%swap3A_280, %swap3A_281] {strides = array<i32>} : memref<77x512xf32, #tpu.memory_space<vmem>>, vector<1x16xf32>,
          %swap3A_283 = vector.shape_cast %swap3A_282 : vector<1x16xf32> to vector<16xf32>
          %swap3A_284 = vector.shape_cast %get3A_277 : vector<16xf32> to vector<1x16xf32>
          tpu.vector_store %arg9[%swap3A_280, %swap3A_281], %swap3A_284 {strides = array<i32>} : memref<77x512xf32, #tpu.memory_space<vmem>>, vector<1x16xf32>,
          %get3A_285 = arith.index_cast %scan3A_121 : i32 to index
          %get3A_286 = arith.constant 240 : index
          %get3A_287 = tpu.vector_load %arg13[%get3A_285, %get3A_286] {strides = array<i32>} : memref<8x512xf32, #tpu.memory_space<vmem>>, vector<1x16xf32>,
          %get3A_288 = vector.shape_cast %get3A_287 : vector<1x16xf32> to vector<16xf32>
          %add3A_289 = arith.constant 72 : i32
          %add3A_290 = arith.addi %add3A_289, %scan3A_121 : i32
          %swap3A_291 = arith.index_cast %add3A_290 : i32 to index
          %swap3A_292 = arith.constant 240 : index
          %swap3A_293 = tpu.vector_load %arg9[%swap3A_291, %swap3A_292] {strides = array<i32>} : memref<77x512xf32, #tpu.memory_space<vmem>>, vector<1x16xf32>,
          %swap3A_294 = vector.shape_cast %swap3A_293 : vector<1x16xf32> to vector<16xf32>
          %swap3A_295 = vector.shape_cast %get3A_288 : vector<16xf32> to vector<1x16xf32>
          tpu.vector_store %arg9[%swap3A_291, %swap3A_292], %swap3A_295 {strides = array<i32>} : memref<77x512xf32, #tpu.memory_space<vmem>>, vector<1x16xf32>,
          %get3A_296 = arith.index_cast %scan3A_121 : i32 to index
          %get3A_297 = arith.constant 256 : index
          %get3A_298 = tpu.vector_load %arg13[%get3A_296, %get3A_297] {strides = array<i32>} : memref<8x512xf32, #tpu.memory_space<vmem>>, vector<1x16xf32>,
          %get3A_299 = vector.shape_cast %get3A_298 : vector<1x16xf32> to vector<16xf32>
          %add3A_300 = arith.constant 72 : i32
          %add3A_301 = arith.addi %add3A_300, %scan3A_121 : i32
          %swap3A_302 = arith.index_cast %add3A_301 : i32 to index
          %swap3A_303 = arith.constant 256 : index
          %swap3A_304 = tpu.vector_load %arg9[%swap3A_302, %swap3A_303] {strides = array<i32>} : memref<77x512xf32, #tpu.memory_space<vmem>>, vector<1x16xf32>,
          %swap3A_305 = vector.shape_cast %swap3A_304 : vector<1x16xf32> to vector<16xf32>
          %swap3A_306 = vector.shape_cast %get3A_299 : vector<16xf32> to vector<1x16xf32>
          tpu.vector_store %arg9[%swap3A_302, %swap3A_303], %swap3A_306 {strides = array<i32>} : memref<77x512xf32, #tpu.memory_space<vmem>>, vector<1x16xf32>,
          %get3A_307 = arith.index_cast %scan3A_121 : i32 to index
          %get3A_308 = arith.constant 272 : index
          %get3A_309 = tpu.vector_load %arg13[%get3A_307, %get3A_308] {strides = array<i32>} : memref<8x512xf32, #tpu.memory_space<vmem>>, vector<1x16xf32>,
          %get3A_310 = vector.shape_cast %get3A_309 : vector<1x16xf32> to vector<16xf32>
          %add3A_311 = arith.constant 72 : i32
          %add3A_312 = arith.addi %add3A_311, %scan3A_121 : i32
          %swap3A_313 = arith.index_cast %add3A_312 : i32 to index
          %swap3A_314 = arith.constant 272 : index
          %swap3A_315 = tpu.vector_load %arg9[%swap3A_313, %swap3A_314] {strides = array<i32>} : memref<77x512xf32, #tpu.memory_space<vmem>>, vector<1x16xf32>,
          %swap3A_316 = vector.shape_cast %swap3A_315 : vector<1x16xf32> to vector<16xf32>
          %swap3A_317 = vector.shape_cast %get3A_310 : vector<16xf32> to vector<1x16xf32>
          tpu.vector_store %arg9[%swap3A_313, %swap3A_314], %swap3A_317 {strides = array<i32>} : memref<77x512xf32, #tpu.memory_space<vmem>>, vector<1x16xf32>,
          %get3A_318 = arith.index_cast %scan3A_121 : i32 to index
          %get3A_319 = arith.constant 288 : index
          %get3A_320 = tpu.vector_load %arg13[%get3A_318, %get3A_319] {strides = array<i32>} : memref<8x512xf32, #tpu.memory_space<vmem>>, vector<1x16xf32>,
          %get3A_321 = vector.shape_cast %get3A_320 : vector<1x16xf32> to vector<16xf32>
          %add3A_322 = arith.constant 72 : i32
          %add3A_323 = arith.addi %add3A_322, %scan3A_121 : i32
          %swap3A_324 = arith.index_cast %add3A_323 : i32 to index
          %swap3A_325 = arith.constant 288 : index
          %swap3A_326 = tpu.vector_load %arg9[%swap3A_324, %swap3A_325] {strides = array<i32>} : memref<77x512xf32, #tpu.memory_space<vmem>>, vector<1x16xf32>,
          %swap3A_327 = vector.shape_cast %swap3A_326 : vector<1x16xf32> to vector<16xf32>
          %swap3A_328 = vector.shape_cast %get3A_321 : vector<16xf32> to vector<1x16xf32>
          tpu.vector_store %arg9[%swap3A_324, %swap3A_325], %swap3A_328 {strides = array<i32>} : memref<77x512xf32, #tpu.memory_space<vmem>>, vector<1x16xf32>,
          %get3A_329 = arith.index_cast %scan3A_121 : i32 to index
          %get3A_330 = arith.constant 304 : index
          %get3A_331 = tpu.vector_load %arg13[%get3A_329, %get3A_330] {strides = array<i32>} : memref<8x512xf32, #tpu.memory_space<vmem>>, vector<1x16xf32>,
          %get3A_332 = vector.shape_cast %get3A_331 : vector<1x16xf32> to vector<16xf32>
          %add3A_333 = arith.constant 72 : i32
          %add3A_334 = arith.addi %add3A_333, %scan3A_121 : i32
          %swap3A_335 = arith.index_cast %add3A_334 : i32 to index
          %swap3A_336 = arith.constant 304 : index
          %swap3A_337 = tpu.vector_load %arg9[%swap3A_335, %swap3A_336] {strides = array<i32>} : memref<77x512xf32, #tpu.memory_space<vmem>>, vector<1x16xf32>,
          %swap3A_338 = vector.shape_cast %swap3A_337 : vector<1x16xf32> to vector<16xf32>
          %swap3A_339 = vector.shape_cast %get3A_332 : vector<16xf32> to vector<1x16xf32>
          tpu.vector_store %arg9[%swap3A_335, %swap3A_336], %swap3A_339 {strides = array<i32>} : memref<77x512xf32, #tpu.memory_space<vmem>>, vector<1x16xf32>,
          %get3A_340 = arith.index_cast %scan3A_121 : i32 to index
          %get3A_341 = arith.constant 320 : index
          %get3A_342 = tpu.vector_load %arg13[%get3A_340, %get3A_341] {strides = array<i32>} : memref<8x512xf32, #tpu.memory_space<vmem>>, vector<1x16xf32>,
          %get3A_343 = vector.shape_cast %get3A_342 : vector<1x16xf32> to vector<16xf32>
          %add3A_344 = arith.constant 72 : i32
          %add3A_345 = arith.addi %add3A_344, %scan3A_121 : i32
          %swap3A_346 = arith.index_cast %add3A_345 : i32 to index
          %swap3A_347 = arith.constant 320 : index
          %swap3A_348 = tpu.vector_load %arg9[%swap3A_346, %swap3A_347] {strides = array<i32>} : memref<77x512xf32, #tpu.memory_space<vmem>>, vector<1x16xf32>,
          %swap3A_349 = vector.shape_cast %swap3A_348 : vector<1x16xf32> to vector<16xf32>
          %swap3A_350 = vector.shape_cast %get3A_343 : vector<16xf32> to vector<1x16xf32>
          tpu.vector_store %arg9[%swap3A_346, %swap3A_347], %swap3A_350 {strides = array<i32>} : memref<77x512xf32, #tpu.memory_space<vmem>>, vector<1x16xf32>,
          %get3A_351 = arith.index_cast %scan3A_121 : i32 to index
          %get3A_352 = arith.constant 336 : index
          %get3A_353 = tpu.vector_load %arg13[%get3A_351, %get3A_352] {strides = array<i32>} : memref<8x512xf32, #tpu.memory_space<vmem>>, vector<1x16xf32>,
          %get3A_354 = vector.shape_cast %get3A_353 : vector<1x16xf32> to vector<16xf32>
          %add3A_355 = arith.constant 72 : i32
          %add3A_356 = arith.addi %add3A_355, %scan3A_121 : i32
          %swap3A_357 = arith.index_cast %add3A_356 : i32 to index
          %swap3A_358 = arith.constant 336 : index
          %swap3A_359 = tpu.vector_load %arg9[%swap3A_357, %swap3A_358] {strides = array<i32>} : memref<77x512xf32, #tpu.memory_space<vmem>>, vector<1x16xf32>,
          %swap3A_360 = vector.shape_cast %swap3A_359 : vector<1x16xf32> to vector<16xf32>
          %swap3A_361 = vector.shape_cast %get3A_354 : vector<16xf32> to vector<1x16xf32>
          tpu.vector_store %arg9[%swap3A_357, %swap3A_358], %swap3A_361 {strides = array<i32>} : memref<77x512xf32, #tpu.memory_space<vmem>>, vector<1x16xf32>,
          %get3A_362 = arith.index_cast %scan3A_121 : i32 to index
          %get3A_363 = arith.constant 352 : index
          %get3A_364 = tpu.vector_load %arg13[%get3A_362, %get3A_363] {strides = array<i32>} : memref<8x512xf32, #tpu.memory_space<vmem>>, vector<1x16xf32>,
          %get3A_365 = vector.shape_cast %get3A_364 : vector<1x16xf32> to vector<16xf32>
          %add3A_366 = arith.constant 72 : i32
          %add3A_367 = arith.addi %add3A_366, %scan3A_121 : i32
          %swap3A_368 = arith.index_cast %add3A_367 : i32 to index
          %swap3A_369 = arith.constant 352 : index
          %swap3A_370 = tpu.vector_load %arg9[%swap3A_368, %swap3A_369] {strides = array<i32>} : memref<77x512xf32, #tpu.memory_space<vmem>>, vector<1x16xf32>,
          %swap3A_371 = vector.shape_cast %swap3A_370 : vector<1x16xf32> to vector<16xf32>
          %swap3A_372 = vector.shape_cast %get3A_365 : vector<16xf32> to vector<1x16xf32>
          tpu.vector_store %arg9[%swap3A_368, %swap3A_369], %swap3A_372 {strides = array<i32>} : memref<77x512xf32, #tpu.memory_space<vmem>>, vector<1x16xf32>,
          %get3A_373 = arith.index_cast %scan3A_121 : i32 to index
          %get3A_374 = arith.constant 368 : index
          %get3A_375 = tpu.vector_load %arg13[%get3A_373, %get3A_374] {strides = array<i32>} : memref<8x512xf32, #tpu.memory_space<vmem>>, vector<1x16xf32>,
          %get3A_376 = vector.shape_cast %get3A_375 : vector<1x16xf32> to vector<16xf32>
          %add3A_377 = arith.constant 72 : i32
          %add3A_378 = arith.addi %add3A_377, %scan3A_121 : i32
          %swap3A_379 = arith.index_cast %add3A_378 : i32 to index
          %swap3A_380 = arith.constant 368 : index
          %swap3A_381 = tpu.vector_load %arg9[%swap3A_379, %swap3A_380] {strides = array<i32>} : memref<77x512xf32, #tpu.memory_space<vmem>>, vector<1x16xf32>,
          %swap3A_382 = vector.shape_cast %swap3A_381 : vector<1x16xf32> to vector<16xf32>
          %swap3A_383 = vector.shape_cast %get3A_376 : vector<16xf32> to vector<1x16xf32>
          tpu.vector_store %arg9[%swap3A_379, %swap3A_380], %swap3A_383 {strides = array<i32>} : memref<77x512xf32, #tpu.memory_space<vmem>>, vector<1x16xf32>,
          %get3A_384 = arith.index_cast %scan3A_121 : i32 to index
          %get3A_385 = arith.constant 384 : index
          %get3A_386 = tpu.vector_load %arg13[%get3A_384, %get3A_385] {strides = array<i32>} : memref<8x512xf32, #tpu.memory_space<vmem>>, vector<1x16xf32>,
          %get3A_387 = vector.shape_cast %get3A_386 : vector<1x16xf32> to vector<16xf32>
          %add3A_388 = arith.constant 72 : i32
          %add3A_389 = arith.addi %add3A_388, %scan3A_121 : i32
          %swap3A_390 = arith.index_cast %add3A_389 : i32 to index
          %swap3A_391 = arith.constant 384 : index
          %swap3A_392 = tpu.vector_load %arg9[%swap3A_390, %swap3A_391] {strides = array<i32>} : memref<77x512xf32, #tpu.memory_space<vmem>>, vector<1x16xf32>,
          %swap3A_393 = vector.shape_cast %swap3A_392 : vector<1x16xf32> to vector<16xf32>
          %swap3A_394 = vector.shape_cast %get3A_387 : vector<16xf32> to vector<1x16xf32>
          tpu.vector_store %arg9[%swap3A_390, %swap3A_391], %swap3A_394 {strides = array<i32>} : memref<77x512xf32, #tpu.memory_space<vmem>>, vector<1x16xf32>,
          %get3A_395 = arith.index_cast %scan3A_121 : i32 to index
          %get3A_396 = arith.constant 400 : index
          %get3A_397 = tpu.vector_load %arg13[%get3A_395, %get3A_396] {strides = array<i32>} : memref<8x512xf32, #tpu.memory_space<vmem>>, vector<1x16xf32>,
          %get3A_398 = vector.shape_cast %get3A_397 : vector<1x16xf32> to vector<16xf32>
          %add3A_399 = arith.constant 72 : i32
          %add3A_400 = arith.addi %add3A_399, %scan3A_121 : i32
          %swap3A_401 = arith.index_cast %add3A_400 : i32 to index
          %swap3A_402 = arith.constant 400 : index
          %swap3A_403 = tpu.vector_load %arg9[%swap3A_401, %swap3A_402] {strides = array<i32>} : memref<77x512xf32, #tpu.memory_space<vmem>>, vector<1x16xf32>,
          %swap3A_404 = vector.shape_cast %swap3A_403 : vector<1x16xf32> to vector<16xf32>
          %swap3A_405 = vector.shape_cast %get3A_398 : vector<16xf32> to vector<1x16xf32>
          tpu.vector_store %arg9[%swap3A_401, %swap3A_402], %swap3A_405 {strides = array<i32>} : memref<77x512xf32, #tpu.memory_space<vmem>>, vector<1x16xf32>,
          %get3A_406 = arith.index_cast %scan3A_121 : i32 to index
          %get3A_407 = arith.constant 416 : index
          %get3A_408 = tpu.vector_load %arg13[%get3A_406, %get3A_407] {strides = array<i32>} : memref<8x512xf32, #tpu.memory_space<vmem>>, vector<1x16xf32>,
          %get3A_409 = vector.shape_cast %get3A_408 : vector<1x16xf32> to vector<16xf32>
          %add3A_410 = arith.constant 72 : i32
          %add3A_411 = arith.addi %add3A_410, %scan3A_121 : i32
          %swap3A_412 = arith.index_cast %add3A_411 : i32 to index
          %swap3A_413 = arith.constant 416 : index
          %swap3A_414 = tpu.vector_load %arg9[%swap3A_412, %swap3A_413] {strides = array<i32>} : memref<77x512xf32, #tpu.memory_space<vmem>>, vector<1x16xf32>,
          %swap3A_415 = vector.shape_cast %swap3A_414 : vector<1x16xf32> to vector<16xf32>
          %swap3A_416 = vector.shape_cast %get3A_409 : vector<16xf32> to vector<1x16xf32>
          tpu.vector_store %arg9[%swap3A_412, %swap3A_413], %swap3A_416 {strides = array<i32>} : memref<77x512xf32, #tpu.memory_space<vmem>>, vector<1x16xf32>,
          %get3A_417 = arith.index_cast %scan3A_121 : i32 to index
          %get3A_418 = arith.constant 432 : index
          %get3A_419 = tpu.vector_load %arg13[%get3A_417, %get3A_418] {strides = array<i32>} : memref<8x512xf32, #tpu.memory_space<vmem>>, vector<1x16xf32>,
          %get3A_420 = vector.shape_cast %get3A_419 : vector<1x16xf32> to vector<16xf32>
          %add3A_421 = arith.constant 72 : i32
          %add3A_422 = arith.addi %add3A_421, %scan3A_121 : i32
          %swap3A_423 = arith.index_cast %add3A_422 : i32 to index
          %swap3A_424 = arith.constant 432 : index
          %swap3A_425 = tpu.vector_load %arg9[%swap3A_423, %swap3A_424] {strides = array<i32>} : memref<77x512xf32, #tpu.memory_space<vmem>>, vector<1x16xf32>,
          %swap3A_426 = vector.shape_cast %swap3A_425 : vector<1x16xf32> to vector<16xf32>
          %swap3A_427 = vector.shape_cast %get3A_420 : vector<16xf32> to vector<1x16xf32>
          tpu.vector_store %arg9[%swap3A_423, %swap3A_424], %swap3A_427 {strides = array<i32>} : memref<77x512xf32, #tpu.memory_space<vmem>>, vector<1x16xf32>,
          %get3A_428 = arith.index_cast %scan3A_121 : i32 to index
          %get3A_429 = arith.constant 448 : index
          %get3A_430 = tpu.vector_load %arg13[%get3A_428, %get3A_429] {strides = array<i32>} : memref<8x512xf32, #tpu.memory_space<vmem>>, vector<1x16xf32>,
          %get3A_431 = vector.shape_cast %get3A_430 : vector<1x16xf32> to vector<16xf32>
          %add3A_432 = arith.constant 72 : i32
          %add3A_433 = arith.addi %add3A_432, %scan3A_121 : i32
          %swap3A_434 = arith.index_cast %add3A_433 : i32 to index
          %swap3A_435 = arith.constant 448 : index
          %swap3A_436 = tpu.vector_load %arg9[%swap3A_434, %swap3A_435] {strides = array<i32>} : memref<77x512xf32, #tpu.memory_space<vmem>>, vector<1x16xf32>,
          %swap3A_437 = vector.shape_cast %swap3A_436 : vector<1x16xf32> to vector<16xf32>
          %swap3A_438 = vector.shape_cast %get3A_431 : vector<16xf32> to vector<1x16xf32>
          tpu.vector_store %arg9[%swap3A_434, %swap3A_435], %swap3A_438 {strides = array<i32>} : memref<77x512xf32, #tpu.memory_space<vmem>>, vector<1x16xf32>,
          %get3A_439 = arith.index_cast %scan3A_121 : i32 to index
          %get3A_440 = arith.constant 464 : index
          %get3A_441 = tpu.vector_load %arg13[%get3A_439, %get3A_440] {strides = array<i32>} : memref<8x512xf32, #tpu.memory_space<vmem>>, vector<1x16xf32>,
          %get3A_442 = vector.shape_cast %get3A_441 : vector<1x16xf32> to vector<16xf32>
          %add3A_443 = arith.constant 72 : i32
          %add3A_444 = arith.addi %add3A_443, %scan3A_121 : i32
          %swap3A_445 = arith.index_cast %add3A_444 : i32 to index
          %swap3A_446 = arith.constant 464 : index
          %swap3A_447 = tpu.vector_load %arg9[%swap3A_445, %swap3A_446] {strides = array<i32>} : memref<77x512xf32, #tpu.memory_space<vmem>>, vector<1x16xf32>,
          %swap3A_448 = vector.shape_cast %swap3A_447 : vector<1x16xf32> to vector<16xf32>
          %swap3A_449 = vector.shape_cast %get3A_442 : vector<16xf32> to vector<1x16xf32>
          tpu.vector_store %arg9[%swap3A_445, %swap3A_446], %swap3A_449 {strides = array<i32>} : memref<77x512xf32, #tpu.memory_space<vmem>>, vector<1x16xf32>,
          %get3A_450 = arith.index_cast %scan3A_121 : i32 to index
          %get3A_451 = arith.constant 480 : index
          %get3A_452 = tpu.vector_load %arg13[%get3A_450, %get3A_451] {strides = array<i32>} : memref<8x512xf32, #tpu.memory_space<vmem>>, vector<1x16xf32>,
          %get3A_453 = vector.shape_cast %get3A_452 : vector<1x16xf32> to vector<16xf32>
          %add3A_454 = arith.constant 72 : i32
          %add3A_455 = arith.addi %add3A_454, %scan3A_121 : i32
          %swap3A_456 = arith.index_cast %add3A_455 : i32 to index
          %swap3A_457 = arith.constant 480 : index
          %swap3A_458 = tpu.vector_load %arg9[%swap3A_456, %swap3A_457] {strides = array<i32>} : memref<77x512xf32, #tpu.memory_space<vmem>>, vector<1x16xf32>,
          %swap3A_459 = vector.shape_cast %swap3A_458 : vector<1x16xf32> to vector<16xf32>
          %swap3A_460 = vector.shape_cast %get3A_453 : vector<16xf32> to vector<1x16xf32>
          tpu.vector_store %arg9[%swap3A_456, %swap3A_457], %swap3A_460 {strides = array<i32>} : memref<77x512xf32, #tpu.memory_space<vmem>>, vector<1x16xf32>,
          %get3A_461 = arith.index_cast %scan3A_121 : i32 to index
          %get3A_462 = arith.constant 496 : index
          %get3A_463 = tpu.vector_load %arg13[%get3A_461, %get3A_462] {strides = array<i32>} : memref<8x512xf32, #tpu.memory_space<vmem>>, vector<1x16xf32>,
          %get3A_464 = vector.shape_cast %get3A_463 : vector<1x16xf32> to vector<16xf32>
          %add3A_465 = arith.constant 72 : i32
          %add3A_466 = arith.addi %add3A_465, %scan3A_121 : i32
          %swap3A_467 = arith.index_cast %add3A_466 : i32 to index
          %swap3A_468 = arith.constant 496 : index
          %swap3A_469 = tpu.vector_load %arg9[%swap3A_467, %swap3A_468] {strides = array<i32>} : memref<77x512xf32, #tpu.memory_space<vmem>>, vector<1x16xf32>,
          %swap3A_470 = vector.shape_cast %swap3A_469 : vector<1x16xf32> to vector<16xf32>
          %swap3A_471 = vector.shape_cast %get3A_464 : vector<16xf32> to vector<1x16xf32>
          tpu.vector_store %arg9[%swap3A_467, %swap3A_468], %swap3A_471 {strides = array<i32>} : memref<77x512xf32, #tpu.memory_space<vmem>>, vector<1x16xf32>,
        }
        %scan3A_107 = arith.constant 5 : i32
        %scan3A_108 = arith.constant 0 : i32
        %scan3A_109 = arith.constant 0 : i32
        %scan3A_110 = arith.constant 16 : i32
        %scan3A_111 = arith.addi %scan3A_109, %scan3A_110 : i32
        %scan3A_112 = arith.constant 1 : i32
        scf.for %scan3A_121 = %scan3A_109 to %scan3A_111 step %scan3A_112  : i32 {
          %get3A = arith.index_cast %scan3A_121 : i32 to index
          %get3A_122 = arith.constant 0 : index
          %get3A_123 = tpu.vector_load %arg11[%get3A, %get3A_122] {strides = array<i32>} : memref<16x512xf32, #tpu.memory_space<vmem>>, vector<1x16xf32>,
          %get3A_124 = vector.shape_cast %get3A_123 : vector<1x16xf32> to vector<16xf32>
          %add3A_125 = arith.constant 1 : i32
          %add3A_126 = arith.addi %add3A_125, %scan3A_121 : i32
          %swap3A = arith.index_cast %add3A_126 : i32 to index
          %swap3A_127 = arith.constant 0 : index
          %swap3A_128 = tpu.vector_load %arg9[%swap3A, %swap3A_127] {strides = array<i32>} : memref<77x512xf32, #tpu.memory_space<vmem>>, vector<1x16xf32>,
          %swap3A_129 = vector.shape_cast %swap3A_128 : vector<1x16xf32> to vector<16xf32>
          %swap3A_130 = vector.shape_cast %get3A_124 : vector<16xf32> to vector<1x16xf32>
          tpu.vector_store %arg9[%swap3A, %swap3A_127], %swap3A_130 {strides = array<i32>} : memref<77x512xf32, #tpu.memory_space<vmem>>, vector<1x16xf32>,
          %get3A_131 = arith.index_cast %scan3A_121 : i32 to index
          %get3A_132 = arith.constant 16 : index
          %get3A_133 = tpu.vector_load %arg11[%get3A_131, %get3A_132] {strides = array<i32>} : memref<16x512xf32, #tpu.memory_space<vmem>>, vector<1x16xf32>,
          %get3A_134 = vector.shape_cast %get3A_133 : vector<1x16xf32> to vector<16xf32>
          %add3A_135 = arith.constant 1 : i32
          %add3A_136 = arith.addi %add3A_135, %scan3A_121 : i32
          %swap3A_137 = arith.index_cast %add3A_136 : i32 to index
          %swap3A_138 = arith.constant 16 : index
          %swap3A_139 = tpu.vector_load %arg9[%swap3A_137, %swap3A_138] {strides = array<i32>} : memref<77x512xf32, #tpu.memory_space<vmem>>, vector<1x16xf32>,
          %swap3A_140 = vector.shape_cast %swap3A_139 : vector<1x16xf32> to vector<16xf32>
          %swap3A_141 = vector.shape_cast %get3A_134 : vector<16xf32> to vector<1x16xf32>
          tpu.vector_store %arg9[%swap3A_137, %swap3A_138], %swap3A_141 {strides = array<i32>} : memref<77x512xf32, #tpu.memory_space<vmem>>, vector<1x16xf32>,
          %get3A_142 = arith.index_cast %scan3A_121 : i32 to index
          %get3A_143 = arith.constant 32 : index
          %get3A_144 = tpu.vector_load %arg11[%get3A_142, %get3A_143] {strides = array<i32>} : memref<16x512xf32, #tpu.memory_space<vmem>>, vector<1x16xf32>,
          %get3A_145 = vector.shape_cast %get3A_144 : vector<1x16xf32> to vector<16xf32>
          %add3A_146 = arith.constant 1 : i32
          %add3A_147 = arith.addi %add3A_146, %scan3A_121 : i32
          %swap3A_148 = arith.index_cast %add3A_147 : i32 to index
          %swap3A_149 = arith.constant 32 : index
          %swap3A_150 = tpu.vector_load %arg9[%swap3A_148, %swap3A_149] {strides = array<i32>} : memref<77x512xf32, #tpu.memory_space<vmem>>, vector<1x16xf32>,
          %swap3A_151 = vector.shape_cast %swap3A_150 : vector<1x16xf32> to vector<16xf32>
          %swap3A_152 = vector.shape_cast %get3A_145 : vector<16xf32> to vector<1x16xf32>
          tpu.vector_store %arg9[%swap3A_148, %swap3A_149], %swap3A_152 {strides = array<i32>} : memref<77x512xf32, #tpu.memory_space<vmem>>, vector<1x16xf32>,
          %get3A_153 = arith.index_cast %scan3A_121 : i32 to index
          %get3A_154 = arith.constant 48 : index
          %get3A_155 = tpu.vector_load %arg11[%get3A_153, %get3A_154] {strides = array<i32>} : memref<16x512xf32, #tpu.memory_space<vmem>>, vector<1x16xf32>,
          %get3A_156 = vector.shape_cast %get3A_155 : vector<1x16xf32> to vector<16xf32>
          %add3A_157 = arith.constant 1 : i32
          %add3A_158 = arith.addi %add3A_157, %scan3A_121 : i32
          %swap3A_159 = arith.index_cast %add3A_158 : i32 to index
          %swap3A_160 = arith.constant 48 : index
          %swap3A_161 = tpu.vector_load %arg9[%swap3A_159, %swap3A_160] {strides = array<i32>} : memref<77x512xf32, #tpu.memory_space<vmem>>, vector<1x16xf32>,
          %swap3A_162 = vector.shape_cast %swap3A_161 : vector<1x16xf32> to vector<16xf32>
          %swap3A_163 = vector.shape_cast %get3A_156 : vector<16xf32> to vector<1x16xf32>
          tpu.vector_store %arg9[%swap3A_159, %swap3A_160], %swap3A_163 {strides = array<i32>} : memref<77x512xf32, #tpu.memory_space<vmem>>, vector<1x16xf32>,
          %get3A_164 = arith.index_cast %scan3A_121 : i32 to index
          %get3A_165 = arith.constant 64 : index
          %get3A_166 = tpu.vector_load %arg11[%get3A_164, %get3A_165] {strides = array<i32>} : memref<16x512xf32, #tpu.memory_space<vmem>>, vector<1x16xf32>,
          %get3A_167 = vector.shape_cast %get3A_166 : vector<1x16xf32> to vector<16xf32>
          %add3A_168 = arith.constant 1 : i32
          %add3A_169 = arith.addi %add3A_168, %scan3A_121 : i32
          %swap3A_170 = arith.index_cast %add3A_169 : i32 to index
          %swap3A_171 = arith.constant 64 : index
          %swap3A_172 = tpu.vector_load %arg9[%swap3A_170, %swap3A_171] {strides = array<i32>} : memref<77x512xf32, #tpu.memory_space<vmem>>, vector<1x16xf32>,
          %swap3A_173 = vector.shape_cast %swap3A_172 : vector<1x16xf32> to vector<16xf32>
          %swap3A_174 = vector.shape_cast %get3A_167 : vector<16xf32> to vector<1x16xf32>
          tpu.vector_store %arg9[%swap3A_170, %swap3A_171], %swap3A_174 {strides = array<i32>} : memref<77x512xf32, #tpu.memory_space<vmem>>, vector<1x16xf32>,
          %get3A_175 = arith.index_cast %scan3A_121 : i32 to index
          %get3A_176 = arith.constant 80 : index
          %get3A_177 = tpu.vector_load %arg11[%get3A_175, %get3A_176] {strides = array<i32>} : memref<16x512xf32, #tpu.memory_space<vmem>>, vector<1x16xf32>,
          %get3A_178 = vector.shape_cast %get3A_177 : vector<1x16xf32> to vector<16xf32>
          %add3A_179 = arith.constant 1 : i32
          %add3A_180 = arith.addi %add3A_179, %scan3A_121 : i32
          %swap3A_181 = arith.index_cast %add3A_180 : i32 to index
          %swap3A_182 = arith.constant 80 : index
          %swap3A_183 = tpu.vector_load %arg9[%swap3A_181, %swap3A_182] {strides = array<i32>} : memref<77x512xf32, #tpu.memory_space<vmem>>, vector<1x16xf32>,
          %swap3A_184 = vector.shape_cast %swap3A_183 : vector<1x16xf32> to vector<16xf32>
          %swap3A_185 = vector.shape_cast %get3A_178 : vector<16xf32> to vector<1x16xf32>
          tpu.vector_store %arg9[%swap3A_181, %swap3A_182], %swap3A_185 {strides = array<i32>} : memref<77x512xf32, #tpu.memory_space<vmem>>, vector<1x16xf32>,
          %get3A_186 = arith.index_cast %scan3A_121 : i32 to index
          %get3A_187 = arith.constant 96 : index
          %get3A_188 = tpu.vector_load %arg11[%get3A_186, %get3A_187] {strides = array<i32>} : memref<16x512xf32, #tpu.memory_space<vmem>>, vector<1x16xf32>,
          %get3A_189 = vector.shape_cast %get3A_188 : vector<1x16xf32> to vector<16xf32>
          %add3A_190 = arith.constant 1 : i32
          %add3A_191 = arith.addi %add3A_190, %scan3A_121 : i32
          %swap3A_192 = arith.index_cast %add3A_191 : i32 to index
          %swap3A_193 = arith.constant 96 : index
          %swap3A_194 = tpu.vector_load %arg9[%swap3A_192, %swap3A_193] {strides = array<i32>} : memref<77x512xf32, #tpu.memory_space<vmem>>, vector<1x16xf32>,
          %swap3A_195 = vector.shape_cast %swap3A_194 : vector<1x16xf32> to vector<16xf32>
          %swap3A_196 = vector.shape_cast %get3A_189 : vector<16xf32> to vector<1x16xf32>
          tpu.vector_store %arg9[%swap3A_192, %swap3A_193], %swap3A_196 {strides = array<i32>} : memref<77x512xf32, #tpu.memory_space<vmem>>, vector<1x16xf32>,
          %get3A_197 = arith.index_cast %scan3A_121 : i32 to index
          %get3A_198 = arith.constant 112 : index
          %get3A_199 = tpu.vector_load %arg11[%get3A_197, %get3A_198] {strides = array<i32>} : memref<16x512xf32, #tpu.memory_space<vmem>>, vector<1x16xf32>,
          %get3A_200 = vector.shape_cast %get3A_199 : vector<1x16xf32> to vector<16xf32>
          %add3A_201 = arith.constant 1 : i32
          %add3A_202 = arith.addi %add3A_201, %scan3A_121 : i32
          %swap3A_203 = arith.index_cast %add3A_202 : i32 to index
          %swap3A_204 = arith.constant 112 : index
          %swap3A_205 = tpu.vector_load %arg9[%swap3A_203, %swap3A_204] {strides = array<i32>} : memref<77x512xf32, #tpu.memory_space<vmem>>, vector<1x16xf32>,
          %swap3A_206 = vector.shape_cast %swap3A_205 : vector<1x16xf32> to vector<16xf32>
          %swap3A_207 = vector.shape_cast %get3A_200 : vector<16xf32> to vector<1x16xf32>
          tpu.vector_store %arg9[%swap3A_203, %swap3A_204], %swap3A_207 {strides = array<i32>} : memref<77x512xf32, #tpu.memory_space<vmem>>, vector<1x16xf32>,
          %get3A_208 = arith.index_cast %scan3A_121 : i32 to index
          %get3A_209 = arith.constant 128 : index
          %get3A_210 = tpu.vector_load %arg11[%get3A_208, %get3A_209] {strides = array<i32>} : memref<16x512xf32, #tpu.memory_space<vmem>>, vector<1x16xf32>,
          %get3A_211 = vector.shape_cast %get3A_210 : vector<1x16xf32> to vector<16xf32>
          %add3A_212 = arith.constant 1 : i32
          %add3A_213 = arith.addi %add3A_212, %scan3A_121 : i32
          %swap3A_214 = arith.index_cast %add3A_213 : i32 to index
          %swap3A_215 = arith.constant 128 : index
          %swap3A_216 = tpu.vector_load %arg9[%swap3A_214, %swap3A_215] {strides = array<i32>} : memref<77x512xf32, #tpu.memory_space<vmem>>, vector<1x16xf32>,
          %swap3A_217 = vector.shape_cast %swap3A_216 : vector<1x16xf32> to vector<16xf32>
          %swap3A_218 = vector.shape_cast %get3A_211 : vector<16xf32> to vector<1x16xf32>
          tpu.vector_store %arg9[%swap3A_214, %swap3A_215], %swap3A_218 {strides = array<i32>} : memref<77x512xf32, #tpu.memory_space<vmem>>, vector<1x16xf32>,
          %get3A_219 = arith.index_cast %scan3A_121 : i32 to index
          %get3A_220 = arith.constant 144 : index
          %get3A_221 = tpu.vector_load %arg11[%get3A_219, %get3A_220] {strides = array<i32>} : memref<16x512xf32, #tpu.memory_space<vmem>>, vector<1x16xf32>,
          %get3A_222 = vector.shape_cast %get3A_221 : vector<1x16xf32> to vector<16xf32>
          %add3A_223 = arith.constant 1 : i32
          %add3A_224 = arith.addi %add3A_223, %scan3A_121 : i32
          %swap3A_225 = arith.index_cast %add3A_224 : i32 to index
          %swap3A_226 = arith.constant 144 : index
          %swap3A_227 = tpu.vector_load %arg9[%swap3A_225, %swap3A_226] {strides = array<i32>} : memref<77x512xf32, #tpu.memory_space<vmem>>, vector<1x16xf32>,
          %swap3A_228 = vector.shape_cast %swap3A_227 : vector<1x16xf32> to vector<16xf32>
          %swap3A_229 = vector.shape_cast %get3A_222 : vector<16xf32> to vector<1x16xf32>
          tpu.vector_store %arg9[%swap3A_225, %swap3A_226], %swap3A_229 {strides = array<i32>} : memref<77x512xf32, #tpu.memory_space<vmem>>, vector<1x16xf32>,
          %get3A_230 = arith.index_cast %scan3A_121 : i32 to index
          %get3A_231 = arith.constant 160 : index
          %get3A_232 = tpu.vector_load %arg11[%get3A_230, %get3A_231] {strides = array<i32>} : memref<16x512xf32, #tpu.memory_space<vmem>>, vector<1x16xf32>,
          %get3A_233 = vector.shape_cast %get3A_232 : vector<1x16xf32> to vector<16xf32>
          %add3A_234 = arith.constant 1 : i32
          %add3A_235 = arith.addi %add3A_234, %scan3A_121 : i32
          %swap3A_236 = arith.index_cast %add3A_235 : i32 to index
          %swap3A_237 = arith.constant 160 : index
          %swap3A_238 = tpu.vector_load %arg9[%swap3A_236, %swap3A_237] {strides = array<i32>} : memref<77x512xf32, #tpu.memory_space<vmem>>, vector<1x16xf32>,
          %swap3A_239 = vector.shape_cast %swap3A_238 : vector<1x16xf32> to vector<16xf32>
          %swap3A_240 = vector.shape_cast %get3A_233 : vector<16xf32> to vector<1x16xf32>
          tpu.vector_store %arg9[%swap3A_236, %swap3A_237], %swap3A_240 {strides = array<i32>} : memref<77x512xf32, #tpu.memory_space<vmem>>, vector<1x16xf32>,
          %get3A_241 = arith.index_cast %scan3A_121 : i32 to index
          %get3A_242 = arith.constant 176 : index
          %get3A_243 = tpu.vector_load %arg11[%get3A_241, %get3A_242] {strides = array<i32>} : memref<16x512xf32, #tpu.memory_space<vmem>>, vector<1x16xf32>,
          %get3A_244 = vector.shape_cast %get3A_243 : vector<1x16xf32> to vector<16xf32>
          %add3A_245 = arith.constant 1 : i32
          %add3A_246 = arith.addi %add3A_245, %scan3A_121 : i32
          %swap3A_247 = arith.index_cast %add3A_246 : i32 to index
          %swap3A_248 = arith.constant 176 : index
          %swap3A_249 = tpu.vector_load %arg9[%swap3A_247, %swap3A_248] {strides = array<i32>} : memref<77x512xf32, #tpu.memory_space<vmem>>, vector<1x16xf32>,
          %swap3A_250 = vector.shape_cast %swap3A_249 : vector<1x16xf32> to vector<16xf32>
          %swap3A_251 = vector.shape_cast %get3A_244 : vector<16xf32> to vector<1x16xf32>
          tpu.vector_store %arg9[%swap3A_247, %swap3A_248], %swap3A_251 {strides = array<i32>} : memref<77x512xf32, #tpu.memory_space<vmem>>, vector<1x16xf32>,
          %get3A_252 = arith.index_cast %scan3A_121 : i32 to index
          %get3A_253 = arith.constant 192 : index
          %get3A_254 = tpu.vector_load %arg11[%get3A_252, %get3A_253] {strides = array<i32>} : memref<16x512xf32, #tpu.memory_space<vmem>>, vector<1x16xf32>,
          %get3A_255 = vector.shape_cast %get3A_254 : vector<1x16xf32> to vector<16xf32>
          %add3A_256 = arith.constant 1 : i32
          %add3A_257 = arith.addi %add3A_256, %scan3A_121 : i32
          %swap3A_258 = arith.index_cast %add3A_257 : i32 to index
          %swap3A_259 = arith.constant 192 : index
          %swap3A_260 = tpu.vector_load %arg9[%swap3A_258, %swap3A_259] {strides = array<i32>} : memref<77x512xf32, #tpu.memory_space<vmem>>, vector<1x16xf32>,
          %swap3A_261 = vector.shape_cast %swap3A_260 : vector<1x16xf32> to vector<16xf32>
          %swap3A_262 = vector.shape_cast %get3A_255 : vector<16xf32> to vector<1x16xf32>
          tpu.vector_store %arg9[%swap3A_258, %swap3A_259], %swap3A_262 {strides = array<i32>} : memref<77x512xf32, #tpu.memory_space<vmem>>, vector<1x16xf32>,
          %get3A_263 = arith.index_cast %scan3A_121 : i32 to index
          %get3A_264 = arith.constant 208 : index
          %get3A_265 = tpu.vector_load %arg11[%get3A_263, %get3A_264] {strides = array<i32>} : memref<16x512xf32, #tpu.memory_space<vmem>>, vector<1x16xf32>,
          %get3A_266 = vector.shape_cast %get3A_265 : vector<1x16xf32> to vector<16xf32>
          %add3A_267 = arith.constant 1 : i32
          %add3A_268 = arith.addi %add3A_267, %scan3A_121 : i32
          %swap3A_269 = arith.index_cast %add3A_268 : i32 to index
          %swap3A_270 = arith.constant 208 : index
          %swap3A_271 = tpu.vector_load %arg9[%swap3A_269, %swap3A_270] {strides = array<i32>} : memref<77x512xf32, #tpu.memory_space<vmem>>, vector<1x16xf32>,
          %swap3A_272 = vector.shape_cast %swap3A_271 : vector<1x16xf32> to vector<16xf32>
          %swap3A_273 = vector.shape_cast %get3A_266 : vector<16xf32> to vector<1x16xf32>
          tpu.vector_store %arg9[%swap3A_269, %swap3A_270], %swap3A_273 {strides = array<i32>} : memref<77x512xf32, #tpu.memory_space<vmem>>, vector<1x16xf32>,
          %get3A_274 = arith.index_cast %scan3A_121 : i32 to index
          %get3A_275 = arith.constant 224 : index
          %get3A_276 = tpu.vector_load %arg11[%get3A_274, %get3A_275] {strides = array<i32>} : memref<16x512xf32, #tpu.memory_space<vmem>>, vector<1x16xf32>,
          %get3A_277 = vector.shape_cast %get3A_276 : vector<1x16xf32> to vector<16xf32>
          %add3A_278 = arith.constant 1 : i32
          %add3A_279 = arith.addi %add3A_278, %scan3A_121 : i32
          %swap3A_280 = arith.index_cast %add3A_279 : i32 to index
          %swap3A_281 = arith.constant 224 : index
          %swap3A_282 = tpu.vector_load %arg9[%swap3A_280, %swap3A_281] {strides = array<i32>} : memref<77x512xf32, #tpu.memory_space<vmem>>, vector<1x16xf32>,
          %swap3A_283 = vector.shape_cast %swap3A_282 : vector<1x16xf32> to vector<16xf32>
          %swap3A_284 = vector.shape_cast %get3A_277 : vector<16xf32> to vector<1x16xf32>
          tpu.vector_store %arg9[%swap3A_280, %swap3A_281], %swap3A_284 {strides = array<i32>} : memref<77x512xf32, #tpu.memory_space<vmem>>, vector<1x16xf32>,
          %get3A_285 = arith.index_cast %scan3A_121 : i32 to index
          %get3A_286 = arith.constant 240 : index
          %get3A_287 = tpu.vector_load %arg11[%get3A_285, %get3A_286] {strides = array<i32>} : memref<16x512xf32, #tpu.memory_space<vmem>>, vector<1x16xf32>,
          %get3A_288 = vector.shape_cast %get3A_287 : vector<1x16xf32> to vector<16xf32>
          %add3A_289 = arith.constant 1 : i32
          %add3A_290 = arith.addi %add3A_289, %scan3A_121 : i32
          %swap3A_291 = arith.index_cast %add3A_290 : i32 to index
          %swap3A_292 = arith.constant 240 : index
          %swap3A_293 = tpu.vector_load %arg9[%swap3A_291, %swap3A_292] {strides = array<i32>} : memref<77x512xf32, #tpu.memory_space<vmem>>, vector<1x16xf32>,
          %swap3A_294 = vector.shape_cast %swap3A_293 : vector<1x16xf32> to vector<16xf32>
          %swap3A_295 = vector.shape_cast %get3A_288 : vector<16xf32> to vector<1x16xf32>
          tpu.vector_store %arg9[%swap3A_291, %swap3A_292], %swap3A_295 {strides = array<i32>} : memref<77x512xf32, #tpu.memory_space<vmem>>, vector<1x16xf32>,
          %get3A_296 = arith.index_cast %scan3A_121 : i32 to index
          %get3A_297 = arith.constant 256 : index
          %get3A_298 = tpu.vector_load %arg11[%get3A_296, %get3A_297] {strides = array<i32>} : memref<16x512xf32, #tpu.memory_space<vmem>>, vector<1x16xf32>,
          %get3A_299 = vector.shape_cast %get3A_298 : vector<1x16xf32> to vector<16xf32>
          %add3A_300 = arith.constant 1 : i32
          %add3A_301 = arith.addi %add3A_300, %scan3A_121 : i32
          %swap3A_302 = arith.index_cast %add3A_301 : i32 to index
          %swap3A_303 = arith.constant 256 : index
          %swap3A_304 = tpu.vector_load %arg9[%swap3A_302, %swap3A_303] {strides = array<i32>} : memref<77x512xf32, #tpu.memory_space<vmem>>, vector<1x16xf32>,
          %swap3A_305 = vector.shape_cast %swap3A_304 : vector<1x16xf32> to vector<16xf32>
          %swap3A_306 = vector.shape_cast %get3A_299 : vector<16xf32> to vector<1x16xf32>
          tpu.vector_store %arg9[%swap3A_302, %swap3A_303], %swap3A_306 {strides = array<i32>} : memref<77x512xf32, #tpu.memory_space<vmem>>, vector<1x16xf32>,
          %get3A_307 = arith.index_cast %scan3A_121 : i32 to index
          %get3A_308 = arith.constant 272 : index
          %get3A_309 = tpu.vector_load %arg11[%get3A_307, %get3A_308] {strides = array<i32>} : memref<16x512xf32, #tpu.memory_space<vmem>>, vector<1x16xf32>,
          %get3A_310 = vector.shape_cast %get3A_309 : vector<1x16xf32> to vector<16xf32>
          %add3A_311 = arith.constant 1 : i32
          %add3A_312 = arith.addi %add3A_311, %scan3A_121 : i32
          %swap3A_313 = arith.index_cast %add3A_312 : i32 to index
          %swap3A_314 = arith.constant 272 : index
          %swap3A_315 = tpu.vector_load %arg9[%swap3A_313, %swap3A_314] {strides = array<i32>} : memref<77x512xf32, #tpu.memory_space<vmem>>, vector<1x16xf32>,
          %swap3A_316 = vector.shape_cast %swap3A_315 : vector<1x16xf32> to vector<16xf32>
          %swap3A_317 = vector.shape_cast %get3A_310 : vector<16xf32> to vector<1x16xf32>
          tpu.vector_store %arg9[%swap3A_313, %swap3A_314], %swap3A_317 {strides = array<i32>} : memref<77x512xf32, #tpu.memory_space<vmem>>, vector<1x16xf32>,
          %get3A_318 = arith.index_cast %scan3A_121 : i32 to index
          %get3A_319 = arith.constant 288 : index
          %get3A_320 = tpu.vector_load %arg11[%get3A_318, %get3A_319] {strides = array<i32>} : memref<16x512xf32, #tpu.memory_space<vmem>>, vector<1x16xf32>,
          %get3A_321 = vector.shape_cast %get3A_320 : vector<1x16xf32> to vector<16xf32>
          %add3A_322 = arith.constant 1 : i32
          %add3A_323 = arith.addi %add3A_322, %scan3A_121 : i32
          %swap3A_324 = arith.index_cast %add3A_323 : i32 to index
          %swap3A_325 = arith.constant 288 : index
          %swap3A_326 = tpu.vector_load %arg9[%swap3A_324, %swap3A_325] {strides = array<i32>} : memref<77x512xf32, #tpu.memory_space<vmem>>, vector<1x16xf32>,
          %swap3A_327 = vector.shape_cast %swap3A_326 : vector<1x16xf32> to vector<16xf32>
          %swap3A_328 = vector.shape_cast %get3A_321 : vector<16xf32> to vector<1x16xf32>
          tpu.vector_store %arg9[%swap3A_324, %swap3A_325], %swap3A_328 {strides = array<i32>} : memref<77x512xf32, #tpu.memory_space<vmem>>, vector<1x16xf32>,
          %get3A_329 = arith.index_cast %scan3A_121 : i32 to index
          %get3A_330 = arith.constant 304 : index
          %get3A_331 = tpu.vector_load %arg11[%get3A_329, %get3A_330] {strides = array<i32>} : memref<16x512xf32, #tpu.memory_space<vmem>>, vector<1x16xf32>,
          %get3A_332 = vector.shape_cast %get3A_331 : vector<1x16xf32> to vector<16xf32>
          %add3A_333 = arith.constant 1 : i32
          %add3A_334 = arith.addi %add3A_333, %scan3A_121 : i32
          %swap3A_335 = arith.index_cast %add3A_334 : i32 to index
          %swap3A_336 = arith.constant 304 : index
          %swap3A_337 = tpu.vector_load %arg9[%swap3A_335, %swap3A_336] {strides = array<i32>} : memref<77x512xf32, #tpu.memory_space<vmem>>, vector<1x16xf32>,
          %swap3A_338 = vector.shape_cast %swap3A_337 : vector<1x16xf32> to vector<16xf32>
          %swap3A_339 = vector.shape_cast %get3A_332 : vector<16xf32> to vector<1x16xf32>
          tpu.vector_store %arg9[%swap3A_335, %swap3A_336], %swap3A_339 {strides = array<i32>} : memref<77x512xf32, #tpu.memory_space<vmem>>, vector<1x16xf32>,
          %get3A_340 = arith.index_cast %scan3A_121 : i32 to index
          %get3A_341 = arith.constant 320 : index
          %get3A_342 = tpu.vector_load %arg11[%get3A_340, %get3A_341] {strides = array<i32>} : memref<16x512xf32, #tpu.memory_space<vmem>>, vector<1x16xf32>,
          %get3A_343 = vector.shape_cast %get3A_342 : vector<1x16xf32> to vector<16xf32>
          %add3A_344 = arith.constant 1 : i32
          %add3A_345 = arith.addi %add3A_344, %scan3A_121 : i32
          %swap3A_346 = arith.index_cast %add3A_345 : i32 to index
          %swap3A_347 = arith.constant 320 : index
          %swap3A_348 = tpu.vector_load %arg9[%swap3A_346, %swap3A_347] {strides = array<i32>} : memref<77x512xf32, #tpu.memory_space<vmem>>, vector<1x16xf32>,
          %swap3A_349 = vector.shape_cast %swap3A_348 : vector<1x16xf32> to vector<16xf32>
          %swap3A_350 = vector.shape_cast %get3A_343 : vector<16xf32> to vector<1x16xf32>
          tpu.vector_store %arg9[%swap3A_346, %swap3A_347], %swap3A_350 {strides = array<i32>} : memref<77x512xf32, #tpu.memory_space<vmem>>, vector<1x16xf32>,
          %get3A_351 = arith.index_cast %scan3A_121 : i32 to index
          %get3A_352 = arith.constant 336 : index
          %get3A_353 = tpu.vector_load %arg11[%get3A_351, %get3A_352] {strides = array<i32>} : memref<16x512xf32, #tpu.memory_space<vmem>>, vector<1x16xf32>,
          %get3A_354 = vector.shape_cast %get3A_353 : vector<1x16xf32> to vector<16xf32>
          %add3A_355 = arith.constant 1 : i32
          %add3A_356 = arith.addi %add3A_355, %scan3A_121 : i32
          %swap3A_357 = arith.index_cast %add3A_356 : i32 to index
          %swap3A_358 = arith.constant 336 : index
          %swap3A_359 = tpu.vector_load %arg9[%swap3A_357, %swap3A_358] {strides = array<i32>} : memref<77x512xf32, #tpu.memory_space<vmem>>, vector<1x16xf32>,
          %swap3A_360 = vector.shape_cast %swap3A_359 : vector<1x16xf32> to vector<16xf32>
          %swap3A_361 = vector.shape_cast %get3A_354 : vector<16xf32> to vector<1x16xf32>
          tpu.vector_store %arg9[%swap3A_357, %swap3A_358], %swap3A_361 {strides = array<i32>} : memref<77x512xf32, #tpu.memory_space<vmem>>, vector<1x16xf32>,
          %get3A_362 = arith.index_cast %scan3A_121 : i32 to index
          %get3A_363 = arith.constant 352 : index
          %get3A_364 = tpu.vector_load %arg11[%get3A_362, %get3A_363] {strides = array<i32>} : memref<16x512xf32, #tpu.memory_space<vmem>>, vector<1x16xf32>,
          %get3A_365 = vector.shape_cast %get3A_364 : vector<1x16xf32> to vector<16xf32>
          %add3A_366 = arith.constant 1 : i32
          %add3A_367 = arith.addi %add3A_366, %scan3A_121 : i32
          %swap3A_368 = arith.index_cast %add3A_367 : i32 to index
          %swap3A_369 = arith.constant 352 : index
          %swap3A_370 = tpu.vector_load %arg9[%swap3A_368, %swap3A_369] {strides = array<i32>} : memref<77x512xf32, #tpu.memory_space<vmem>>, vector<1x16xf32>,
          %swap3A_371 = vector.shape_cast %swap3A_370 : vector<1x16xf32> to vector<16xf32>
          %swap3A_372 = vector.shape_cast %get3A_365 : vector<16xf32> to vector<1x16xf32>
          tpu.vector_store %arg9[%swap3A_368, %swap3A_369], %swap3A_372 {strides = array<i32>} : memref<77x512xf32, #tpu.memory_space<vmem>>, vector<1x16xf32>,
          %get3A_373 = arith.index_cast %scan3A_121 : i32 to index
          %get3A_374 = arith.constant 368 : index
          %get3A_375 = tpu.vector_load %arg11[%get3A_373, %get3A_374] {strides = array<i32>} : memref<16x512xf32, #tpu.memory_space<vmem>>, vector<1x16xf32>,
          %get3A_376 = vector.shape_cast %get3A_375 : vector<1x16xf32> to vector<16xf32>
          %add3A_377 = arith.constant 1 : i32
          %add3A_378 = arith.addi %add3A_377, %scan3A_121 : i32
          %swap3A_379 = arith.index_cast %add3A_378 : i32 to index
          %swap3A_380 = arith.constant 368 : index
          %swap3A_381 = tpu.vector_load %arg9[%swap3A_379, %swap3A_380] {strides = array<i32>} : memref<77x512xf32, #tpu.memory_space<vmem>>, vector<1x16xf32>,
          %swap3A_382 = vector.shape_cast %swap3A_381 : vector<1x16xf32> to vector<16xf32>
          %swap3A_383 = vector.shape_cast %get3A_376 : vector<16xf32> to vector<1x16xf32>
          tpu.vector_store %arg9[%swap3A_379, %swap3A_380], %swap3A_383 {strides = array<i32>} : memref<77x512xf32, #tpu.memory_space<vmem>>, vector<1x16xf32>,
          %get3A_384 = arith.index_cast %scan3A_121 : i32 to index
          %get3A_385 = arith.constant 384 : index
          %get3A_386 = tpu.vector_load %arg11[%get3A_384, %get3A_385] {strides = array<i32>} : memref<16x512xf32, #tpu.memory_space<vmem>>, vector<1x16xf32>,
          %get3A_387 = vector.shape_cast %get3A_386 : vector<1x16xf32> to vector<16xf32>
          %add3A_388 = arith.constant 1 : i32
          %add3A_389 = arith.addi %add3A_388, %scan3A_121 : i32
          %swap3A_390 = arith.index_cast %add3A_389 : i32 to index
          %swap3A_391 = arith.constant 384 : index
          %swap3A_392 = tpu.vector_load %arg9[%swap3A_390, %swap3A_391] {strides = array<i32>} : memref<77x512xf32, #tpu.memory_space<vmem>>, vector<1x16xf32>,
          %swap3A_393 = vector.shape_cast %swap3A_392 : vector<1x16xf32> to vector<16xf32>
          %swap3A_394 = vector.shape_cast %get3A_387 : vector<16xf32> to vector<1x16xf32>
          tpu.vector_store %arg9[%swap3A_390, %swap3A_391], %swap3A_394 {strides = array<i32>} : memref<77x512xf32, #tpu.memory_space<vmem>>, vector<1x16xf32>,
          %get3A_395 = arith.index_cast %scan3A_121 : i32 to index
          %get3A_396 = arith.constant 400 : index
          %get3A_397 = tpu.vector_load %arg11[%get3A_395, %get3A_396] {strides = array<i32>} : memref<16x512xf32, #tpu.memory_space<vmem>>, vector<1x16xf32>,
          %get3A_398 = vector.shape_cast %get3A_397 : vector<1x16xf32> to vector<16xf32>
          %add3A_399 = arith.constant 1 : i32
          %add3A_400 = arith.addi %add3A_399, %scan3A_121 : i32
          %swap3A_401 = arith.index_cast %add3A_400 : i32 to index
          %swap3A_402 = arith.constant 400 : index
          %swap3A_403 = tpu.vector_load %arg9[%swap3A_401, %swap3A_402] {strides = array<i32>} : memref<77x512xf32, #tpu.memory_space<vmem>>, vector<1x16xf32>,
          %swap3A_404 = vector.shape_cast %swap3A_403 : vector<1x16xf32> to vector<16xf32>
          %swap3A_405 = vector.shape_cast %get3A_398 : vector<16xf32> to vector<1x16xf32>
          tpu.vector_store %arg9[%swap3A_401, %swap3A_402], %swap3A_405 {strides = array<i32>} : memref<77x512xf32, #tpu.memory_space<vmem>>, vector<1x16xf32>,
          %get3A_406 = arith.index_cast %scan3A_121 : i32 to index
          %get3A_407 = arith.constant 416 : index
          %get3A_408 = tpu.vector_load %arg11[%get3A_406, %get3A_407] {strides = array<i32>} : memref<16x512xf32, #tpu.memory_space<vmem>>, vector<1x16xf32>,
          %get3A_409 = vector.shape_cast %get3A_408 : vector<1x16xf32> to vector<16xf32>
          %add3A_410 = arith.constant 1 : i32
          %add3A_411 = arith.addi %add3A_410, %scan3A_121 : i32
          %swap3A_412 = arith.index_cast %add3A_411 : i32 to index
          %swap3A_413 = arith.constant 416 : index
          %swap3A_414 = tpu.vector_load %arg9[%swap3A_412, %swap3A_413] {strides = array<i32>} : memref<77x512xf32, #tpu.memory_space<vmem>>, vector<1x16xf32>,
          %swap3A_415 = vector.shape_cast %swap3A_414 : vector<1x16xf32> to vector<16xf32>
          %swap3A_416 = vector.shape_cast %get3A_409 : vector<16xf32> to vector<1x16xf32>
          tpu.vector_store %arg9[%swap3A_412, %swap3A_413], %swap3A_416 {strides = array<i32>} : memref<77x512xf32, #tpu.memory_space<vmem>>, vector<1x16xf32>,
          %get3A_417 = arith.index_cast %scan3A_121 : i32 to index
          %get3A_418 = arith.constant 432 : index
          %get3A_419 = tpu.vector_load %arg11[%get3A_417, %get3A_418] {strides = array<i32>} : memref<16x512xf32, #tpu.memory_space<vmem>>, vector<1x16xf32>,
          %get3A_420 = vector.shape_cast %get3A_419 : vector<1x16xf32> to vector<16xf32>
          %add3A_421 = arith.constant 1 : i32
          %add3A_422 = arith.addi %add3A_421, %scan3A_121 : i32
          %swap3A_423 = arith.index_cast %add3A_422 : i32 to index
          %swap3A_424 = arith.constant 432 : index
          %swap3A_425 = tpu.vector_load %arg9[%swap3A_423, %swap3A_424] {strides = array<i32>} : memref<77x512xf32, #tpu.memory_space<vmem>>, vector<1x16xf32>,
          %swap3A_426 = vector.shape_cast %swap3A_425 : vector<1x16xf32> to vector<16xf32>
          %swap3A_427 = vector.shape_cast %get3A_420 : vector<16xf32> to vector<1x16xf32>
          tpu.vector_store %arg9[%swap3A_423, %swap3A_424], %swap3A_427 {strides = array<i32>} : memref<77x512xf32, #tpu.memory_space<vmem>>, vector<1x16xf32>,
          %get3A_428 = arith.index_cast %scan3A_121 : i32 to index
          %get3A_429 = arith.constant 448 : index
          %get3A_430 = tpu.vector_load %arg11[%get3A_428, %get3A_429] {strides = array<i32>} : memref<16x512xf32, #tpu.memory_space<vmem>>, vector<1x16xf32>,
          %get3A_431 = vector.shape_cast %get3A_430 : vector<1x16xf32> to vector<16xf32>
          %add3A_432 = arith.constant 1 : i32
          %add3A_433 = arith.addi %add3A_432, %scan3A_121 : i32
          %swap3A_434 = arith.index_cast %add3A_433 : i32 to index
          %swap3A_435 = arith.constant 448 : index
          %swap3A_436 = tpu.vector_load %arg9[%swap3A_434, %swap3A_435] {strides = array<i32>} : memref<77x512xf32, #tpu.memory_space<vmem>>, vector<1x16xf32>,
          %swap3A_437 = vector.shape_cast %swap3A_436 : vector<1x16xf32> to vector<16xf32>
          %swap3A_438 = vector.shape_cast %get3A_431 : vector<16xf32> to vector<1x16xf32>
          tpu.vector_store %arg9[%swap3A_434, %swap3A_435], %swap3A_438 {strides = array<i32>} : memref<77x512xf32, #tpu.memory_space<vmem>>, vector<1x16xf32>,
          %get3A_439 = arith.index_cast %scan3A_121 : i32 to index
          %get3A_440 = arith.constant 464 : index
          %get3A_441 = tpu.vector_load %arg11[%get3A_439, %get3A_440] {strides = array<i32>} : memref<16x512xf32, #tpu.memory_space<vmem>>, vector<1x16xf32>,
          %get3A_442 = vector.shape_cast %get3A_441 : vector<1x16xf32> to vector<16xf32>
          %add3A_443 = arith.constant 1 : i32
          %add3A_444 = arith.addi %add3A_443, %scan3A_121 : i32
          %swap3A_445 = arith.index_cast %add3A_444 : i32 to index
          %swap3A_446 = arith.constant 464 : index
          %swap3A_447 = tpu.vector_load %arg9[%swap3A_445, %swap3A_446] {strides = array<i32>} : memref<77x512xf32, #tpu.memory_space<vmem>>, vector<1x16xf32>,
          %swap3A_448 = vector.shape_cast %swap3A_447 : vector<1x16xf32> to vector<16xf32>
          %swap3A_449 = vector.shape_cast %get3A_442 : vector<16xf32> to vector<1x16xf32>
          tpu.vector_store %arg9[%swap3A_445, %swap3A_446], %swap3A_449 {strides = array<i32>} : memref<77x512xf32, #tpu.memory_space<vmem>>, vector<1x16xf32>,
          %get3A_450 = arith.index_cast %scan3A_121 : i32 to index
          %get3A_451 = arith.constant 480 : index
          %get3A_452 = tpu.vector_load %arg11[%get3A_450, %get3A_451] {strides = array<i32>} : memref<16x512xf32, #tpu.memory_space<vmem>>, vector<1x16xf32>,
          %get3A_453 = vector.shape_cast %get3A_452 : vector<1x16xf32> to vector<16xf32>
          %add3A_454 = arith.constant 1 : i32
          %add3A_455 = arith.addi %add3A_454, %scan3A_121 : i32
          %swap3A_456 = arith.index_cast %add3A_455 : i32 to index
          %swap3A_457 = arith.constant 480 : index
          %swap3A_458 = tpu.vector_load %arg9[%swap3A_456, %swap3A_457] {strides = array<i32>} : memref<77x512xf32, #tpu.memory_space<vmem>>, vector<1x16xf32>,
          %swap3A_459 = vector.shape_cast %swap3A_458 : vector<1x16xf32> to vector<16xf32>
          %swap3A_460 = vector.shape_cast %get3A_453 : vector<16xf32> to vector<1x16xf32>
          tpu.vector_store %arg9[%swap3A_456, %swap3A_457], %swap3A_460 {strides = array<i32>} : memref<77x512xf32, #tpu.memory_space<vmem>>, vector<1x16xf32>,
          %get3A_461 = arith.index_cast %scan3A_121 : i32 to index
          %get3A_462 = arith.constant 496 : index
          %get3A_463 = tpu.vector_load %arg11[%get3A_461, %get3A_462] {strides = array<i32>} : memref<16x512xf32, #tpu.memory_space<vmem>>, vector<1x16xf32>,
          %get3A_464 = vector.shape_cast %get3A_463 : vector<1x16xf32> to vector<16xf32>
          %add3A_465 = arith.constant 1 : i32
          %add3A_466 = arith.addi %add3A_465, %scan3A_121 : i32
          %swap3A_467 = arith.index_cast %add3A_466 : i32 to index
          %swap3A_468 = arith.constant 496 : index
          %swap3A_469 = tpu.vector_load %arg9[%swap3A_467, %swap3A_468] {strides = array<i32>} : memref<77x512xf32, #tpu.memory_space<vmem>>, vector<1x16xf32>,
          %swap3A_470 = vector.shape_cast %swap3A_469 : vector<1x16xf32> to vector<16xf32>
          %swap3A_471 = vector.shape_cast %get3A_464 : vector<16xf32> to vector<1x16xf32>
          tpu.vector_store %arg9[%swap3A_467, %swap3A_468], %swap3A_471 {strides = array<i32>} : memref<77x512xf32, #tpu.memory_space<vmem>>, vector<1x16xf32>,
        }
        %scan3A_113 = arith.constant 16 : i32
        %dma_start3A = arith.constant 0 : i32
        %dma_start3A_114 = arith.constant 0 : i32
        %dma_start3A_115 = tpu.memref_slice %arg5[%add3A_32, %dma_start3A, %dma_start3A_114] : memref<1000x77x512xf32, #tpu.memory_space<hbm>> -> memref<1x77x512xf32, #tpu.memory_space<hbm>>
        %dma_start3A_116 = tpu.memref_squeeze %dma_start3A_115 : memref<1x77x512xf32, #tpu.memory_space<hbm>> -> memref<77x512xf32, #tpu.memory_space<hbm>>
        %dma_start3A_117 = arith.constant 0 : i32
        %dma_start3A_118 = arith.constant 0 : i32
        %dma_start3A_119 = tpu.memref_slice %arg5[%add3A_32, %dma_start3A_117, %dma_start3A_118] : memref<1000x77x512xf32, #tpu.memory_space<hbm>> -> memref<1x77x512xf32, #tpu.memory_space<hbm>>
        %dma_start3A_120 = tpu.memref_squeeze %dma_start3A_119 : memref<1x77x512xf32, #tpu.memory_space<hbm>> -> memref<77x512xf32, #tpu.memory_space<hbm>>
        tpu.enqueue_dma source(%arg9 : memref<77x512xf32, #tpu.memory_space<vmem>>) target(%dma_start3A_120 : memref<77x512xf32, #tpu.memory_space<hbm>>) target_semaphore(%arg17 : memref<!tpu.dma_semaphore, #tpu.memory_space<semaphore_mem>>)
      } else {
      }
      %mul3A_38 = arith.constant 32 : i32
      %mul3A_39 = arith.muli %mul3A_19, %mul3A_38 : i32
      %add3A_40 = arith.addi %mul3A_39, %add3A : i32
      %lt3A_41 = arith.constant 1000 : i32
      %lt3A_42 = arith.cmpi slt, %add3A_40, %lt3A_41 : i32
      %convert_element_type3A_43 = arith.extui %lt3A_42 : i1 to i32
      %cond3A_44 = arith.constant 0 : i32
      %cond3A_45 = arith.cmpi ne, %convert_element_type3A_43, %cond3A_44 : i32
      scf.if %cond3A_45 {
        %dma_wait3A = arith.constant 0 : i32
        %dma_wait3A_74 = arith.constant 0 : i32
        %dma_wait3A_75 = tpu.memref_slice %arg5[%add3A_40, %dma_wait3A, %dma_wait3A_74] : memref<1000x77x512xf32, #tpu.memory_space<hbm>> -> memref<1x77x512xf32, #tpu.memory_space<hbm>>
        %dma_wait3A_76 = tpu.memref_squeeze %dma_wait3A_75 : memref<1x77x512xf32, #tpu.memory_space<hbm>> -> memref<77x512xf32, #tpu.memory_space<hbm>>
        %dma_wait3A_77 = arith.constant 0 : i32
        %dma_wait3A_78 = arith.constant 0 : i32
        %dma_wait3A_79 = tpu.memref_slice %arg5[%add3A_40, %dma_wait3A_77, %dma_wait3A_78] : memref<1000x77x512xf32, #tpu.memory_space<hbm>> -> memref<1x77x512xf32, #tpu.memory_space<hbm>>
        %dma_wait3A_80 = tpu.memref_squeeze %dma_wait3A_79 : memref<1x77x512xf32, #tpu.memory_space<hbm>> -> memref<77x512xf32, #tpu.memory_space<hbm>>
        tpu.wait_dma2 semaphore(%arg16 : memref<!tpu.dma_semaphore, #tpu.memory_space<semaphore_mem>>) src(%arg8 : memref<77x512xf32, #tpu.memory_space<vmem>>) dst(%dma_wait3A_80 : memref<77x512xf32, #tpu.memory_space<hbm>>)
      } else {
      }
      %add3A_46 = arith.constant 2 : i32
      %add3A_47 = arith.addi %mul3A_19, %add3A_46 : i32
      %mul3A_48 = arith.constant 32 : i32
      %mul3A_49 = arith.muli %add3A_47, %mul3A_48 : i32
      %add3A_50 = arith.addi %mul3A_49, %add3A : i32
      %lt3A_51 = arith.constant 1000 : i32
      %lt3A_52 = arith.cmpi slt, %add3A_50, %lt3A_51 : i32
      %convert_element_type3A_53 = arith.extui %lt3A_52 : i1 to i32
      %cond3A_54 = arith.constant 0 : i32
      %cond3A_55 = arith.cmpi ne, %convert_element_type3A_53, %cond3A_54 : i32
      scf.if %cond3A_55 {
        %mul3A_74 = arith.constant 72 : i32
        %mul3A_75 = arith.muli %add3A_50, %mul3A_74 : i32
        "tpu.region"() ({
          %run_scoped3A = tpu.sem_alloc : memref<!tpu.dma_semaphore, #tpu.memory_space<semaphore_mem>>
          %dma_start3A_104 = tpu.memref_slice %arg4[%mul3A_75] : memref<72000xi32, #tpu.memory_space<hbm>> -> memref<72xi32, #tpu.memory_space<hbm>>
          %dma_start3A_105 = tpu.memref_slice %arg4[%mul3A_75] : memref<72000xi32, #tpu.memory_space<hbm>> -> memref<72xi32, #tpu.memory_space<hbm>>
          tpu.enqueue_dma source(%dma_start3A_105 : memref<72xi32, #tpu.memory_space<hbm>>) target(%arg6 : memref<72xi32, #tpu.memory_space<vmem>>) target_semaphore(%run_scoped3A : memref<!tpu.dma_semaphore, #tpu.memory_space<semaphore_mem>>)
          %dma_wait3A = tpu.memref_slice %arg4[%mul3A_75] : memref<72000xi32, #tpu.memory_space<hbm>> -> memref<72xi32, #tpu.memory_space<hbm>>
          %dma_wait3A_106 = tpu.memref_slice %arg4[%mul3A_75] : memref<72000xi32, #tpu.memory_space<hbm>> -> memref<72xi32, #tpu.memory_space<hbm>>
          tpu.wait_dma2 semaphore(%run_scoped3A : memref<!tpu.dma_semaphore, #tpu.memory_space<semaphore_mem>>) src(%dma_wait3A_106 : memref<72xi32, #tpu.memory_space<hbm>>) dst(%arg6 : memref<72xi32, #tpu.memory_space<vmem>>)
          tpu.yield
        }) : () -> ()
        %dma_start3A = arith.constant 0 : i32
        %dma_start3A_76 = arith.constant 0 : i32
        %dma_start3A_77 = tpu.memref_slice %arg8[%dma_start3A, %dma_start3A_76] : memref<77x512xf32, #tpu.memory_space<vmem>> -> memref<8x512xf32, #tpu.memory_space<vmem>>
        %dma_start3A_78 = arith.constant 0 : i32
        %dma_start3A_79 = tpu.memref_slice %arg6[%dma_start3A_78] : memref<72xi32, #tpu.memory_space<vmem>> -> memref<8xi32, #tpu.memory_space<vmem>>
        %dma_start3A_80 = arith.constant 0 : i32
        %dma_start3A_81 = arith.constant 0 : i32
        %dma_start3A_82 = tpu.memref_slice %arg2[%dma_start3A_80, %dma_start3A_81] : memref<49408x512xf32, #tpu.memory_space<hbm>> -> memref<49408x512xf32, #tpu.memory_space<hbm>>
        tpu.enqueue_indirect_dma source(%dma_start3A_82 : memref<49408x512xf32, #tpu.memory_space<hbm>>) target(%dma_start3A_77 : memref<8x512xf32, #tpu.memory_space<vmem>>) offsets(%dma_start3A_79 : memref<8xi32, #tpu.memory_space<vmem>>) semaphore(%arg14 : memref<!tpu.dma_semaphore, #tpu.memory_space<semaphore_mem>>)
        %dma_start3A_83 = arith.constant 16 : i32
        %dma_start3A_84 = arith.constant 0 : i32
        %dma_start3A_85 = tpu.memref_slice %arg8[%dma_start3A_83, %dma_start3A_84] : memref<77x512xf32, #tpu.memory_space<vmem>> -> memref<56x512xf32, #tpu.memory_space<vmem>>
        %dma_start3A_86 = arith.constant 8 : i32
        %dma_start3A_87 = tpu.memref_slice %arg6[%dma_start3A_86] : memref<72xi32, #tpu.memory_space<vmem>> -> memref<56xi32, #tpu.memory_space<vmem>>
        %dma_start3A_88 = arith.constant 0 : i32
        %dma_start3A_89 = arith.constant 0 : i32
        %dma_start3A_90 = tpu.memref_slice %arg2[%dma_start3A_88, %dma_start3A_89] : memref<49408x512xf32, #tpu.memory_space<hbm>> -> memref<49408x512xf32, #tpu.memory_space<hbm>>
        tpu.enqueue_indirect_dma source(%dma_start3A_90 : memref<49408x512xf32, #tpu.memory_space<hbm>>) target(%dma_start3A_85 : memref<56x512xf32, #tpu.memory_space<vmem>>) offsets(%dma_start3A_87 : memref<56xi32, #tpu.memory_space<vmem>>) semaphore(%arg14 : memref<!tpu.dma_semaphore, #tpu.memory_space<semaphore_mem>>)
        %dma_start3A_91 = arith.constant 64 : i32
        %dma_start3A_92 = tpu.memref_slice %arg6[%dma_start3A_91] : memref<72xi32, #tpu.memory_space<vmem>> -> memref<8xi32, #tpu.memory_space<vmem>>
        %dma_start3A_93 = arith.constant 0 : i32
        %dma_start3A_94 = arith.constant 0 : i32
        %dma_start3A_95 = tpu.memref_slice %arg2[%dma_start3A_93, %dma_start3A_94] : memref<49408x512xf32, #tpu.memory_space<hbm>> -> memref<49408x512xf32, #tpu.memory_space<hbm>>
        tpu.enqueue_indirect_dma source(%dma_start3A_95 : memref<49408x512xf32, #tpu.memory_space<hbm>>) target(%arg12 : memref<8x512xf32, #tpu.memory_space<vmem>>) offsets(%dma_start3A_92 : memref<8xi32, #tpu.memory_space<vmem>>) semaphore(%arg14 : memref<!tpu.dma_semaphore, #tpu.memory_space<semaphore_mem>>)
        %dma_start3A_96 = arith.constant 0 : i32
        %dma_start3A_97 = arith.constant 0 : i32
        %dma_start3A_98 = tpu.memref_slice %arg3[%add3A_50, %dma_start3A_96, %dma_start3A_97] : memref<1000x16x512xf32, #tpu.memory_space<hbm>> -> memref<1x16x512xf32, #tpu.memory_space<hbm>>
        %dma_start3A_99 = tpu.memref_squeeze %dma_start3A_98 : memref<1x16x512xf32, #tpu.memory_space<hbm>> -> memref<16x512xf32, #tpu.memory_space<hbm>>
        %dma_start3A_100 = arith.constant 0 : i32
        %dma_start3A_101 = arith.constant 0 : i32
        %dma_start3A_102 = tpu.memref_slice %arg3[%add3A_50, %dma_start3A_100, %dma_start3A_101] : memref<1000x16x512xf32, #tpu.memory_space<hbm>> -> memref<1x16x512xf32, #tpu.memory_space<hbm>>
        %dma_start3A_103 = tpu.memref_squeeze %dma_start3A_102 : memref<1x16x512xf32, #tpu.memory_space<hbm>> -> memref<16x512xf32, #tpu.memory_space<hbm>>
        tpu.enqueue_dma source(%dma_start3A_103 : memref<16x512xf32, #tpu.memory_space<hbm>>) target(%arg10 : memref<16x512xf32, #tpu.memory_space<vmem>>) target_semaphore(%arg14 : memref<!tpu.dma_semaphore, #tpu.memory_space<semaphore_mem>>)
      } else {
      }
      %mul3A_56 = arith.constant 32 : i32
      %mul3A_57 = arith.muli %add3A_21, %mul3A_56 : i32
      %add3A_58 = arith.addi %mul3A_57, %add3A : i32
      %lt3A_59 = arith.constant 1000 : i32
      %lt3A_60 = arith.cmpi slt, %add3A_58, %lt3A_59 : i32
      %convert_element_type3A_61 = arith.extui %lt3A_60 : i1 to i32
      %cond3A_62 = arith.constant 0 : i32
      %cond3A_63 = arith.cmpi ne, %convert_element_type3A_61, %cond3A_62 : i32
      scf.if %cond3A_63 {
        %dma_wait3A = arith.constant 0 : i32
        %dma_wait3A_74 = arith.constant 0 : i32
        %dma_wait3A_75 = tpu.memref_slice %arg5[%add3A_58, %dma_wait3A, %dma_wait3A_74] : memref<1000x77x512xf32, #tpu.memory_space<hbm>> -> memref<1x77x512xf32, #tpu.memory_space<hbm>>
        %dma_wait3A_76 = tpu.memref_squeeze %dma_wait3A_75 : memref<1x77x512xf32, #tpu.memory_space<hbm>> -> memref<77x512xf32, #tpu.memory_space<hbm>>
        %dma_wait3A_77 = arith.constant 0 : i32
        %dma_wait3A_78 = arith.constant 0 : i32
        %dma_wait3A_79 = tpu.memref_slice %arg5[%add3A_58, %dma_wait3A_77, %dma_wait3A_78] : memref<1000x77x512xf32, #tpu.memory_space<hbm>> -> memref<1x77x512xf32, #tpu.memory_space<hbm>>
        %dma_wait3A_80 = tpu.memref_squeeze %dma_wait3A_79 : memref<1x77x512xf32, #tpu.memory_space<hbm>> -> memref<77x512xf32, #tpu.memory_space<hbm>>
        tpu.wait_dma2 semaphore(%arg17 : memref<!tpu.dma_semaphore, #tpu.memory_space<semaphore_mem>>) src(%arg9 : memref<77x512xf32, #tpu.memory_space<vmem>>) dst(%dma_wait3A_80 : memref<77x512xf32, #tpu.memory_space<hbm>>)
      } else {
      }
      %add3A_64 = arith.constant 2 : i32
      %add3A_65 = arith.addi %add3A_21, %add3A_64 : i32
      %mul3A_66 = arith.constant 32 : i32
      %mul3A_67 = arith.muli %add3A_65, %mul3A_66 : i32
      %add3A_68 = arith.addi %mul3A_67, %add3A : i32
      %lt3A_69 = arith.constant 1000 : i32
      %lt3A_70 = arith.cmpi slt, %add3A_68, %lt3A_69 : i32
      %convert_element_type3A_71 = arith.extui %lt3A_70 : i1 to i32
      %cond3A_72 = arith.constant 0 : i32
      %cond3A_73 = arith.cmpi ne, %convert_element_type3A_71, %cond3A_72 : i32
      scf.if %cond3A_73 {
        %mul3A_74 = arith.constant 72 : i32
        %mul3A_75 = arith.muli %add3A_68, %mul3A_74 : i32
        "tpu.region"() ({
          %run_scoped3A = tpu.sem_alloc : memref<!tpu.dma_semaphore, #tpu.memory_space<semaphore_mem>>
          %dma_start3A_104 = tpu.memref_slice %arg4[%mul3A_75] : memref<72000xi32, #tpu.memory_space<hbm>> -> memref<72xi32, #tpu.memory_space<hbm>>
          %dma_start3A_105 = tpu.memref_slice %arg4[%mul3A_75] : memref<72000xi32, #tpu.memory_space<hbm>> -> memref<72xi32, #tpu.memory_space<hbm>>
          tpu.enqueue_dma source(%dma_start3A_105 : memref<72xi32, #tpu.memory_space<hbm>>) target(%arg7 : memref<72xi32, #tpu.memory_space<vmem>>) target_semaphore(%run_scoped3A : memref<!tpu.dma_semaphore, #tpu.memory_space<semaphore_mem>>)
          %dma_wait3A = tpu.memref_slice %arg4[%mul3A_75] : memref<72000xi32, #tpu.memory_space<hbm>> -> memref<72xi32, #tpu.memory_space<hbm>>
          %dma_wait3A_106 = tpu.memref_slice %arg4[%mul3A_75] : memref<72000xi32, #tpu.memory_space<hbm>> -> memref<72xi32, #tpu.memory_space<hbm>>
          tpu.wait_dma2 semaphore(%run_scoped3A : memref<!tpu.dma_semaphore, #tpu.memory_space<semaphore_mem>>) src(%dma_wait3A_106 : memref<72xi32, #tpu.memory_space<hbm>>) dst(%arg7 : memref<72xi32, #tpu.memory_space<vmem>>)
          tpu.yield
        }) : () -> ()
        %dma_start3A = arith.constant 0 : i32
        %dma_start3A_76 = arith.constant 0 : i32
        %dma_start3A_77 = tpu.memref_slice %arg9[%dma_start3A, %dma_start3A_76] : memref<77x512xf32, #tpu.memory_space<vmem>> -> memref<8x512xf32, #tpu.memory_space<vmem>>
        %dma_start3A_78 = arith.constant 0 : i32
        %dma_start3A_79 = tpu.memref_slice %arg7[%dma_start3A_78] : memref<72xi32, #tpu.memory_space<vmem>> -> memref<8xi32, #tpu.memory_space<vmem>>
        %dma_start3A_80 = arith.constant 0 : i32
        %dma_start3A_81 = arith.constant 0 : i32
        %dma_start3A_82 = tpu.memref_slice %arg2[%dma_start3A_80, %dma_start3A_81] : memref<49408x512xf32, #tpu.memory_space<hbm>> -> memref<49408x512xf32, #tpu.memory_space<hbm>>
        tpu.enqueue_indirect_dma source(%dma_start3A_82 : memref<49408x512xf32, #tpu.memory_space<hbm>>) target(%dma_start3A_77 : memref<8x512xf32, #tpu.memory_space<vmem>>) offsets(%dma_start3A_79 : memref<8xi32, #tpu.memory_space<vmem>>) semaphore(%arg15 : memref<!tpu.dma_semaphore, #tpu.memory_space<semaphore_mem>>)
        %dma_start3A_83 = arith.constant 16 : i32
        %dma_start3A_84 = arith.constant 0 : i32
        %dma_start3A_85 = tpu.memref_slice %arg9[%dma_start3A_83, %dma_start3A_84] : memref<77x512xf32, #tpu.memory_space<vmem>> -> memref<56x512xf32, #tpu.memory_space<vmem>>
        %dma_start3A_86 = arith.constant 8 : i32
        %dma_start3A_87 = tpu.memref_slice %arg7[%dma_start3A_86] : memref<72xi32, #tpu.memory_space<vmem>> -> memref<56xi32, #tpu.memory_space<vmem>>
        %dma_start3A_88 = arith.constant 0 : i32
        %dma_start3A_89 = arith.constant 0 : i32
        %dma_start3A_90 = tpu.memref_slice %arg2[%dma_start3A_88, %dma_start3A_89] : memref<49408x512xf32, #tpu.memory_space<hbm>> -> memref<49408x512xf32, #tpu.memory_space<hbm>>
        tpu.enqueue_indirect_dma source(%dma_start3A_90 : memref<49408x512xf32, #tpu.memory_space<hbm>>) target(%dma_start3A_85 : memref<56x512xf32, #tpu.memory_space<vmem>>) offsets(%dma_start3A_87 : memref<56xi32, #tpu.memory_space<vmem>>) semaphore(%arg15 : memref<!tpu.dma_semaphore, #tpu.memory_space<semaphore_mem>>)
        %dma_start3A_91 = arith.constant 64 : i32
        %dma_start3A_92 = tpu.memref_slice %arg7[%dma_start3A_91] : memref<72xi32, #tpu.memory_space<vmem>> -> memref<8xi32, #tpu.memory_space<vmem>>
        %dma_start3A_93 = arith.constant 0 : i32
        %dma_start3A_94 = arith.constant 0 : i32
        %dma_start3A_95 = tpu.memref_slice %arg2[%dma_start3A_93, %dma_start3A_94] : memref<49408x512xf32, #tpu.memory_space<hbm>> -> memref<49408x512xf32, #tpu.memory_space<hbm>>
        tpu.enqueue_indirect_dma source(%dma_start3A_95 : memref<49408x512xf32, #tpu.memory_space<hbm>>) target(%arg13 : memref<8x512xf32, #tpu.memory_space<vmem>>) offsets(%dma_start3A_92 : memref<8xi32, #tpu.memory_space<vmem>>) semaphore(%arg15 : memref<!tpu.dma_semaphore, #tpu.memory_space<semaphore_mem>>)
        %dma_start3A_96 = arith.constant 0 : i32
        %dma_start3A_97 = arith.constant 0 : i32
        %dma_start3A_98 = tpu.memref_slice %arg3[%add3A_68, %dma_start3A_96, %dma_start3A_97] : memref<1000x16x512xf32, #tpu.memory_space<hbm>> -> memref<1x16x512xf32, #tpu.memory_space<hbm>>
        %dma_start3A_99 = tpu.memref_squeeze %dma_start3A_98 : memref<1x16x512xf32, #tpu.memory_space<hbm>> -> memref<16x512xf32, #tpu.memory_space<hbm>>
        %dma_start3A_100 = arith.constant 0 : i32
        %dma_start3A_101 = arith.constant 0 : i32
        %dma_start3A_102 = tpu.memref_slice %arg3[%add3A_68, %dma_start3A_100, %dma_start3A_101] : memref<1000x16x512xf32, #tpu.memory_space<hbm>> -> memref<1x16x512xf32, #tpu.memory_space<hbm>>
        %dma_start3A_103 = tpu.memref_squeeze %dma_start3A_102 : memref<1x16x512xf32, #tpu.memory_space<hbm>> -> memref<16x512xf32, #tpu.memory_space<hbm>>
        tpu.enqueue_dma source(%dma_start3A_103 : memref<16x512xf32, #tpu.memory_space<hbm>>) target(%arg11 : memref<16x512xf32, #tpu.memory_space<vmem>>) target_semaphore(%arg15 : memref<!tpu.dma_semaphore, #tpu.memory_space<semaphore_mem>>)
      } else {
      }
    }
    %scan3A_16 = arith.constant 16 : i32
    return
  }
}

</mosaic_0001>

<sc_bundles>
// kernel: kernel.3.cloned.1.call-start
scs
__scs_entry_jumppad:
0x0: {  	(pc) =	sbr.rel $0x88, $3  }
0x1: {  	(tag) =	ssettag $0x0;
	lr =	simm.s32 $0x1  }
0x2: {  	[smem:$0x3F9E] =	sst lr;
	_ =	strace $0xD0000000  }
0x3: {  	_ = 	snop  }
0x4: {  	_ = 	snop  }
0x5: {  	_ = 	snop  }
0x6: {  	_ = 	snop  }
0x7: {  	_ = 	snop  }
__scs_overlays_trampoline_lowered:
0x8: {  	[smem:$0x3FAD] =	sst s0  }
0x9: {  	[smem:$0x3FAE] =	sst s1  }
0xa: {  	[smem:$0x3FAF] =	sst s2  }
0xb: {  	[smem:$0x3FB0] =	sst s3  }
0xc: {  	[smem:$0x3FB1] =	sst s4  }
0xd: {  	[smem:$0x3FB2] =	sst s5  }
0xe: {  	[smem:$0x3FB3] =	sst s6  }
0xf: {  	[smem:$0x3FB4] =	sst s7  }
0x10: {  	[smem:$0x3FB5] =	sst s8  }
0x11: {  	[smem:$0x3FB6] =	sst s9;
	s0 =	simm.s32 @!p0 $0x0  }
0x12: {  	s1 =	sld [smem:$0x3F9C];
	s0 =	simm.s32 @p0 $0x1  }
0x13: {  	[smem:$0x3FB7] =	sst s0;
	s0 =	simm.s32 @!p1 $0x0  }
0x14: {  	s2 =	sld [smem:$0x3F9B];
	s0 =	simm.s32 @p1 $0x1  }
0x15: {  	[smem:$0x3FB8] =	sst s0;
	s0 =	simm.s32 @!p2 $0x0  }
0x16: {  	s3 =	sld [smem:$0x3FDB];
	s0 =	simm.s32 @p2 $0x1  }
0x17: {  	s4 =	simm.s32 $0x1BF5;
	[smem:$0x3FBA] =	sst s0  }
0x18: {  	s0 =	sld [smem:$0x3F9D];
	_ =	swait.ge [sflag:s4], $0x0  }
0x19: {  	s7 =	sld [smem:$0x3F9E]  }
0x1a: {  	s8 =	sadd.s32 $0xFFFFE003, lr  }
0x1b: {  	s9 =	sadd.s32 $0xFFFFFEF7, lr;
	s5 =	simm.s32 $0xFFFFFFFF;
	p2 =	slt.u32 s8, $0xFFFFF086  }
0x1c: {  	p1 =	slt.u32 s9, $0xF7A;
	s5 =	simm.s32 @!p2 $0x0  }
0x1d: {  	s5 =	simm.s32 @p1 $0x1;
	p0 =	seq.s32 s7, s2  }
0x1e: {  	s7 =	smul.u32 @!p0 $0xF7A, s2;
	p2 =	seq.s32 @!p0 s5, $0x0  }
0x1f: {  	s9 =	smul.u32 $0xF7A, s1;
	s8 =	simm.s32 @!p0 $0x1BF5;
	p2 =	por !p2, p0  }
0x20: {  	[sflag:s8] =	ssyncset.s32 @!p0 $0xFFFFF086;
	s6 =	sadd.s32 @!p0 s3, s7;
	s7 =	simm.s32 @!p0 $0x108  }
0x21: {  	s3 =	sadd.s32 s3, s9;
	s6 =	sadd.s32 @!p0 $0x88, s6;
	s7 =	simm.s32 @p2 $0x1082  }
0x22: {  	[simem:s7], [sflag:s8] =	dma.local @!p0 [hbm:s6], $0xF7A  }
0x23: {  	s9 =	sor.u32 $0xD0000000, s2;
	s6 =	simm.s32 $0x108;
	_ =	swait.ge @!p0 [sflag:s8], $0x0  }
0x24: {  	s3 =	sadd.s32 $0x88, s3;
	s6 =	simm.s32 @!p1 $0x1082;
	[sflag:s4] =	ssyncset.s32 $0xFFFFF086  }
0x25: {  	[simem:s6], [sflag:s4] =	dma.local [hbm:s3], $0xF7A  }
0x26: {  	[smem:$0x3F9E] =	sst s1;
	(tag) =	ssettag s2;
	_ =	strace s9  }
0x27: {  	s1 =	sld [smem:$0x3FAE]  }
0x28: {  	s2 =	sld [smem:$0x3FAF]  }
0x29: {  	s4 =	sld [smem:$0x3FB1]  }
0x2a: {  	p0 =	seq.s32 s5, $0x0;
	s5 =	sld [smem:$0x3FB2]  }
0x2b: {  	s6 =	sld [smem:$0x3FB3]  }
0x2c: {  	s7 =	sld [smem:$0x3FB4]  }
0x2d: {  	s3 =	simm.s32 $0x108;
	s8 =	sld [smem:$0x3FB5]  }
0x2e: {  	s3 =	simm.s32 @!p0 $0x1082;
	s9 =	sld [smem:$0x3FB6]  }
0x2f: {  	lr =	sadd.s32 s0, s3;
	s0 =	sld [smem:$0x3FAD]  }
0x30: {  	s3 =	sld [smem:$0x3FB0]  }
0x31: {  	[smem:$0x3FB9] =	sst s10  }
0x32: {  	s10 =	sld [smem:$0x3FB7];
	_ =	sdelay $0x3  }
0x33: {  	p0 =	seq.s32 s10, $0x1;
	s10 =	sld [smem:$0x3FB9];
	_ =	sdelay $0x3  }
0x34: {  	[smem:$0x3FB9] =	sst s10  }
0x35: {  	s10 =	sld [smem:$0x3FB8];
	_ =	sdelay $0x3  }
0x36: {  	p1 =	seq.s32 s10, $0x1;
	s10 =	sld [smem:$0x3FB9];
	_ =	sdelay $0x3  }
0x37: {  	[smem:$0x3FB9] =	sst s10  }
0x38: {  	s10 =	sld [smem:$0x3FBA]  }
0x39: {  	_ = 	snop;
	(pc) =	sbr.ind lr, $3  }
0x3a: {  	_ = 	snop  }
0x3b: {  	_ = 	snop  }
0x3c: {  	p2 =	seq.s32 s10, $0x1;
	s10 =	sld [smem:$0x3FB9]  }
0x3d: {  	_ =	shalt  }
0x3e: {  	_ =	shalt  }
0x3f: {  	_ =	shalt  }
0x40: {  	_ =	shalt  }
0x41: {  	_ =	shalt  }
0x42: {  	_ =	shalt  }
0x43: {  	_ =	shalt  }
0x44: {  	_ =	shalt  }
0x45: {  	_ =	shalt  }
0x46: {  	_ =	shalt  }
0x47: {  	_ =	shalt  }
0x48: {  	_ =	shalt  }
0x49: {  	_ =	shalt  }
0x4a: {  	_ =	shalt  }
0x4b: {  	_ =	shalt  }
0x4c: {  	_ =	shalt  }
0x4d: {  	_ =	shalt  }
0x4e: {  	_ =	shalt  }
0x4f: {  	_ =	shalt  }
0x50: {  	_ =	shalt  }
0x51: {  	_ =	shalt  }
0x52: {  	_ =	shalt  }
0x53: {  	_ =	shalt  }
0x54: {  	_ =	shalt  }
0x55: {  	_ =	shalt  }
0x56: {  	_ =	shalt  }
0x57: {  	_ =	shalt  }
0x58: {  	_ =	shalt  }
0x59: {  	_ =	shalt  }
0x5a: {  	_ =	shalt  }
0x5b: {  	_ =	shalt  }
0x5c: {  	_ =	shalt  }
0x5d: {  	_ =	shalt  }
0x5e: {  	_ =	shalt  }
0x5f: {  	_ =	shalt  }
0x60: {  	_ =	shalt  }
0x61: {  	_ =	shalt  }
0x62: {  	_ =	shalt  }
0x63: {  	_ =	shalt  }
0x64: {  	_ =	shalt  }
0x65: {  	_ =	shalt  }
0x66: {  	_ =	shalt  }
0x67: {  	_ =	shalt  }
0x68: {  	_ =	shalt  }
0x69: {  	_ =	shalt  }
0x6a: {  	_ =	shalt  }
0x6b: {  	_ =	shalt  }
0x6c: {  	_ =	shalt  }
0x6d: {  	_ =	shalt  }
0x6e: {  	_ =	shalt  }
0x6f: {  	_ =	shalt  }
0x70: {  	_ =	shalt  }
0x71: {  	_ =	shalt  }
0x72: {  	_ =	shalt  }
0x73: {  	_ =	shalt  }
0x74: {  	_ =	shalt  }
0x75: {  	_ =	shalt  }
0x76: {  	_ =	shalt  }
0x77: {  	_ =	shalt  }
0x78: {  	_ =	shalt  }
0x79: {  	_ =	shalt  }
0x7a: {  	_ =	shalt  }
0x7b: {  	_ =	shalt  }
0x7c: {  	_ =	shalt  }
0x7d: {  	_ =	shalt  }
0x7e: {  	_ =	shalt  }
0x7f: {  	_ =	shalt  }
0x80: {  	_ =	shalt  }
0x81: {  	_ =	shalt  }
0x82: {  	_ =	shalt  }
0x83: {  	_ =	shalt  }
0x84: {  	_ =	shalt  }
0x85: {  	_ =	shalt  }
0x86: {  	_ =	shalt  }
0x87: {  	_ =	shalt  }
.Lfunc_end0:
.L_simem_size_0:
called_computation_lowered:
.L_overlay_start_0:
0x88: {  	s2 =	sld [smem:$0x3FD9]  }
0x89: {  	s3 =	sld [smem:$0x3FFE];
	_ =	sdelay $0x1  }
0x8a: {  	s1 =	srdreg.scid  }
0x8b: {  	s0 =	sand.u32 $0x1, s1  }
0x8c: {  	s17 =	sshll.u32 s0, $0xA;
	s2 =	sadd.s32 s3, s2  }
0x8d: {  	s2 =	sadd.s32 s2, s17  }
0x8e: {  	[smem:$0x3FC5] =	sst s2  }
0x8f: {  	_ = 	snop  }
0x90: {  	s2 =	sld [smem:$0x3FC9]  }
0x91: {  	s18 =	sld [smem:$0x3FC8]  }
0x92: {  	s4 =	sld [smem:$0x3FD0];
	(tm) =	ssettm $0x1  }
0x93: {  	s5 =	sld [smem:$0x3FFB];
	_ =	sdelay $0x3  }
0x94: {  	_ =	strace s5  }
0x95: {  	s5 =	sld [smem:$0x3FFC];
	_ =	sdelay $0x3  }
0x96: {  	_ =	strace s5  }
0x97: {  	s5 =	sld [smem:$0x3FFD];
	_ =	sdelay $0x3  }
0x98: {  	_ =	strace s5  }
0x99: {  	_ =	strace $0x8FFFFFFF  }
0x9a: {  	s19 =	sld [smem:$0x3FDB];
	_ =	sdelay $0x1  }
0x9b: {  	s6 =	simm.s32 $_scs_section_size  }
0x9c: {  	s7 =	simm.s32 $_size__tile_overlayer_lowered;
	s8 =	simm.s32 $_tile_overlayer_lowered  }
0x9d: {  	s22 =	simm.s32 $0x1BFF;
	s21 =	sshll.u32 s8, $0x1;
	s5 =	sadd.s32 s6, s19  }
0x9e: {  	s9 =	simm.s32 $0x0;
	s20 =	sshll.u32 s7, $0x1;
	s7 =	sadd.s32 s21, s5  }
0x9f: {  	[timem:s9], [sflag:s22] =	dma.local [hbm:s7], s20  }
0xa0: {  	_ =	swait.ge [sflag:s22], s20  }
0xa1: {  	s6 =	ssub.s32 $0x0, s20;
	[sflag:s22] =	ssyncset.done $0x0  }
0xa2: {  	[sflag:s22] =	ssyncadd.s32 s6;
	_ =	sdelay $0x1  }
0xa3: {  	s23 =	simm.s32 $0x1B8B  }
0xa4: {  	_ =	swait.ge [sflag:s23], $0x1  }
0xa5: {  	[sflag:s23] =	ssyncset.done $0x0  }
0xa6: {  	s25 =	simm.s32 $0x1B8E;
	s24 =	sld [smem:$0x3FFE];
	[sflag:s23] =	ssyncadd.s32 $0xFFFFFFFF  }
0xa7: {  	s26 =	simm.s32 $execute0_lowered;
	[smem:$0x3FD2] =	sst s25  }
0xa8: {  	s7 =	sshll.u32 s26, $0x1;
	_ =	strace $0x80000046;
	[dreg:$0x1] =	wrdreg $0xFFFFFFFF  }
0xa9: {  	s28 =	simm.s32 $_size_execute0_lowered;
	s5 =	sadd.s32 s5, s7;
	[dreg:$0x0] =	wrdreg $0x0  }
0xaa: {  	s7 =	sshll.u32 s28, $0x1;
	[dreg:$0x2] =	wrdreg s5  }
0xab: {  	[dreg:$0x3] =	wrdreg s7  }
0xac: {  	[dreg:$0x4] =	wrdreg $0xC0  }
0xad: {  	_ =	task [dreg:s9], $0x5FFFF  }
0xae: {  	[dreg:$0x1] =	wrdreg $0xFFFFFFFF  }
0xaf: {  	[dreg:$0x0] =	wrdreg $0x60  }
0xb0: {  	[dreg:$0x2] =	wrdreg s2  }
0xb1: {  	[dreg:$0x3] =	wrdreg s18  }
0xb2: {  	[dreg:$0x4] =	wrdreg s4  }
0xb3: {  	[dreg:$0x5] =	wrdreg s24  }
0xb4: {  	[dreg:$0x6] =	wrdreg $0x9  }
0xb5: {  	_ =	task.clear_ibuf [dreg:s9], $0x7FFFF;
	_ =	strace $0x90000046  }
0xb6: {  	s29 =	simm.s32 $0x9;
	_ =	strace $0x80000048  }
0xb7: {  	_ =	swait.ge [sflag:s29], $0x1  }
0xb8: {  	[sflag:s29] =	ssyncadd.s32 $0xFFFFFFFF  }
0xb9: {  	_ =	strace $0x90000048  }
0xba: {  	_ =	sfence  }
0xbb: {  	s30 =	sld [smem:$0x0];
	_ =	sdelay $0x2  }
0xbc: {  	s31 =	sshll.u32 s1, $0xD;
	s1 =	sshrl.u32 s1, $0x2  }
0xbd: {  	s3 =	sand.u32 $0x4000, s31;
	s1 =	sadd.s32 s1, s30  }
0xbe: {  	s0 =	sor.u32 s3, s0;
	s1 =	sshll.u32 s1, $0x11  }
0xbf: {  	s0 =	sor.u32 s1, s0  }
0xc0: {  	s0 =	sadd.s32 $0x8F2B, s0  }
0xc1: {  	[sflag:s0] =	ssyncadd.remote.s32 $0x1  }
0xc2: {  	_ =	sfence.sel $0xFFFF  }
0xc3: {  	[dreg:$0x0] =	wrdreg $0xFFFFFFFF;
	(pc) =	sbr.abs _section_cstart, $3  }
0xc4: {  	[dreg:$0x1] =	wrdreg $0xFFFFFFFF  }
0xc5: {  	_ =	task.clear_ibuf [dreg:s9], $0x2FFFF;
	_ =	strace $0x9FFFFFFF  }
0xc6: {  	(tm) =	ssettm $0x7FFFFFFF  }
0xc7: {  	_ =	shalt  }
tec
execute0_lowered:
.L_overlay_start_1:
0x0: {  	(tag) =	ssettag $0x1  }
0x1: {  	s1 =	rddreg [dreg:$0x0]  }
0x2: {  	s2 =	rddreg [dreg:$0x1]  }
0x3: {  	s3 =	rddreg [dreg:$0x2]  }
0x4: {  	s0 =	rddreg [dreg:$0x3]  }
0x5: {  	s5 =	simm.s32 $0x0;
	s4 =	srdreg.scid;
	s6 =	stileid.u32  }
0x6: {  	s16 =	simm.s32 $0x5;
	s17 =	simm.s32 $0x100;
	s15 =	simm.s32 $0xA100  }
0x7: {  	s30 =	simm.s32 $0x11100;
	s31 =	simm.s32 $0x11900;
	s11 =	simm.s32 $0x16100  }
0x8: {  	s12 =	simm.s32 $0x1;
	s18 =	simm.s32 $0x2;
	s19 =	simm.s32 $0x3  }
0x9: {  	s21 =	simm.s32 $0x0;
	[smem:$0x7FF] =	sst s5;
	s4 =	sand.u32 $0x1, s4  }
0xa: {  	s6 =	sshll.u32 s6, $0x1;
	s7 =	sadd.s32 $0x400, s0;
	s8 =	ssub.s32 $0x2, s4  }
0xb: {  	_ =	strace $0x80000047;
	s6 =	sor.u32 s4, s6;
	s23 =	sshrl.u32 s8, $0x1  }
0xc: {  	s9 =	smul.u32 $0x9, s6;
	s10 =	sor.u32 $0x20, s6;
	s28 =	sshll.u32 s6, $0xA  }
0xd: {  	s13 =	sor.u32 $0x40, s6;
	s14 =	sor.u32 $0x60, s6;
	s24 =	ssub.s32 s8, s23  }
0xe: {  	s25 =	smul.u32 $0x9, s10;
	s8 =	sadd.s32 s2, s28;
	s29 =	sshll.u32 s10, $0xA  }
.Ltmp0:
0xf: {  	s26 =	sadd.s32 s3, s9;
	[dreg:$0x6] =	wrdreg s8;
	(pc) =	sbr.rel .LBB2_1-.Ltmp0, $4  }
0x10: {  	s10 =	simm.s32 $0x19900;
	s0 =	smax.u32 s24, $0x1;
	[dreg:$0x5] =	wrdreg s26  }
0x11: {  	v2 =	vlaneseq.u32;
	s9 =	sadd.s32 $0x100, s1;
	s4 =	sadd.s32 s3, s25;
	[dreg:$0x9] =	wrdreg s0  }
0x12: {  	vm0 =	vmmov $0xffff;
	v1 =	vshrl.u32 v2, $0x3;
	s8 =	simm.s32 $0x19100;
	[dreg:$0x7] =	wrdreg s4;
	s4 =	sadd.s32 s2, s29  }
0x13: {  	v0 =	vand.u32 $0x7, v2;
	v2 =	vor.u32 $0x8, v2;
	v1 =	vmul.u32 $0x8, v1;
	s0 =	simm.s32 $0x12100;
	[dreg:$0x8] =	wrdreg s4;
	s4 =	simm.s32 $0x12900  }
.LBB2_17:
0x14: {  	s21 =	rddreg [dreg:$0xa]  }
0x15: {  	s20 =	rddreg [dreg:$0x9];
	s21 =	sadd.s32 $0x1, s21  }
0x16: {  	p0 =	sne.s32 s21, s20  }
.Ltmp1:
0x17: {  	_ = 	snop;
	(pc) =	sbr.rel @!p0 .LBB2_18-.Ltmp1, $1  }
0x18: {  	_ =	sdelay $0x3  }
.LBB2_1:
0x19: {  	[dreg:$0xa] =	wrdreg s21  }
0x1a: {  	s20 =	rddreg [dreg:$0x5]  }
0x1b: {  	[tilespmem:s5], [sflag:$0x5] =	stream.linear.gather [hbm4b:s20+s5], $0x48, $0x38;
	[tilespmem:$0x1A100] =	vst v63  }
0x1c: {  	_ =	swait.ge [sflag:s16], $0x48  }
0x1d: {  	[sflag:s16] =	ssyncset.done $0x0  }
0x1e: {  	[sflag:s16] =	ssyncadd.s32 $0xFFFFFFB8  }
0x1f: {  	v3 =	vld.msk [tilespmem:$0x0], $0xff;
	_ =	sdelay $0x4  }
0x20: {  	v4 =	vshll.u32 v3, $0x2  }
0x21: {  	v3 =	vand.u32 $0x7, v3;
	v4 =	vand.u32 $0xFFFFFFE0, v4  }
0x22: {  	v3 =	vor.u32 v3, v4  }
0x23: {  	v3 =	vperm.xlane v3, v0;
	_ =	sdelay $0x1  }
0x24: {  	v3 =	vadd.s32 v1, v3;
	_ =	sdelay $0x4  }
0x25: {  	[tilespmem:s17], [sflag:$0x1] =	stream.indirect_vreg.gather [hbm4b:s1+s5], $0x80, v3, vm0, $0xb8;
	[tilespmem:$0x1A100] =	vst v63  }
0x26: {  	s29 =	simm.s32 $0x900  }
0x27: {  	[tilespmem:s29], [sflag:$0x1] =	stream.indirect_vreg.gather [hbm4b:s9+s5], $0x80, v3, vm0, $0xb8;
	[tilespmem:$0x1A100] =	vst v63  }
0x28: {  	v3 =	vld [tilespmem:$0x8];
	_ =	sdelay $0x4  }
0x29: {  	v53 =	vshll.u32 v3, $0x2  }
0x2a: {  	v3 =	vand.u32 $0x7, v3;
	v4 =	vand.u32 $0xFFFFFFE0, v53  }
0x2b: {  	v3 =	vor.u32 v3, v4  }
0x2c: {  	v4 =	vperm.xlane v3, v0;
	_ =	sdelay $0x1  }
0x2d: {  	v4 =	vadd.s32 v1, v4;
	_ =	sdelay $0x1  }
0x2e: {  	v3 =	vperm.xlane v3, v2;
	_ =	sdelay $0x1  }
0x2f: {  	s21 =	simm.s32 $0x2100;
	v3 =	vadd.s32 v1, v3  }
0x30: {  	[tilespmem:s21], [sflag:$0x1] =	stream.indirect_vreg.gather [hbm4b:s1+s5], $0x80, v4, vm0, $0xb8;
	[tilespmem:$0x1A100] =	vst v63  }
0x31: {  	s22 =	simm.s32 $0x2900  }
0x32: {  	[tilespmem:s22], [sflag:$0x1] =	stream.indirect_vreg.gather [hbm4b:s9+s5], $0x80, v4, vm0, $0xb8;
	[tilespmem:$0x1A100] =	vst v63  }
0x33: {  	s23 =	simm.s32 $0x3100  }
0x34: {  	[tilespmem:s23], [sflag:$0x1] =	stream.indirect_vreg.gather [hbm4b:s1+s5], $0x80, v3, vm0, $0xb8;
	[tilespmem:$0x1A100] =	vst v63  }
0x35: {  	s24 =	simm.s32 $0x3900  }
0x36: {  	[tilespmem:s24], [sflag:$0x1] =	stream.indirect_vreg.gather [hbm4b:s9+s5], $0x80, v3, vm0, $0xb8;
	[tilespmem:$0x1A100] =	vst v63  }
0x37: {  	v3 =	vld [tilespmem:$0x18];
	_ =	sdelay $0x4  }
0x38: {  	v54 =	vshll.u32 v3, $0x2  }
0x39: {  	v3 =	vand.u32 $0x7, v3;
	v4 =	vand.u32 $0xFFFFFFE0, v54  }
0x3a: {  	v3 =	vor.u32 v3, v4  }
0x3b: {  	v4 =	vperm.xlane v3, v0;
	_ =	sdelay $0x1  }
0x3c: {  	v4 =	vadd.s32 v1, v4;
	_ =	sdelay $0x1  }
0x3d: {  	v3 =	vperm.xlane v3, v2;
	_ =	sdelay $0x1  }
0x3e: {  	s25 =	simm.s32 $0x4100;
	v3 =	vadd.s32 v1, v3  }
0x3f: {  	[tilespmem:s25], [sflag:$0x1] =	stream.indirect_vreg.gather [hbm4b:s1+s5], $0x80, v4, vm0, $0xb8;
	[tilespmem:$0x1A100] =	vst v63  }
0x40: {  	s26 =	simm.s32 $0x4900  }
0x41: {  	[tilespmem:s26], [sflag:$0x1] =	stream.indirect_vreg.gather [hbm4b:s9+s5], $0x80, v4, vm0, $0xb8;
	[tilespmem:$0x1A100] =	vst v63  }
0x42: {  	s28 =	simm.s32 $0x5100  }
0x43: {  	[tilespmem:s28], [sflag:$0x1] =	stream.indirect_vreg.gather [hbm4b:s1+s5], $0x80, v3, vm0, $0xb8;
	[tilespmem:$0x1A100] =	vst v63  }
0x44: {  	s29 =	simm.s32 $0x5900  }
0x45: {  	[tilespmem:s29], [sflag:$0x1] =	stream.indirect_vreg.gather [hbm4b:s9+s5], $0x80, v3, vm0, $0xb8;
	[tilespmem:$0x1A100] =	vst v63  }
0x46: {  	v3 =	vld [tilespmem:$0x28];
	_ =	sdelay $0x4  }
0x47: {  	v55 =	vshll.u32 v3, $0x2  }
0x48: {  	v3 =	vand.u32 $0x7, v3;
	v4 =	vand.u32 $0xFFFFFFE0, v55  }
0x49: {  	v3 =	vor.u32 v3, v4  }
0x4a: {  	v4 =	vperm.xlane v3, v0;
	_ =	sdelay $0x1  }
0x4b: {  	v4 =	vadd.s32 v1, v4;
	_ =	sdelay $0x1  }
0x4c: {  	v3 =	vperm.xlane v3, v2;
	_ =	sdelay $0x1  }
0x4d: {  	s21 =	simm.s32 $0x6100;
	v3 =	vadd.s32 v1, v3  }
0x4e: {  	[tilespmem:s21], [sflag:$0x1] =	stream.indirect_vreg.gather [hbm4b:s1+s5], $0x80, v4, vm0, $0xb8;
	[tilespmem:$0x1A100] =	vst v63  }
0x4f: {  	s22 =	simm.s32 $0x6900  }
0x50: {  	[tilespmem:s22], [sflag:$0x1] =	stream.indirect_vreg.gather [hbm4b:s9+s5], $0x80, v4, vm0, $0xb8;
	[tilespmem:$0x1A100] =	vst v63  }
0x51: {  	s23 =	simm.s32 $0x7100  }
0x52: {  	[tilespmem:s23], [sflag:$0x1] =	stream.indirect_vreg.gather [hbm4b:s1+s5], $0x80, v3, vm0, $0xb8;
	[tilespmem:$0x1A100] =	vst v63  }
0x53: {  	s24 =	simm.s32 $0x7900  }
0x54: {  	[tilespmem:s24], [sflag:$0x1] =	stream.indirect_vreg.gather [hbm4b:s9+s5], $0x80, v3, vm0, $0xb8;
	[tilespmem:$0x1A100] =	vst v63  }
0x55: {  	v3 =	vld.msk [tilespmem:$0x38], $0xff;
	_ =	sdelay $0x4  }
0x56: {  	v56 =	vshll.u32 v3, $0x2  }
0x57: {  	v3 =	vand.u32 $0x7, v3;
	v4 =	vand.u32 $0xFFFFFFE0, v56  }
0x58: {  	v3 =	vor.u32 v3, v4  }
0x59: {  	v3 =	vperm.xlane v3, v0;
	_ =	sdelay $0x1  }
0x5a: {  	v3 =	vadd.s32 v1, v3;
	_ =	sdelay $0x3  }
0x5b: {  	s25 =	simm.s32 $0x8100  }
0x5c: {  	[tilespmem:s25], [sflag:$0x1] =	stream.indirect_vreg.gather [hbm4b:s1+s5], $0x80, v3, vm0, $0xb8;
	[tilespmem:$0x1A100] =	vst v63  }
0x5d: {  	s26 =	simm.s32 $0x8900  }
0x5e: {  	[tilespmem:s26], [sflag:$0x1] =	stream.indirect_vreg.gather [hbm4b:s9+s5], $0x80, v3, vm0, $0xb8;
	[tilespmem:$0x1A100] =	vst v63  }
0x5f: {  	v3 =	vld.msk [tilespmem:$0x40], $0xff;
	_ =	sdelay $0x4  }
0x60: {  	v57 =	vshll.u32 v3, $0x2  }
0x61: {  	v3 =	vand.u32 $0x7, v3;
	v4 =	vand.u32 $0xFFFFFFE0, v57  }
0x62: {  	v3 =	vor.u32 v3, v4  }
0x63: {  	v3 =	vperm.xlane v3, v0;
	_ =	sdelay $0x1  }
0x64: {  	v3 =	vadd.s32 v1, v3;
	_ =	sdelay $0x3  }
0x65: {  	s28 =	simm.s32 $0x18100  }
0x66: {  	[tilespmem:s28], [sflag:$0x1] =	stream.indirect_vreg.gather [hbm4b:s1+s5], $0x80, v3, vm0, $0xb8;
	[tilespmem:$0x1A100] =	vst v63  }
0x67: {  	s29 =	simm.s32 $0x18900  }
0x68: {  	[tilespmem:s29], [sflag:$0x1] =	stream.indirect_vreg.gather [hbm4b:s9+s5], $0x80, v3, vm0, $0xb8;
	[tilespmem:$0x1A100] =	vst v63  }
0x69: {  	s21 =	rddreg [dreg:$0x6];
	s22 =	simm.s32 $0x14100  }
0x6a: {  	[tilespmem:s22], [sflag:$0x1] =	stream.linear.gather [hbm4b:s21+s5], $0x2000, $0x38;
	[tilespmem:$0x1A100] =	vst v63  }
0x6b: {  	s23 =	rddreg [dreg:$0x7];
	s24 =	simm.s32 $0x80  }
0x6c: {  	[tilespmem:s24], [sflag:$0x5] =	stream.linear.gather [hbm4b:s23+s5], $0x48, $0x38;
	[tilespmem:$0x1A100] =	vst v63  }
0x6d: {  	_ =	swait.ge [sflag:s16], $0x48  }
0x6e: {  	[sflag:s16] =	ssyncset.done $0x0  }
0x6f: {  	[sflag:s16] =	ssyncadd.s32 $0xFFFFFFB8  }
0x70: {  	v3 =	vld.msk [tilespmem:$0x80], $0xff;
	_ =	sdelay $0x4  }
0x71: {  	v58 =	vshll.u32 v3, $0x2  }
0x72: {  	v3 =	vand.u32 $0x7, v3;
	v4 =	vand.u32 $0xFFFFFFE0, v58  }
0x73: {  	v3 =	vor.u32 v3, v4  }
0x74: {  	v3 =	vperm.xlane v3, v0;
	_ =	sdelay $0x1  }
0x75: {  	v3 =	vadd.s32 v1, v3;
	_ =	sdelay $0x4  }
0x76: {  	[tilespmem:s15], [sflag:$0x2] =	stream.indirect_vreg.gather [hbm4b:s1+s5], $0x80, v3, vm0, $0xb8;
	[tilespmem:$0x1A100] =	vst v63  }
0x77: {  	s25 =	simm.s32 $0xA900  }
0x78: {  	[tilespmem:s25], [sflag:$0x2] =	stream.indirect_vreg.gather [hbm4b:s9+s5], $0x80, v3, vm0, $0xb8;
	[tilespmem:$0x1A100] =	vst v63  }
0x79: {  	v3 =	vld [tilespmem:$0x88];
	_ =	sdelay $0x4  }
0x7a: {  	v59 =	vshll.u32 v3, $0x2  }
0x7b: {  	v3 =	vand.u32 $0x7, v3;
	v4 =	vand.u32 $0xFFFFFFE0, v59  }
0x7c: {  	v3 =	vor.u32 v3, v4  }
0x7d: {  	v4 =	vperm.xlane v3, v0;
	_ =	sdelay $0x1  }
0x7e: {  	v4 =	vadd.s32 v1, v4;
	_ =	sdelay $0x1  }
0x7f: {  	v3 =	vperm.xlane v3, v2;
	_ =	sdelay $0x1  }
0x80: {  	s26 =	simm.s32 $0xC100;
	v3 =	vadd.s32 v1, v3  }
0x81: {  	[tilespmem:s26], [sflag:$0x2] =	stream.indirect_vreg.gather [hbm4b:s1+s5], $0x80, v4, vm0, $0xb8;
	[tilespmem:$0x1A100] =	vst v63  }
0x82: {  	s28 =	simm.s32 $0xC900  }
0x83: {  	[tilespmem:s28], [sflag:$0x2] =	stream.indirect_vreg.gather [hbm4b:s9+s5], $0x80, v4, vm0, $0xb8;
	[tilespmem:$0x1A100] =	vst v63  }
0x84: {  	s29 =	simm.s32 $0xD100  }
0x85: {  	[tilespmem:s29], [sflag:$0x2] =	stream.indirect_vreg.gather [hbm4b:s1+s5], $0x80, v3, vm0, $0xb8;
	[tilespmem:$0x1A100] =	vst v63  }
0x86: {  	s21 =	simm.s32 $0xD900  }
0x87: {  	[tilespmem:s21], [sflag:$0x2] =	stream.indirect_vreg.gather [hbm4b:s9+s5], $0x80, v3, vm0, $0xb8;
	[tilespmem:$0x1A100] =	vst v63  }
0x88: {  	v3 =	vld [tilespmem:$0x98];
	_ =	sdelay $0x4  }
0x89: {  	v60 =	vshll.u32 v3, $0x2  }
0x8a: {  	v3 =	vand.u32 $0x7, v3;
	v4 =	vand.u32 $0xFFFFFFE0, v60  }
0x8b: {  	v3 =	vor.u32 v3, v4  }
0x8c: {  	v4 =	vperm.xlane v3, v0;
	_ =	sdelay $0x1  }
0x8d: {  	v4 =	vadd.s32 v1, v4;
	_ =	sdelay $0x1  }
0x8e: {  	v3 =	vperm.xlane v3, v2;
	_ =	sdelay $0x1  }
0x8f: {  	s22 =	simm.s32 $0xE100;
	v3 =	vadd.s32 v1, v3  }
0x90: {  	[tilespmem:s22], [sflag:$0x2] =	stream.indirect_vreg.gather [hbm4b:s1+s5], $0x80, v4, vm0, $0xb8;
	[tilespmem:$0x1A100] =	vst v63  }
0x91: {  	s23 =	simm.s32 $0xE900  }
0x92: {  	[tilespmem:s23], [sflag:$0x2] =	stream.indirect_vreg.gather [hbm4b:s9+s5], $0x80, v4, vm0, $0xb8;
	[tilespmem:$0x1A100] =	vst v63  }
0x93: {  	s24 =	simm.s32 $0xF100  }
0x94: {  	[tilespmem:s24], [sflag:$0x2] =	stream.indirect_vreg.gather [hbm4b:s1+s5], $0x80, v3, vm0, $0xb8;
	[tilespmem:$0x1A100] =	vst v63  }
0x95: {  	s25 =	simm.s32 $0xF900  }
0x96: {  	[tilespmem:s25], [sflag:$0x2] =	stream.indirect_vreg.gather [hbm4b:s9+s5], $0x80, v3, vm0, $0xb8;
	[tilespmem:$0x1A100] =	vst v63  }
0x97: {  	v3 =	vld [tilespmem:$0xA8];
	_ =	sdelay $0x4  }
0x98: {  	v61 =	vshll.u32 v3, $0x2  }
0x99: {  	v3 =	vand.u32 $0x7, v3;
	v4 =	vand.u32 $0xFFFFFFE0, v61  }
0x9a: {  	v3 =	vor.u32 v3, v4  }
0x9b: {  	v4 =	vperm.xlane v3, v0;
	_ =	sdelay $0x1  }
0x9c: {  	v4 =	vadd.s32 v1, v4;
	_ =	sdelay $0x1  }
0x9d: {  	v3 =	vperm.xlane v3, v2;
	_ =	sdelay $0x1  }
0x9e: {  	s26 =	simm.s32 $0x10100;
	v3 =	vadd.s32 v1, v3  }
0x9f: {  	[tilespmem:s26], [sflag:$0x2] =	stream.indirect_vreg.gather [hbm4b:s1+s5], $0x80, v4, vm0, $0xb8;
	[tilespmem:$0x1A100] =	vst v63  }
0xa0: {  	s28 =	simm.s32 $0x10900  }
0xa1: {  	[tilespmem:s28], [sflag:$0x2] =	stream.indirect_vreg.gather [hbm4b:s9+s5], $0x80, v4, vm0, $0xb8;
	[tilespmem:$0x1A100] =	vst v63  }
0xa2: {  	_ = 	snop  }
0xa3: {  	[tilespmem:s30], [sflag:$0x2] =	stream.indirect_vreg.gather [hbm4b:s1+s5], $0x80, v3, vm0, $0xb8;
	[tilespmem:$0x1A100] =	vst v63  }
0xa4: {  	_ = 	snop  }
0xa5: {  	[tilespmem:s31], [sflag:$0x2] =	stream.indirect_vreg.gather [hbm4b:s9+s5], $0x80, v3, vm0, $0xb8;
	[tilespmem:$0x1A100] =	vst v63  }
0xa6: {  	v3 =	vld.msk [tilespmem:$0xB8], $0xff;
	_ =	sdelay $0x4  }
0xa7: {  	v62 =	vshll.u32 v3, $0x2  }
0xa8: {  	v3 =	vand.u32 $0x7, v3;
	v4 =	vand.u32 $0xFFFFFFE0, v62  }
0xa9: {  	v3 =	vor.u32 v3, v4  }
0xaa: {  	v3 =	vperm.xlane v3, v0;
	_ =	sdelay $0x1  }
0xab: {  	v3 =	vadd.s32 v1, v3;
	_ =	sdelay $0x4  }
0xac: {  	[tilespmem:s0], [sflag:$0x2] =	stream.indirect_vreg.gather [hbm4b:s1+s5], $0x80, v3, vm0, $0xb8;
	[tilespmem:$0x1A100] =	vst v63  }
0xad: {  	_ = 	snop  }
0xae: {  	[tilespmem:s4], [sflag:$0x2] =	stream.indirect_vreg.gather [hbm4b:s9+s5], $0x80, v3, vm0, $0xb8;
	[tilespmem:$0x1A100] =	vst v63  }
0xaf: {  	v3 =	vld.msk [tilespmem:$0xC0], $0xff;
	_ =	sdelay $0x4  }
0xb0: {  	v63 =	vshll.u32 v3, $0x2  }
0xb1: {  	v3 =	vand.u32 $0x7, v3;
	v4 =	vand.u32 $0xFFFFFFE0, v63  }
0xb2: {  	v3 =	vor.u32 v3, v4  }
0xb3: {  	v3 =	vperm.xlane v3, v0;
	_ =	sdelay $0x1  }
0xb4: {  	v3 =	vadd.s32 v1, v3;
	_ =	sdelay $0x4  }
0xb5: {  	[tilespmem:s8], [sflag:$0x2] =	stream.indirect_vreg.gather [hbm4b:s1+s5], $0x80, v3, vm0, $0xb8;
	[tilespmem:$0x1A100] =	vst v63  }
.Ltmp2:
0xb6: {  	_ = 	snop;
	(pc) =	sbr.rel .LBB2_2-.Ltmp2, $4  }
0xb7: {  	_ = 	snop  }
0xb8: {  	[tilespmem:s10], [sflag:$0x2] =	stream.indirect_vreg.gather [hbm4b:s9+s5], $0x80, v3, vm0, $0xb8;
	[tilespmem:$0x1A100] =	vst v63  }
0xb9: {  	s20 =	simm.s32 $0x0;
	s29 =	rddreg [dreg:$0x8]  }
0xba: {  	[tilespmem:s11], [sflag:$0x2] =	stream.linear.gather [hbm4b:s29+s5], $0x2000, $0x38;
	[tilespmem:$0x1A100] =	vst v63  }
.LBB2_16:
0xbb: {  	s20 =	sadd.s32 $0x1, s20  }
0xbc: {  	p0 =	sne.s32 s20, $0x10  }
.Ltmp3:
0xbd: {  	_ = 	snop;
	(pc) =	sbr.rel @!p0 .LBB2_17-.Ltmp3, $1  }
0xbe: {  	_ =	sdelay $0x3  }
.LBB2_2:
0xbf: {  	_ =	swait.ge [sflag:s12], $0x1000  }
0xc0: {  	[sflag:s12] =	ssyncset.done $0x0  }
0xc1: {  	[sflag:s12] =	ssyncadd.s32 $0xFFFFF000  }
0xc2: {  	_ =	swait.ge [sflag:s12], $0x7000  }
0xc3: {  	[sflag:s12] =	ssyncset.done $0x0  }
0xc4: {  	[sflag:s12] =	ssyncadd.s32 $0xFFFF9000  }
0xc5: {  	_ =	swait.ge [sflag:s12], $0x1000  }
0xc6: {  	[sflag:s12] =	ssyncset.done $0x0  }
0xc7: {  	[sflag:s12] =	ssyncadd.s32 $0xFFFFF000  }
0xc8: {  	_ =	swait.ge [sflag:s12], $0x2000  }
0xc9: {  	[sflag:s12] =	ssyncset.done $0x0  }
0xca: {  	s25 =	simm.s32 $0x0;
	[sflag:s12] =	ssyncadd.s32 $0xFFFFE000  }
0xcb: {  	v3 =	vld [tilespmem:s25+$0x18D70]  }
0xcc: {  	v4 =	vld [tilespmem:s25+$0x18100]  }
0xcd: {  	v5 =	vld [tilespmem:s25+$0x18110]  }
0xce: {  	v6 =	vld [tilespmem:s25+$0x18120]  }
0xcf: {  	v7 =	vld [tilespmem:s25+$0x18130]  }
0xd0: {  	v8 =	vld [tilespmem:s25+$0x18140];
	[tilespmem:s25+$0x9D70] =	vst v3  }
0xd1: {  	[tilespmem:s25+$0x9100] =	vst v4;
	v3 =	vld [tilespmem:s25+$0x18150]  }
0xd2: {  	[tilespmem:s25+$0x9110] =	vst v5;
	v4 =	vld [tilespmem:s25+$0x18160]  }
0xd3: {  	[tilespmem:s25+$0x9120] =	vst v6;
	v5 =	vld [tilespmem:s25+$0x18170]  }
0xd4: {  	[tilespmem:s25+$0x9130] =	vst v7;
	v6 =	vld [tilespmem:s25+$0x18500]  }
0xd5: {  	[tilespmem:s25+$0x9140] =	vst v8;
	v7 =	vld [tilespmem:s25+$0x18510]  }
0xd6: {  	v8 =	vld [tilespmem:s25+$0x18D10];
	[tilespmem:s25+$0x9150] =	vst v3  }
0xd7: {  	v3 =	vld [tilespmem:s25+$0x18520];
	[tilespmem:s25+$0x9160] =	vst v4  }
0xd8: {  	v4 =	vld [tilespmem:s25+$0x18530];
	[tilespmem:s25+$0x9170] =	vst v5  }
0xd9: {  	v5 =	vld [tilespmem:s25+$0x18540];
	[tilespmem:s25+$0x9500] =	vst v6  }
0xda: {  	v6 =	vld [tilespmem:s25+$0x18550];
	[tilespmem:s25+$0x9510] =	vst v7  }
0xdb: {  	v7 =	vld [tilespmem:s25+$0x18560];
	[tilespmem:s25+$0x9D10] =	vst v8  }
0xdc: {  	[tilespmem:s25+$0x9520] =	vst v3;
	v3 =	vld [tilespmem:s25+$0x18570]  }
0xdd: {  	[tilespmem:s25+$0x9530] =	vst v4;
	v4 =	vld [tilespmem:s25+$0x18900]  }
0xde: {  	[tilespmem:s25+$0x9540] =	vst v5;
	v5 =	vld [tilespmem:s25+$0x18910]  }
0xdf: {  	[tilespmem:s25+$0x9550] =	vst v6;
	v6 =	vld [tilespmem:s25+$0x18920]  }
0xe0: {  	[tilespmem:s25+$0x9560] =	vst v7;
	v7 =	vld [tilespmem:s25+$0x18930]  }
0xe1: {  	[tilespmem:s25+$0x9570] =	vst v3;
	v3 =	vld [tilespmem:s25+$0x18940]  }
0xe2: {  	[tilespmem:s25+$0x9900] =	vst v4;
	v4 =	vld [tilespmem:s25+$0x18950]  }
0xe3: {  	[tilespmem:s25+$0x9910] =	vst v5;
	v5 =	vld [tilespmem:s25+$0x18960]  }
0xe4: {  	[tilespmem:s25+$0x9920] =	vst v6;
	v6 =	vld [tilespmem:s25+$0x18970]  }
0xe5: {  	[tilespmem:s25+$0x9930] =	vst v7;
	v7 =	vld [tilespmem:s25+$0x18D00]  }
0xe6: {  	[tilespmem:s25+$0x9940] =	vst v3;
	v3 =	vld [tilespmem:s25+$0x18D20]  }
0xe7: {  	[tilespmem:s25+$0x9950] =	vst v4;
	v4 =	vld [tilespmem:s25+$0x18D30]  }
0xe8: {  	[tilespmem:s25+$0x9960] =	vst v5;
	v5 =	vld [tilespmem:s25+$0x18D40]  }
0xe9: {  	s21 =	sshll.u32 s20, $0x6;
	s24 =	simm.s32 $0x0;
	s23 =	simm.s32 $0x200;
	[tilespmem:s25+$0x9970] =	vst v6;
	v6 =	vld [tilespmem:s25+$0x18D50]  }
0xea: {  	s28 =	simm.s32 $0x80;
	s26 =	simm.s32 $0x400;
	s22 =	sor.u32 s6, s21;
	[tilespmem:s25+$0x9D00] =	vst v7;
	v7 =	vld [tilespmem:s25+$0x18D60]  }
.LBB2_3:
0xeb: {  	p0 =	sne.s32 s26, $0x800;
	v8 =	vld [tilespmem:s28+$0x18D70];
	[tilespmem:s25+$0x9D20] =	vst v3  }
0xec: {  	v3 =	vld [tilespmem:s28+$0x18100];
	[tilespmem:s25+$0x9D30] =	vst v4  }
0xed: {  	v4 =	vld [tilespmem:s28+$0x18110];
	[tilespmem:s25+$0x9D40] =	vst v5  }
0xee: {  	v5 =	vld [tilespmem:s28+$0x18120];
	[tilespmem:s25+$0x9D50] =	vst v6  }
0xef: {  	v6 =	vld [tilespmem:s28+$0x18130];
	[tilespmem:s25+$0x9D60] =	vst v7;
	s25 =	smov.u32 s28  }
0xf0: {  	v7 =	vld [tilespmem:s25+$0x18140];
	[tilespmem:s25+$0x9D70] =	vst v8  }
0xf1: {  	[tilespmem:s25+$0x9100] =	vst v3;
	v3 =	vld [tilespmem:s25+$0x18150]  }
0xf2: {  	[tilespmem:s25+$0x9110] =	vst v4;
	v4 =	vld [tilespmem:s25+$0x18160]  }
0xf3: {  	[tilespmem:s25+$0x9120] =	vst v5;
	v5 =	vld [tilespmem:s25+$0x18170]  }
0xf4: {  	[tilespmem:s25+$0x9130] =	vst v6;
	v6 =	vld [tilespmem:s25+$0x18500]  }
0xf5: {  	[tilespmem:s25+$0x9140] =	vst v7;
	v7 =	vld [tilespmem:s25+$0x18510]  }
0xf6: {  	[tilespmem:s25+$0x9150] =	vst v3;
	v3 =	vld [tilespmem:s25+$0x18520]  }
0xf7: {  	[tilespmem:s25+$0x9160] =	vst v4;
	v4 =	vld [tilespmem:s25+$0x18530]  }
0xf8: {  	[tilespmem:s25+$0x9170] =	vst v5;
	v5 =	vld [tilespmem:s25+$0x18540]  }
0xf9: {  	[tilespmem:s25+$0x9500] =	vst v6;
	v6 =	vld [tilespmem:s25+$0x18550]  }
0xfa: {  	[tilespmem:s25+$0x9510] =	vst v7;
	v7 =	vld [tilespmem:s25+$0x18560]  }
0xfb: {  	[tilespmem:s25+$0x9520] =	vst v3;
	v3 =	vld [tilespmem:s25+$0x18570]  }
0xfc: {  	[tilespmem:s25+$0x9530] =	vst v4;
	v4 =	vld [tilespmem:s25+$0x18900]  }
0xfd: {  	[tilespmem:s25+$0x9540] =	vst v5;
	v5 =	vld [tilespmem:s25+$0x18910]  }
0xfe: {  	[tilespmem:s25+$0x9550] =	vst v6;
	v6 =	vld [tilespmem:s25+$0x18920]  }
0xff: {  	[tilespmem:s25+$0x9560] =	vst v7;
	v7 =	vld [tilespmem:s25+$0x18930]  }
0x100: {  	[tilespmem:s25+$0x9570] =	vst v3;
	v3 =	vld [tilespmem:s25+$0x18940]  }
0x101: {  	[tilespmem:s25+$0x9900] =	vst v4;
	v4 =	vld [tilespmem:s25+$0x18950]  }
0x102: {  	[tilespmem:s25+$0x9910] =	vst v5;
	v5 =	vld [tilespmem:s25+$0x18960]  }
0x103: {  	[tilespmem:s25+$0x9920] =	vst v6;
	v6 =	vld [tilespmem:s25+$0x18970]  }
0x104: {  	[tilespmem:s25+$0x9930] =	vst v7;
	v7 =	vld [tilespmem:s25+$0x18D00]  }
0x105: {  	[tilespmem:s25+$0x9940] =	vst v3;
	v8 =	vld [tilespmem:s25+$0x18D10]  }
.Ltmp4:
0x106: {  	[tilespmem:s25+$0x9950] =	vst v4;
	v3 =	vld [tilespmem:s25+$0x18D20];
	(pc) =	sbr.rel @p0 .LBB2_3-.Ltmp4, $4  }
0x107: {  	[tilespmem:s25+$0x9960] =	vst v5;
	v4 =	vld [tilespmem:s25+$0x18D30]  }
0x108: {  	[tilespmem:s25+$0x9970] =	vst v6;
	v5 =	vld [tilespmem:s25+$0x18D40]  }
0x109: {  	[tilespmem:s25+$0x9D00] =	vst v7;
	v6 =	vld [tilespmem:s25+$0x18D50]  }
0x10a: {  	s28 =	sshra.s32 s26, $0x2;
	s26 =	sadd.s32 $0x200, s26;
	[tilespmem:s25+$0x9D10] =	vst v8;
	v7 =	vld [tilespmem:s25+$0x18D60]  }
0x10b: {  	v8 =	vld [tilespmem:s28+$0x18D70];
	[tilespmem:s25+$0x9D20] =	vst v3  }
0x10c: {  	v3 =	vld [tilespmem:s28+$0x18100];
	[tilespmem:s25+$0x9D30] =	vst v4  }
0x10d: {  	v4 =	vld [tilespmem:s28+$0x18110];
	[tilespmem:s25+$0x9D40] =	vst v5  }
0x10e: {  	v5 =	vld [tilespmem:s28+$0x18120];
	[tilespmem:s25+$0x9D50] =	vst v6  }
0x10f: {  	v6 =	vld [tilespmem:s28+$0x18130];
	[tilespmem:s25+$0x9D60] =	vst v7  }
0x110: {  	v7 =	vld [tilespmem:s28+$0x18140];
	[tilespmem:s28+$0x9D70] =	vst v8  }
0x111: {  	[tilespmem:s28+$0x9100] =	vst v3;
	v3 =	vld [tilespmem:s28+$0x18150]  }
0x112: {  	v54 =	vld [tilespmem:s28+$0x18500];
	[tilespmem:s28+$0x9110] =	vst v4  }
0x113: {  	v55 =	vld [tilespmem:s28+$0x18510];
	[tilespmem:s28+$0x9120] =	vst v5  }
0x114: {  	v4 =	vld [tilespmem:s28+$0x18160];
	[tilespmem:s28+$0x9130] =	vst v6  }
0x115: {  	v5 =	vld [tilespmem:s28+$0x18170];
	[tilespmem:s28+$0x9140] =	vst v7  }
0x116: {  	[tilespmem:s28+$0x9150] =	vst v3;
	v3 =	vld [tilespmem:s28+$0x18520]  }
0x117: {  	v56 =	vld [tilespmem:s28+$0x18550];
	[tilespmem:s28+$0x9500] =	vst v54  }
0x118: {  	v57 =	vld [tilespmem:s28+$0x18560];
	[tilespmem:s28+$0x9510] =	vst v55  }
0x119: {  	[tilespmem:s28+$0x9160] =	vst v4;
	v4 =	vld [tilespmem:s28+$0x18530]  }
0x11a: {  	[tilespmem:s28+$0x9170] =	vst v5;
	v5 =	vld [tilespmem:s28+$0x18540]  }
0x11b: {  	[tilespmem:s28+$0x9520] =	vst v3;
	v3 =	vld [tilespmem:s28+$0x18570]  }
0x11c: {  	v58 =	vld [tilespmem:s28+$0x18920];
	[tilespmem:s28+$0x9550] =	vst v56  }
0x11d: {  	v59 =	vld [tilespmem:s28+$0x18930];
	[tilespmem:s28+$0x9560] =	vst v57  }
0x11e: {  	[tilespmem:s28+$0x9530] =	vst v4;
	v4 =	vld [tilespmem:s28+$0x18900]  }
0x11f: {  	[tilespmem:s28+$0x9540] =	vst v5;
	v5 =	vld [tilespmem:s28+$0x18910]  }
0x120: {  	[tilespmem:s28+$0x9570] =	vst v3;
	v3 =	vld [tilespmem:s28+$0x18940]  }
0x121: {  	v60 =	vld [tilespmem:s28+$0x18970];
	[tilespmem:s28+$0x9920] =	vst v58  }
0x122: {  	v61 =	vld [tilespmem:s28+$0x18D00];
	[tilespmem:s28+$0x9930] =	vst v59  }
0x123: {  	[tilespmem:s28+$0x9900] =	vst v4;
	v4 =	vld [tilespmem:s28+$0x18950]  }
0x124: {  	[tilespmem:s28+$0x9910] =	vst v5;
	v5 =	vld [tilespmem:s28+$0x18960]  }
0x125: {  	[tilespmem:s28+$0x9940] =	vst v3;
	v3 =	vld [tilespmem:s28+$0x18D10]  }
0x126: {  	v62 =	vld [tilespmem:s28+$0x18D40];
	[tilespmem:s28+$0x9970] =	vst v60  }
0x127: {  	v63 =	vld [tilespmem:s28+$0x18D50];
	[tilespmem:s28+$0x9D00] =	vst v61  }
0x128: {  	[tilespmem:s28+$0x9950] =	vst v4;
	v4 =	vld [tilespmem:s28+$0x18D20]  }
0x129: {  	[tilespmem:s28+$0x9960] =	vst v5;
	v5 =	vld [tilespmem:s28+$0x18D30]  }
0x12a: {  	[tilespmem:s28+$0x9D10] =	vst v3;
	v3 =	vld [tilespmem:s28+$0x18D60]  }
0x12b: {  	[tilespmem:s28+$0x9D40] =	vst v62  }
0x12c: {  	[tilespmem:s28+$0x9D50] =	vst v63  }
0x12d: {  	s26 =	simm.s32 $0x0;
	[tilespmem:s28+$0x9D20] =	vst v4  }
0x12e: {  	s24 =	sand.u32 $0x1000, s24;
	s25 =	sand.u32 $0x380, s26;
	[tilespmem:s28+$0x9D30] =	vst v5  }
0x12f: {  	s25 =	sor.u32 s25, s24;
	[tilespmem:s28+$0x9D60] =	vst v3  }
0x130: {  	v3 =	vld [tilespmem:s25+$0x14100];
	_ =	sdelay $0x1  }
0x131: {  	s29 =	simm.s32 $0x80  }
0x132: {  	s26 =	sand.u32 $0x3000, s23;
	s24 =	sand.u32 $0x380, s29  }
0x133: {  	s24 =	sor.u32 s24, s26  }
0x134: {  	s29 =	sadd.s32 $0x14100, s25;
	[tilespmem:s24+$0x100] =	vst v3  }
0x135: {  	v3 =	vld [tilespmem:s29+$0x10];
	_ =	sdelay $0x4  }
0x136: {  	[tilespmem:s24+$0x110] =	vst v3  }
0x137: {  	v3 =	vld [tilespmem:s29+$0x20];
	_ =	sdelay $0x4  }
0x138: {  	[tilespmem:s24+$0x120] =	vst v3  }
0x139: {  	v3 =	vld [tilespmem:s29+$0x30];
	_ =	sdelay $0x4  }
0x13a: {  	[tilespmem:s24+$0x130] =	vst v3  }
0x13b: {  	v3 =	vld [tilespmem:s29+$0x40];
	_ =	sdelay $0x4  }
0x13c: {  	[tilespmem:s24+$0x140] =	vst v3  }
0x13d: {  	v3 =	vld [tilespmem:s29+$0x50];
	_ =	sdelay $0x4  }
0x13e: {  	[tilespmem:s24+$0x150] =	vst v3  }
0x13f: {  	v3 =	vld [tilespmem:s29+$0x60];
	_ =	sdelay $0x4  }
0x140: {  	[tilespmem:s24+$0x160] =	vst v3  }
0x141: {  	v3 =	vld [tilespmem:s29+$0x70];
	_ =	sdelay $0x4  }
0x142: {  	[tilespmem:s24+$0x170] =	vst v3  }
0x143: {  	v3 =	vld [tilespmem:s29+$0x400];
	_ =	sdelay $0x4  }
0x144: {  	[tilespmem:s24+$0x500] =	vst v3  }
0x145: {  	v3 =	vld [tilespmem:s29+$0x410];
	_ =	sdelay $0x4  }
0x146: {  	[tilespmem:s24+$0x510] =	vst v3  }
0x147: {  	v3 =	vld [tilespmem:s29+$0x420];
	_ =	sdelay $0x4  }
0x148: {  	[tilespmem:s24+$0x520] =	vst v3  }
0x149: {  	v3 =	vld [tilespmem:s29+$0x430];
	_ =	sdelay $0x4  }
0x14a: {  	[tilespmem:s24+$0x530] =	vst v3  }
0x14b: {  	v3 =	vld [tilespmem:s29+$0x440];
	_ =	sdelay $0x4  }
0x14c: {  	[tilespmem:s24+$0x540] =	vst v3  }
0x14d: {  	v3 =	vld [tilespmem:s29+$0x450];
	_ =	sdelay $0x4  }
0x14e: {  	[tilespmem:s24+$0x550] =	vst v3  }
0x14f: {  	v3 =	vld [tilespmem:s29+$0x460];
	_ =	sdelay $0x4  }
0x150: {  	[tilespmem:s24+$0x560] =	vst v3  }
0x151: {  	v3 =	vld [tilespmem:s29+$0x470];
	_ =	sdelay $0x4  }
0x152: {  	[tilespmem:s24+$0x570] =	vst v3  }
0x153: {  	v3 =	vld [tilespmem:s29+$0x800];
	_ =	sdelay $0x4  }
0x154: {  	[tilespmem:s24+$0x900] =	vst v3  }
0x155: {  	v3 =	vld [tilespmem:s29+$0x810];
	_ =	sdelay $0x4  }
0x156: {  	[tilespmem:s24+$0x910] =	vst v3  }
0x157: {  	v3 =	vld [tilespmem:s29+$0x820];
	_ =	sdelay $0x4  }
0x158: {  	[tilespmem:s24+$0x920] =	vst v3  }
0x159: {  	v3 =	vld [tilespmem:s29+$0x830];
	_ =	sdelay $0x4  }
0x15a: {  	[tilespmem:s24+$0x930] =	vst v3  }
0x15b: {  	v3 =	vld [tilespmem:s29+$0x840];
	_ =	sdelay $0x4  }
0x15c: {  	[tilespmem:s24+$0x940] =	vst v3  }
0x15d: {  	v3 =	vld [tilespmem:s29+$0x850];
	_ =	sdelay $0x4  }
0x15e: {  	[tilespmem:s24+$0x950] =	vst v3  }
0x15f: {  	v3 =	vld [tilespmem:s29+$0x860];
	_ =	sdelay $0x4  }
0x160: {  	[tilespmem:s24+$0x960] =	vst v3  }
0x161: {  	v3 =	vld [tilespmem:s29+$0x870];
	_ =	sdelay $0x4  }
0x162: {  	[tilespmem:s24+$0x970] =	vst v3  }
0x163: {  	v3 =	vld [tilespmem:s29+$0xC00];
	_ =	sdelay $0x4  }
0x164: {  	[tilespmem:s24+$0xD00] =	vst v3  }
0x165: {  	v3 =	vld [tilespmem:s29+$0xC10];
	_ =	sdelay $0x4  }
0x166: {  	[tilespmem:s24+$0xD10] =	vst v3  }
0x167: {  	v3 =	vld [tilespmem:s29+$0xC20];
	_ =	sdelay $0x4  }
0x168: {  	[tilespmem:s24+$0xD20] =	vst v3  }
0x169: {  	v3 =	vld [tilespmem:s29+$0xC30];
	_ =	sdelay $0x4  }
0x16a: {  	[tilespmem:s24+$0xD30] =	vst v3  }
0x16b: {  	v3 =	vld [tilespmem:s29+$0xC40];
	_ =	sdelay $0x4  }
0x16c: {  	[tilespmem:s24+$0xD40] =	vst v3  }
0x16d: {  	v3 =	vld [tilespmem:s29+$0xC50];
	_ =	sdelay $0x4  }
0x16e: {  	[tilespmem:s24+$0xD50] =	vst v3  }
0x16f: {  	v3 =	vld [tilespmem:s29+$0xC60];
	_ =	sdelay $0x4  }
0x170: {  	[tilespmem:s24+$0xD60] =	vst v3  }
0x171: {  	v3 =	vld [tilespmem:s29+$0xC70];
	_ =	sdelay $0x2  }
0x172: {  	s26 =	simm.s32 $0x180;
	s28 =	simm.s32 $0x80;
	s25 =	simm.s32 $0x100  }
.LBB2_5:
0x173: {  	p0 =	sne.s32 s26, $0x800;
	s29 =	sand.u32 $0x1000, s23;
	s28 =	sand.u32 $0x380, s28  }
0x174: {  	s28 =	sor.u32 s28, s29;
	[tilespmem:s24+$0xD70] =	vst v3  }
0x175: {  	v3 =	vld [tilespmem:s28+$0x14100];
	_ =	sdelay $0x1  }
0x176: {  	s23 =	sadd.s32 $0x200, s23  }
0x177: {  	s24 =	sand.u32 $0x3000, s23;
	s29 =	sand.u32 $0x380, s25;
	s25 =	smov.u32 s26  }
0x178: {  	s24 =	sor.u32 s29, s24  }
0x179: {  	s28 =	sadd.s32 $0x14100, s28;
	[tilespmem:s24+$0x100] =	vst v3  }
0x17a: {  	v3 =	vld [tilespmem:s28+$0x10];
	_ =	sdelay $0x4  }
0x17b: {  	[tilespmem:s24+$0x110] =	vst v3  }
0x17c: {  	v3 =	vld [tilespmem:s28+$0x20];
	_ =	sdelay $0x4  }
0x17d: {  	[tilespmem:s24+$0x120] =	vst v3  }
0x17e: {  	v3 =	vld [tilespmem:s28+$0x30];
	_ =	sdelay $0x4  }
0x17f: {  	[tilespmem:s24+$0x130] =	vst v3  }
0x180: {  	v3 =	vld [tilespmem:s28+$0x40];
	_ =	sdelay $0x4  }
0x181: {  	[tilespmem:s24+$0x140] =	vst v3  }
0x182: {  	v3 =	vld [tilespmem:s28+$0x50];
	_ =	sdelay $0x4  }
0x183: {  	[tilespmem:s24+$0x150] =	vst v3  }
0x184: {  	v3 =	vld [tilespmem:s28+$0x60];
	_ =	sdelay $0x4  }
0x185: {  	[tilespmem:s24+$0x160] =	vst v3  }
0x186: {  	v3 =	vld [tilespmem:s28+$0x70];
	_ =	sdelay $0x4  }
0x187: {  	[tilespmem:s24+$0x170] =	vst v3  }
0x188: {  	v3 =	vld [tilespmem:s28+$0x400];
	_ =	sdelay $0x4  }
0x189: {  	[tilespmem:s24+$0x500] =	vst v3  }
0x18a: {  	v3 =	vld [tilespmem:s28+$0x410];
	_ =	sdelay $0x4  }
0x18b: {  	[tilespmem:s24+$0x510] =	vst v3  }
0x18c: {  	v3 =	vld [tilespmem:s28+$0x420];
	_ =	sdelay $0x4  }
0x18d: {  	[tilespmem:s24+$0x520] =	vst v3  }
0x18e: {  	v3 =	vld [tilespmem:s28+$0x430];
	_ =	sdelay $0x4  }
0x18f: {  	[tilespmem:s24+$0x530] =	vst v3  }
0x190: {  	v3 =	vld [tilespmem:s28+$0x440];
	_ =	sdelay $0x4  }
0x191: {  	[tilespmem:s24+$0x540] =	vst v3  }
0x192: {  	v3 =	vld [tilespmem:s28+$0x450];
	_ =	sdelay $0x4  }
0x193: {  	[tilespmem:s24+$0x550] =	vst v3  }
0x194: {  	v3 =	vld [tilespmem:s28+$0x460];
	_ =	sdelay $0x4  }
0x195: {  	[tilespmem:s24+$0x560] =	vst v3  }
0x196: {  	v3 =	vld [tilespmem:s28+$0x470];
	_ =	sdelay $0x4  }
0x197: {  	[tilespmem:s24+$0x570] =	vst v3  }
0x198: {  	v3 =	vld [tilespmem:s28+$0x800];
	_ =	sdelay $0x4  }
0x199: {  	[tilespmem:s24+$0x900] =	vst v3  }
0x19a: {  	v3 =	vld [tilespmem:s28+$0x810];
	_ =	sdelay $0x4  }
0x19b: {  	[tilespmem:s24+$0x910] =	vst v3  }
0x19c: {  	v3 =	vld [tilespmem:s28+$0x820];
	_ =	sdelay $0x4  }
0x19d: {  	[tilespmem:s24+$0x920] =	vst v3  }
0x19e: {  	v3 =	vld [tilespmem:s28+$0x830];
	_ =	sdelay $0x4  }
0x19f: {  	[tilespmem:s24+$0x930] =	vst v3  }
0x1a0: {  	v3 =	vld [tilespmem:s28+$0x840];
	_ =	sdelay $0x4  }
0x1a1: {  	[tilespmem:s24+$0x940] =	vst v3  }
0x1a2: {  	v3 =	vld [tilespmem:s28+$0x850];
	_ =	sdelay $0x4  }
0x1a3: {  	[tilespmem:s24+$0x950] =	vst v3  }
0x1a4: {  	v3 =	vld [tilespmem:s28+$0x860];
	_ =	sdelay $0x4  }
0x1a5: {  	[tilespmem:s24+$0x960] =	vst v3  }
0x1a6: {  	v3 =	vld [tilespmem:s28+$0x870];
	_ =	sdelay $0x4  }
0x1a7: {  	[tilespmem:s24+$0x970] =	vst v3  }
0x1a8: {  	v3 =	vld [tilespmem:s28+$0xC00];
	_ =	sdelay $0x4  }
0x1a9: {  	[tilespmem:s24+$0xD00] =	vst v3  }
0x1aa: {  	v3 =	vld [tilespmem:s28+$0xC10];
	_ =	sdelay $0x4  }
0x1ab: {  	[tilespmem:s24+$0xD10] =	vst v3  }
0x1ac: {  	v3 =	vld [tilespmem:s28+$0xC20];
	_ =	sdelay $0x4  }
0x1ad: {  	[tilespmem:s24+$0xD20] =	vst v3  }
0x1ae: {  	v3 =	vld [tilespmem:s28+$0xC30];
	_ =	sdelay $0x4  }
0x1af: {  	[tilespmem:s24+$0xD30] =	vst v3  }
0x1b0: {  	v3 =	vld [tilespmem:s28+$0xC40];
	_ =	sdelay $0x4  }
0x1b1: {  	[tilespmem:s24+$0xD40] =	vst v3  }
0x1b2: {  	v3 =	vld [tilespmem:s28+$0xC50];
	_ =	sdelay $0x4  }
0x1b3: {  	[tilespmem:s24+$0xD50] =	vst v3  }
0x1b4: {  	v3 =	vld [tilespmem:s28+$0xC60];
	_ =	sdelay $0x4  }
.Ltmp5:
0x1b5: {  	[tilespmem:s24+$0xD60] =	vst v3;
	(pc) =	sbr.rel @p0 .LBB2_5-.Ltmp5, $2  }
0x1b6: {  	v3 =	vld [tilespmem:s28+$0xC70];
	_ =	sdelay $0x2  }
0x1b7: {  	s26 =	sadd.s32 $0x80, s26;
	s28 =	sadd.s32 $0xFFFFFF80, s25  }
0x1b8: {  	s26 =	sand.u32 $0x1000, s23;
	s28 =	sand.u32 $0x380, s28  }
0x1b9: {  	s26 =	sor.u32 s28, s26;
	[tilespmem:s24+$0xD70] =	vst v3  }
0x1ba: {  	v3 =	vld [tilespmem:s26+$0x14100];
	_ =	sdelay $0x1  }
0x1bb: {  	s24 =	sadd.s32 $0x200, s23  }
0x1bc: {  	s25 =	sand.u32 $0x380, s25;
	s23 =	sand.u32 $0x3000, s24  }
0x1bd: {  	s23 =	sor.u32 s25, s23  }
0x1be: {  	s26 =	sadd.s32 $0x14100, s26;
	[tilespmem:s23+$0x100] =	vst v3  }
0x1bf: {  	v3 =	vld [tilespmem:s26+$0x10];
	_ =	sdelay $0x4  }
0x1c0: {  	[tilespmem:s23+$0x110] =	vst v3  }
0x1c1: {  	v3 =	vld [tilespmem:s26+$0x20];
	_ =	sdelay $0x4  }
0x1c2: {  	[tilespmem:s23+$0x120] =	vst v3  }
0x1c3: {  	v3 =	vld [tilespmem:s26+$0x30];
	_ =	sdelay $0x4  }
0x1c4: {  	[tilespmem:s23+$0x130] =	vst v3  }
0x1c5: {  	v3 =	vld [tilespmem:s26+$0x40];
	_ =	sdelay $0x4  }
0x1c6: {  	[tilespmem:s23+$0x140] =	vst v3  }
0x1c7: {  	v3 =	vld [tilespmem:s26+$0x50];
	_ =	sdelay $0x4  }
0x1c8: {  	[tilespmem:s23+$0x150] =	vst v3  }
0x1c9: {  	v3 =	vld [tilespmem:s26+$0x60];
	_ =	sdelay $0x4  }
0x1ca: {  	[tilespmem:s23+$0x160] =	vst v3  }
0x1cb: {  	v3 =	vld [tilespmem:s26+$0x70];
	_ =	sdelay $0x4  }
0x1cc: {  	[tilespmem:s23+$0x170] =	vst v3  }
0x1cd: {  	v3 =	vld [tilespmem:s26+$0x400];
	_ =	sdelay $0x4  }
0x1ce: {  	[tilespmem:s23+$0x500] =	vst v3  }
0x1cf: {  	v3 =	vld [tilespmem:s26+$0x410];
	_ =	sdelay $0x4  }
0x1d0: {  	[tilespmem:s23+$0x510] =	vst v3  }
0x1d1: {  	v3 =	vld [tilespmem:s26+$0x420];
	_ =	sdelay $0x4  }
0x1d2: {  	[tilespmem:s23+$0x520] =	vst v3  }
0x1d3: {  	v3 =	vld [tilespmem:s26+$0x430];
	_ =	sdelay $0x4  }
0x1d4: {  	[tilespmem:s23+$0x530] =	vst v3  }
0x1d5: {  	v3 =	vld [tilespmem:s26+$0x440];
	_ =	sdelay $0x4  }
0x1d6: {  	[tilespmem:s23+$0x540] =	vst v3  }
0x1d7: {  	v3 =	vld [tilespmem:s26+$0x450];
	_ =	sdelay $0x4  }
0x1d8: {  	[tilespmem:s23+$0x550] =	vst v3  }
0x1d9: {  	v3 =	vld [tilespmem:s26+$0x460];
	_ =	sdelay $0x4  }
0x1da: {  	[tilespmem:s23+$0x560] =	vst v3  }
0x1db: {  	v3 =	vld [tilespmem:s26+$0x470];
	_ =	sdelay $0x4  }
0x1dc: {  	[tilespmem:s23+$0x570] =	vst v3  }
0x1dd: {  	v3 =	vld [tilespmem:s26+$0x800];
	_ =	sdelay $0x4  }
0x1de: {  	[tilespmem:s23+$0x900] =	vst v3  }
0x1df: {  	v3 =	vld [tilespmem:s26+$0x810];
	_ =	sdelay $0x4  }
0x1e0: {  	[tilespmem:s23+$0x910] =	vst v3  }
0x1e1: {  	v3 =	vld [tilespmem:s26+$0x820];
	_ =	sdelay $0x4  }
0x1e2: {  	[tilespmem:s23+$0x920] =	vst v3  }
0x1e3: {  	v3 =	vld [tilespmem:s26+$0x830];
	_ =	sdelay $0x4  }
0x1e4: {  	[tilespmem:s23+$0x930] =	vst v3  }
0x1e5: {  	v3 =	vld [tilespmem:s26+$0x840];
	_ =	sdelay $0x4  }
0x1e6: {  	[tilespmem:s23+$0x940] =	vst v3  }
0x1e7: {  	v3 =	vld [tilespmem:s26+$0x850];
	_ =	sdelay $0x4  }
0x1e8: {  	[tilespmem:s23+$0x950] =	vst v3  }
0x1e9: {  	v3 =	vld [tilespmem:s26+$0x860];
	_ =	sdelay $0x4  }
0x1ea: {  	[tilespmem:s23+$0x960] =	vst v3  }
0x1eb: {  	v3 =	vld [tilespmem:s26+$0x870];
	_ =	sdelay $0x4  }
0x1ec: {  	[tilespmem:s23+$0x970] =	vst v3  }
0x1ed: {  	v3 =	vld [tilespmem:s26+$0xC00];
	_ =	sdelay $0x4  }
0x1ee: {  	[tilespmem:s23+$0xD00] =	vst v3  }
0x1ef: {  	v3 =	vld [tilespmem:s26+$0xC10];
	_ =	sdelay $0x4  }
0x1f0: {  	[tilespmem:s23+$0xD10] =	vst v3  }
0x1f1: {  	v3 =	vld [tilespmem:s26+$0xC20];
	_ =	sdelay $0x4  }
0x1f2: {  	[tilespmem:s23+$0xD20] =	vst v3  }
0x1f3: {  	v3 =	vld [tilespmem:s26+$0xC30];
	_ =	sdelay $0x4  }
0x1f4: {  	[tilespmem:s23+$0xD30] =	vst v3  }
0x1f5: {  	v3 =	vld [tilespmem:s26+$0xC40];
	_ =	sdelay $0x4  }
0x1f6: {  	[tilespmem:s23+$0xD40] =	vst v3  }
0x1f7: {  	v3 =	vld [tilespmem:s26+$0xC50];
	_ =	sdelay $0x4  }
0x1f8: {  	[tilespmem:s23+$0xD50] =	vst v3  }
0x1f9: {  	v3 =	vld [tilespmem:s26+$0xC60];
	_ =	sdelay $0x4  }
0x1fa: {  	[tilespmem:s23+$0xD60] =	vst v3  }
0x1fb: {  	s28 =	smul.u32 $0x1400, s22;
	s22 =	sor.u32 $0x20, s22;
	v3 =	vld [tilespmem:s26+$0xC70]  }
0x1fc: {  	p0 =	sgt.u32 s22, $0x3E7  }
.Ltmp6:
0x1fd: {  	_ = 	snop;
	(pc) =	sbr.rel @p0 .LBB2_12-.Ltmp6, $3  }
0x1fe: {  	_ =	sdelay $0x1  }
0x1ff: {  	s29 =	sadd.s32 s7, s28;
	[tilespmem:s23+$0xD70] =	vst v3  }
0x200: {  	[hbm4b:s29+s5] =	stream.linear.scatter [tilespmem:s17], [sflag:$0x3], $0xA000, $0x38;
	[tilespmem:$0x1A100] =	vst v63  }
0x201: {  	_ =	swait.ge [sflag:s18], $0x1000  }
0x202: {  	[sflag:s18] =	ssyncset.done $0x0  }
0x203: {  	[sflag:s18] =	ssyncadd.s32 $0xFFFFF000  }
0x204: {  	_ =	swait.ge [sflag:s18], $0x7000  }
0x205: {  	[sflag:s18] =	ssyncset.done $0x0  }
0x206: {  	[sflag:s18] =	ssyncadd.s32 $0xFFFF9000  }
0x207: {  	_ =	swait.ge [sflag:s18], $0x1000  }
0x208: {  	[sflag:s18] =	ssyncset.done $0x0  }
0x209: {  	[sflag:s18] =	ssyncadd.s32 $0xFFFFF000  }
0x20a: {  	_ =	swait.ge [sflag:s18], $0x2000  }
0x20b: {  	[sflag:s18] =	ssyncset.done $0x0  }
0x20c: {  	s25 =	simm.s32 $0x0;
	[sflag:s18] =	ssyncadd.s32 $0xFFFFE000  }
0x20d: {  	v3 =	vld [tilespmem:s25+$0x19D70]  }
0x20e: {  	v4 =	vld [tilespmem:s25+$0x19100]  }
0x20f: {  	v5 =	vld [tilespmem:s25+$0x19110]  }
0x210: {  	v6 =	vld [tilespmem:s25+$0x19120]  }
0x211: {  	v7 =	vld [tilespmem:s25+$0x19130]  }
0x212: {  	v8 =	vld [tilespmem:s25+$0x19140];
	[tilespmem:s25+$0x13D70] =	vst v3  }
0x213: {  	[tilespmem:s25+$0x13100] =	vst v4;
	v3 =	vld [tilespmem:s25+$0x19150]  }
0x214: {  	[tilespmem:s25+$0x13110] =	vst v5;
	v4 =	vld [tilespmem:s25+$0x19160]  }
0x215: {  	[tilespmem:s25+$0x13120] =	vst v6;
	v5 =	vld [tilespmem:s25+$0x19170]  }
0x216: {  	[tilespmem:s25+$0x13130] =	vst v7;
	v6 =	vld [tilespmem:s25+$0x19500]  }
0x217: {  	[tilespmem:s25+$0x13140] =	vst v8;
	v7 =	vld [tilespmem:s25+$0x19510]  }
0x218: {  	v8 =	vld [tilespmem:s25+$0x19D10];
	[tilespmem:s25+$0x13150] =	vst v3  }
0x219: {  	v3 =	vld [tilespmem:s25+$0x19520];
	[tilespmem:s25+$0x13160] =	vst v4  }
0x21a: {  	v4 =	vld [tilespmem:s25+$0x19530];
	[tilespmem:s25+$0x13170] =	vst v5  }
0x21b: {  	v5 =	vld [tilespmem:s25+$0x19540];
	[tilespmem:s25+$0x13500] =	vst v6  }
0x21c: {  	v6 =	vld [tilespmem:s25+$0x19550];
	[tilespmem:s25+$0x13510] =	vst v7  }
0x21d: {  	v7 =	vld [tilespmem:s25+$0x19560];
	[tilespmem:s25+$0x13D10] =	vst v8  }
0x21e: {  	[tilespmem:s25+$0x13520] =	vst v3;
	v3 =	vld [tilespmem:s25+$0x19570]  }
0x21f: {  	[tilespmem:s25+$0x13530] =	vst v4;
	v4 =	vld [tilespmem:s25+$0x19900]  }
0x220: {  	[tilespmem:s25+$0x13540] =	vst v5;
	v5 =	vld [tilespmem:s25+$0x19910]  }
0x221: {  	[tilespmem:s25+$0x13550] =	vst v6;
	v6 =	vld [tilespmem:s25+$0x19920]  }
0x222: {  	[tilespmem:s25+$0x13560] =	vst v7;
	v7 =	vld [tilespmem:s25+$0x19930]  }
0x223: {  	[tilespmem:s25+$0x13570] =	vst v3;
	v3 =	vld [tilespmem:s25+$0x19940]  }
0x224: {  	[tilespmem:s25+$0x13900] =	vst v4;
	v4 =	vld [tilespmem:s25+$0x19950]  }
0x225: {  	[tilespmem:s25+$0x13910] =	vst v5;
	v5 =	vld [tilespmem:s25+$0x19960]  }
0x226: {  	[tilespmem:s25+$0x13920] =	vst v6;
	v6 =	vld [tilespmem:s25+$0x19970]  }
0x227: {  	[tilespmem:s25+$0x13930] =	vst v7;
	v7 =	vld [tilespmem:s25+$0x19D00]  }
0x228: {  	[tilespmem:s25+$0x13940] =	vst v3;
	v3 =	vld [tilespmem:s25+$0x19D20]  }
0x229: {  	[tilespmem:s25+$0x13950] =	vst v4;
	v4 =	vld [tilespmem:s25+$0x19D30]  }
0x22a: {  	[tilespmem:s25+$0x13960] =	vst v5;
	v5 =	vld [tilespmem:s25+$0x19D40]  }
0x22b: {  	s24 =	simm.s32 $0x0;
	[tilespmem:s25+$0x13970] =	vst v6;
	v6 =	vld [tilespmem:s25+$0x19D50]  }
0x22c: {  	s23 =	simm.s32 $0x200;
	s28 =	simm.s32 $0x80;
	s26 =	simm.s32 $0x400;
	[tilespmem:s25+$0x13D00] =	vst v7;
	v7 =	vld [tilespmem:s25+$0x19D60]  }
.LBB2_8:
0x22d: {  	p1 =	sne.s32 s26, $0x800;
	v8 =	vld [tilespmem:s28+$0x19D70];
	[tilespmem:s25+$0x13D20] =	vst v3  }
0x22e: {  	v3 =	vld [tilespmem:s28+$0x19100];
	[tilespmem:s25+$0x13D30] =	vst v4  }
0x22f: {  	v4 =	vld [tilespmem:s28+$0x19110];
	[tilespmem:s25+$0x13D40] =	vst v5  }
0x230: {  	v5 =	vld [tilespmem:s28+$0x19120];
	[tilespmem:s25+$0x13D50] =	vst v6  }
0x231: {  	v6 =	vld [tilespmem:s28+$0x19130];
	[tilespmem:s25+$0x13D60] =	vst v7;
	s25 =	smov.u32 s28  }
0x232: {  	v7 =	vld [tilespmem:s25+$0x19140];
	[tilespmem:s25+$0x13D70] =	vst v8  }
0x233: {  	[tilespmem:s25+$0x13100] =	vst v3;
	v3 =	vld [tilespmem:s25+$0x19150]  }
0x234: {  	[tilespmem:s25+$0x13110] =	vst v4;
	v4 =	vld [tilespmem:s25+$0x19160]  }
0x235: {  	[tilespmem:s25+$0x13120] =	vst v5;
	v5 =	vld [tilespmem:s25+$0x19170]  }
0x236: {  	[tilespmem:s25+$0x13130] =	vst v6;
	v6 =	vld [tilespmem:s25+$0x19500]  }
0x237: {  	[tilespmem:s25+$0x13140] =	vst v7;
	v7 =	vld [tilespmem:s25+$0x19510]  }
0x238: {  	[tilespmem:s25+$0x13150] =	vst v3;
	v3 =	vld [tilespmem:s25+$0x19520]  }
0x239: {  	[tilespmem:s25+$0x13160] =	vst v4;
	v4 =	vld [tilespmem:s25+$0x19530]  }
0x23a: {  	[tilespmem:s25+$0x13170] =	vst v5;
	v5 =	vld [tilespmem:s25+$0x19540]  }
0x23b: {  	[tilespmem:s25+$0x13500] =	vst v6;
	v6 =	vld [tilespmem:s25+$0x19550]  }
0x23c: {  	[tilespmem:s25+$0x13510] =	vst v7;
	v7 =	vld [tilespmem:s25+$0x19560]  }
0x23d: {  	[tilespmem:s25+$0x13520] =	vst v3;
	v3 =	vld [tilespmem:s25+$0x19570]  }
0x23e: {  	[tilespmem:s25+$0x13530] =	vst v4;
	v4 =	vld [tilespmem:s25+$0x19900]  }
0x23f: {  	[tilespmem:s25+$0x13540] =	vst v5;
	v5 =	vld [tilespmem:s25+$0x19910]  }
0x240: {  	[tilespmem:s25+$0x13550] =	vst v6;
	v6 =	vld [tilespmem:s25+$0x19920]  }
0x241: {  	[tilespmem:s25+$0x13560] =	vst v7;
	v7 =	vld [tilespmem:s25+$0x19930]  }
0x242: {  	[tilespmem:s25+$0x13570] =	vst v3;
	v3 =	vld [tilespmem:s25+$0x19940]  }
0x243: {  	[tilespmem:s25+$0x13900] =	vst v4;
	v4 =	vld [tilespmem:s25+$0x19950]  }
0x244: {  	[tilespmem:s25+$0x13910] =	vst v5;
	v5 =	vld [tilespmem:s25+$0x19960]  }
0x245: {  	[tilespmem:s25+$0x13920] =	vst v6;
	v6 =	vld [tilespmem:s25+$0x19970]  }
0x246: {  	[tilespmem:s25+$0x13930] =	vst v7;
	v7 =	vld [tilespmem:s25+$0x19D00]  }
0x247: {  	[tilespmem:s25+$0x13940] =	vst v3;
	v8 =	vld [tilespmem:s25+$0x19D10]  }
.Ltmp7:
0x248: {  	[tilespmem:s25+$0x13950] =	vst v4;
	v3 =	vld [tilespmem:s25+$0x19D20];
	(pc) =	sbr.rel @p1 .LBB2_8-.Ltmp7, $4  }
0x249: {  	[tilespmem:s25+$0x13960] =	vst v5;
	v4 =	vld [tilespmem:s25+$0x19D30]  }
0x24a: {  	[tilespmem:s25+$0x13970] =	vst v6;
	v5 =	vld [tilespmem:s25+$0x19D40]  }
0x24b: {  	[tilespmem:s25+$0x13D00] =	vst v7;
	v6 =	vld [tilespmem:s25+$0x19D50]  }
0x24c: {  	s28 =	sshra.s32 s26, $0x2;
	s26 =	sadd.s32 $0x200, s26;
	[tilespmem:s25+$0x13D10] =	vst v8;
	v7 =	vld [tilespmem:s25+$0x19D60]  }
0x24d: {  	v8 =	vld [tilespmem:s28+$0x19D70];
	[tilespmem:s25+$0x13D20] =	vst v3  }
0x24e: {  	v3 =	vld [tilespmem:s28+$0x19100];
	[tilespmem:s25+$0x13D30] =	vst v4  }
0x24f: {  	v4 =	vld [tilespmem:s28+$0x19110];
	[tilespmem:s25+$0x13D40] =	vst v5  }
0x250: {  	v5 =	vld [tilespmem:s28+$0x19120];
	[tilespmem:s25+$0x13D50] =	vst v6  }
0x251: {  	v6 =	vld [tilespmem:s28+$0x19130];
	[tilespmem:s25+$0x13D60] =	vst v7  }
0x252: {  	v7 =	vld [tilespmem:s28+$0x19140];
	[tilespmem:s28+$0x13D70] =	vst v8  }
0x253: {  	[tilespmem:s28+$0x13100] =	vst v3;
	v3 =	vld [tilespmem:s28+$0x19150]  }
0x254: {  	v54 =	vld [tilespmem:s28+$0x19500];
	[tilespmem:s28+$0x13110] =	vst v4  }
0x255: {  	v55 =	vld [tilespmem:s28+$0x19510];
	[tilespmem:s28+$0x13120] =	vst v5  }
0x256: {  	v4 =	vld [tilespmem:s28+$0x19160];
	[tilespmem:s28+$0x13130] =	vst v6  }
0x257: {  	v5 =	vld [tilespmem:s28+$0x19170];
	[tilespmem:s28+$0x13140] =	vst v7  }
0x258: {  	[tilespmem:s28+$0x13150] =	vst v3;
	v3 =	vld [tilespmem:s28+$0x19520]  }
0x259: {  	v56 =	vld [tilespmem:s28+$0x19550];
	[tilespmem:s28+$0x13500] =	vst v54  }
0x25a: {  	v57 =	vld [tilespmem:s28+$0x19560];
	[tilespmem:s28+$0x13510] =	vst v55  }
0x25b: {  	[tilespmem:s28+$0x13160] =	vst v4;
	v4 =	vld [tilespmem:s28+$0x19530]  }
0x25c: {  	[tilespmem:s28+$0x13170] =	vst v5;
	v5 =	vld [tilespmem:s28+$0x19540]  }
0x25d: {  	[tilespmem:s28+$0x13520] =	vst v3;
	v3 =	vld [tilespmem:s28+$0x19570]  }
0x25e: {  	v58 =	vld [tilespmem:s28+$0x19920];
	[tilespmem:s28+$0x13550] =	vst v56  }
0x25f: {  	v59 =	vld [tilespmem:s28+$0x19930];
	[tilespmem:s28+$0x13560] =	vst v57  }
0x260: {  	[tilespmem:s28+$0x13530] =	vst v4;
	v4 =	vld [tilespmem:s28+$0x19900]  }
0x261: {  	[tilespmem:s28+$0x13540] =	vst v5;
	v5 =	vld [tilespmem:s28+$0x19910]  }
0x262: {  	[tilespmem:s28+$0x13570] =	vst v3;
	v3 =	vld [tilespmem:s28+$0x19940]  }
0x263: {  	v60 =	vld [tilespmem:s28+$0x19970];
	[tilespmem:s28+$0x13920] =	vst v58  }
0x264: {  	v61 =	vld [tilespmem:s28+$0x19D00];
	[tilespmem:s28+$0x13930] =	vst v59  }
0x265: {  	[tilespmem:s28+$0x13900] =	vst v4;
	v4 =	vld [tilespmem:s28+$0x19950]  }
0x266: {  	[tilespmem:s28+$0x13910] =	vst v5;
	v5 =	vld [tilespmem:s28+$0x19960]  }
0x267: {  	[tilespmem:s28+$0x13940] =	vst v3;
	v3 =	vld [tilespmem:s28+$0x19D10]  }
0x268: {  	v62 =	vld [tilespmem:s28+$0x19D40];
	[tilespmem:s28+$0x13970] =	vst v60  }
0x269: {  	v63 =	vld [tilespmem:s28+$0x19D50];
	[tilespmem:s28+$0x13D00] =	vst v61  }
0x26a: {  	[tilespmem:s28+$0x13950] =	vst v4;
	v4 =	vld [tilespmem:s28+$0x19D20]  }
0x26b: {  	[tilespmem:s28+$0x13960] =	vst v5;
	v5 =	vld [tilespmem:s28+$0x19D30]  }
0x26c: {  	[tilespmem:s28+$0x13D10] =	vst v3;
	v3 =	vld [tilespmem:s28+$0x19D60]  }
0x26d: {  	[tilespmem:s28+$0x13D40] =	vst v62  }
0x26e: {  	[tilespmem:s28+$0x13D50] =	vst v63  }
0x26f: {  	s26 =	simm.s32 $0x0;
	[tilespmem:s28+$0x13D20] =	vst v4  }
0x270: {  	s24 =	sand.u32 $0x1000, s24;
	s25 =	sand.u32 $0x380, s26;
	[tilespmem:s28+$0x13D30] =	vst v5  }
0x271: {  	s25 =	sor.u32 s25, s24;
	[tilespmem:s28+$0x13D60] =	vst v3  }
0x272: {  	v3 =	vld [tilespmem:s25+$0x16100];
	_ =	sdelay $0x1  }
0x273: {  	s29 =	simm.s32 $0x80  }
0x274: {  	s26 =	sand.u32 $0x3000, s23;
	s24 =	sand.u32 $0x380, s29  }
0x275: {  	s24 =	sor.u32 s24, s26  }
0x276: {  	s29 =	sadd.s32 $0x16100, s25;
	[tilespmem:s24+$0xA100] =	vst v3  }
0x277: {  	v3 =	vld [tilespmem:s29+$0x10];
	_ =	sdelay $0x4  }
0x278: {  	[tilespmem:s24+$0xA110] =	vst v3  }
0x279: {  	v3 =	vld [tilespmem:s29+$0x20];
	_ =	sdelay $0x4  }
0x27a: {  	[tilespmem:s24+$0xA120] =	vst v3  }
0x27b: {  	v3 =	vld [tilespmem:s29+$0x30];
	_ =	sdelay $0x4  }
0x27c: {  	[tilespmem:s24+$0xA130] =	vst v3  }
0x27d: {  	v3 =	vld [tilespmem:s29+$0x40];
	_ =	sdelay $0x4  }
0x27e: {  	[tilespmem:s24+$0xA140] =	vst v3  }
0x27f: {  	v3 =	vld [tilespmem:s29+$0x50];
	_ =	sdelay $0x4  }
0x280: {  	[tilespmem:s24+$0xA150] =	vst v3  }
0x281: {  	v3 =	vld [tilespmem:s29+$0x60];
	_ =	sdelay $0x4  }
0x282: {  	[tilespmem:s24+$0xA160] =	vst v3  }
0x283: {  	v3 =	vld [tilespmem:s29+$0x70];
	_ =	sdelay $0x4  }
0x284: {  	[tilespmem:s24+$0xA170] =	vst v3  }
0x285: {  	v3 =	vld [tilespmem:s29+$0x400];
	_ =	sdelay $0x4  }
0x286: {  	[tilespmem:s24+$0xA500] =	vst v3  }
0x287: {  	v3 =	vld [tilespmem:s29+$0x410];
	_ =	sdelay $0x4  }
0x288: {  	[tilespmem:s24+$0xA510] =	vst v3  }
0x289: {  	v3 =	vld [tilespmem:s29+$0x420];
	_ =	sdelay $0x4  }
0x28a: {  	[tilespmem:s24+$0xA520] =	vst v3  }
0x28b: {  	v3 =	vld [tilespmem:s29+$0x430];
	_ =	sdelay $0x4  }
0x28c: {  	[tilespmem:s24+$0xA530] =	vst v3  }
0x28d: {  	v3 =	vld [tilespmem:s29+$0x440];
	_ =	sdelay $0x4  }
0x28e: {  	[tilespmem:s24+$0xA540] =	vst v3  }
0x28f: {  	v3 =	vld [tilespmem:s29+$0x450];
	_ =	sdelay $0x4  }
0x290: {  	[tilespmem:s24+$0xA550] =	vst v3  }
0x291: {  	v3 =	vld [tilespmem:s29+$0x460];
	_ =	sdelay $0x4  }
0x292: {  	[tilespmem:s24+$0xA560] =	vst v3  }
0x293: {  	v3 =	vld [tilespmem:s29+$0x470];
	_ =	sdelay $0x4  }
0x294: {  	[tilespmem:s24+$0xA570] =	vst v3  }
0x295: {  	v3 =	vld [tilespmem:s29+$0x800];
	_ =	sdelay $0x4  }
0x296: {  	[tilespmem:s24+$0xA900] =	vst v3  }
0x297: {  	v3 =	vld [tilespmem:s29+$0x810];
	_ =	sdelay $0x4  }
0x298: {  	[tilespmem:s24+$0xA910] =	vst v3  }
0x299: {  	v3 =	vld [tilespmem:s29+$0x820];
	_ =	sdelay $0x4  }
0x29a: {  	[tilespmem:s24+$0xA920] =	vst v3  }
0x29b: {  	v3 =	vld [tilespmem:s29+$0x830];
	_ =	sdelay $0x4  }
0x29c: {  	[tilespmem:s24+$0xA930] =	vst v3  }
0x29d: {  	v3 =	vld [tilespmem:s29+$0x840];
	_ =	sdelay $0x4  }
0x29e: {  	[tilespmem:s24+$0xA940] =	vst v3  }
0x29f: {  	v3 =	vld [tilespmem:s29+$0x850];
	_ =	sdelay $0x4  }
0x2a0: {  	[tilespmem:s24+$0xA950] =	vst v3  }
0x2a1: {  	v3 =	vld [tilespmem:s29+$0x860];
	_ =	sdelay $0x4  }
0x2a2: {  	[tilespmem:s24+$0xA960] =	vst v3  }
0x2a3: {  	v3 =	vld [tilespmem:s29+$0x870];
	_ =	sdelay $0x4  }
0x2a4: {  	[tilespmem:s24+$0xA970] =	vst v3  }
0x2a5: {  	v3 =	vld [tilespmem:s29+$0xC00];
	_ =	sdelay $0x4  }
0x2a6: {  	[tilespmem:s24+$0xAD00] =	vst v3  }
0x2a7: {  	v3 =	vld [tilespmem:s29+$0xC10];
	_ =	sdelay $0x4  }
0x2a8: {  	[tilespmem:s24+$0xAD10] =	vst v3  }
0x2a9: {  	v3 =	vld [tilespmem:s29+$0xC20];
	_ =	sdelay $0x4  }
0x2aa: {  	[tilespmem:s24+$0xAD20] =	vst v3  }
0x2ab: {  	v3 =	vld [tilespmem:s29+$0xC30];
	_ =	sdelay $0x4  }
0x2ac: {  	[tilespmem:s24+$0xAD30] =	vst v3  }
0x2ad: {  	v3 =	vld [tilespmem:s29+$0xC40];
	_ =	sdelay $0x4  }
0x2ae: {  	[tilespmem:s24+$0xAD40] =	vst v3  }
0x2af: {  	v3 =	vld [tilespmem:s29+$0xC50];
	_ =	sdelay $0x4  }
0x2b0: {  	[tilespmem:s24+$0xAD50] =	vst v3  }
0x2b1: {  	v3 =	vld [tilespmem:s29+$0xC60];
	_ =	sdelay $0x4  }
0x2b2: {  	[tilespmem:s24+$0xAD60] =	vst v3  }
0x2b3: {  	v3 =	vld [tilespmem:s29+$0xC70];
	_ =	sdelay $0x2  }
0x2b4: {  	s26 =	simm.s32 $0x180;
	s28 =	simm.s32 $0x80;
	s25 =	simm.s32 $0x100  }
.LBB2_10:
0x2b5: {  	p1 =	sne.s32 s26, $0x800;
	s29 =	sand.u32 $0x1000, s23;
	s28 =	sand.u32 $0x380, s28  }
0x2b6: {  	s28 =	sor.u32 s28, s29;
	[tilespmem:s24+$0xAD70] =	vst v3  }
0x2b7: {  	v3 =	vld [tilespmem:s28+$0x16100];
	_ =	sdelay $0x1  }
0x2b8: {  	s23 =	sadd.s32 $0x200, s23  }
0x2b9: {  	s24 =	sand.u32 $0x3000, s23;
	s29 =	sand.u32 $0x380, s25;
	s25 =	smov.u32 s26  }
0x2ba: {  	s24 =	sor.u32 s29, s24  }
0x2bb: {  	s28 =	sadd.s32 $0x16100, s28;
	[tilespmem:s24+$0xA100] =	vst v3  }
0x2bc: {  	v3 =	vld [tilespmem:s28+$0x10];
	_ =	sdelay $0x4  }
0x2bd: {  	[tilespmem:s24+$0xA110] =	vst v3  }
0x2be: {  	v3 =	vld [tilespmem:s28+$0x20];
	_ =	sdelay $0x4  }
0x2bf: {  	[tilespmem:s24+$0xA120] =	vst v3  }
0x2c0: {  	v3 =	vld [tilespmem:s28+$0x30];
	_ =	sdelay $0x4  }
0x2c1: {  	[tilespmem:s24+$0xA130] =	vst v3  }
0x2c2: {  	v3 =	vld [tilespmem:s28+$0x40];
	_ =	sdelay $0x4  }
0x2c3: {  	[tilespmem:s24+$0xA140] =	vst v3  }
0x2c4: {  	v3 =	vld [tilespmem:s28+$0x50];
	_ =	sdelay $0x4  }
0x2c5: {  	[tilespmem:s24+$0xA150] =	vst v3  }
0x2c6: {  	v3 =	vld [tilespmem:s28+$0x60];
	_ =	sdelay $0x4  }
0x2c7: {  	[tilespmem:s24+$0xA160] =	vst v3  }
0x2c8: {  	v3 =	vld [tilespmem:s28+$0x70];
	_ =	sdelay $0x4  }
0x2c9: {  	[tilespmem:s24+$0xA170] =	vst v3  }
0x2ca: {  	v3 =	vld [tilespmem:s28+$0x400];
	_ =	sdelay $0x4  }
0x2cb: {  	[tilespmem:s24+$0xA500] =	vst v3  }
0x2cc: {  	v3 =	vld [tilespmem:s28+$0x410];
	_ =	sdelay $0x4  }
0x2cd: {  	[tilespmem:s24+$0xA510] =	vst v3  }
0x2ce: {  	v3 =	vld [tilespmem:s28+$0x420];
	_ =	sdelay $0x4  }
0x2cf: {  	[tilespmem:s24+$0xA520] =	vst v3  }
0x2d0: {  	v3 =	vld [tilespmem:s28+$0x430];
	_ =	sdelay $0x4  }
0x2d1: {  	[tilespmem:s24+$0xA530] =	vst v3  }
0x2d2: {  	v3 =	vld [tilespmem:s28+$0x440];
	_ =	sdelay $0x4  }
0x2d3: {  	[tilespmem:s24+$0xA540] =	vst v3  }
0x2d4: {  	v3 =	vld [tilespmem:s28+$0x450];
	_ =	sdelay $0x4  }
0x2d5: {  	[tilespmem:s24+$0xA550] =	vst v3  }
0x2d6: {  	v3 =	vld [tilespmem:s28+$0x460];
	_ =	sdelay $0x4  }
0x2d7: {  	[tilespmem:s24+$0xA560] =	vst v3  }
0x2d8: {  	v3 =	vld [tilespmem:s28+$0x470];
	_ =	sdelay $0x4  }
0x2d9: {  	[tilespmem:s24+$0xA570] =	vst v3  }
0x2da: {  	v3 =	vld [tilespmem:s28+$0x800];
	_ =	sdelay $0x4  }
0x2db: {  	[tilespmem:s24+$0xA900] =	vst v3  }
0x2dc: {  	v3 =	vld [tilespmem:s28+$0x810];
	_ =	sdelay $0x4  }
0x2dd: {  	[tilespmem:s24+$0xA910] =	vst v3  }
0x2de: {  	v3 =	vld [tilespmem:s28+$0x820];
	_ =	sdelay $0x4  }
0x2df: {  	[tilespmem:s24+$0xA920] =	vst v3  }
0x2e0: {  	v3 =	vld [tilespmem:s28+$0x830];
	_ =	sdelay $0x4  }
0x2e1: {  	[tilespmem:s24+$0xA930] =	vst v3  }
0x2e2: {  	v3 =	vld [tilespmem:s28+$0x840];
	_ =	sdelay $0x4  }
0x2e3: {  	[tilespmem:s24+$0xA940] =	vst v3  }
0x2e4: {  	v3 =	vld [tilespmem:s28+$0x850];
	_ =	sdelay $0x4  }
0x2e5: {  	[tilespmem:s24+$0xA950] =	vst v3  }
0x2e6: {  	v3 =	vld [tilespmem:s28+$0x860];
	_ =	sdelay $0x4  }
0x2e7: {  	[tilespmem:s24+$0xA960] =	vst v3  }
0x2e8: {  	v3 =	vld [tilespmem:s28+$0x870];
	_ =	sdelay $0x4  }
0x2e9: {  	[tilespmem:s24+$0xA970] =	vst v3  }
0x2ea: {  	v3 =	vld [tilespmem:s28+$0xC00];
	_ =	sdelay $0x4  }
0x2eb: {  	[tilespmem:s24+$0xAD00] =	vst v3  }
0x2ec: {  	v3 =	vld [tilespmem:s28+$0xC10];
	_ =	sdelay $0x4  }
0x2ed: {  	[tilespmem:s24+$0xAD10] =	vst v3  }
0x2ee: {  	v3 =	vld [tilespmem:s28+$0xC20];
	_ =	sdelay $0x4  }
0x2ef: {  	[tilespmem:s24+$0xAD20] =	vst v3  }
0x2f0: {  	v3 =	vld [tilespmem:s28+$0xC30];
	_ =	sdelay $0x4  }
0x2f1: {  	[tilespmem:s24+$0xAD30] =	vst v3  }
0x2f2: {  	v3 =	vld [tilespmem:s28+$0xC40];
	_ =	sdelay $0x4  }
0x2f3: {  	[tilespmem:s24+$0xAD40] =	vst v3  }
0x2f4: {  	v3 =	vld [tilespmem:s28+$0xC50];
	_ =	sdelay $0x4  }
0x2f5: {  	[tilespmem:s24+$0xAD50] =	vst v3  }
0x2f6: {  	v3 =	vld [tilespmem:s28+$0xC60];
	_ =	sdelay $0x4  }
.Ltmp8:
0x2f7: {  	[tilespmem:s24+$0xAD60] =	vst v3;
	(pc) =	sbr.rel @p1 .LBB2_10-.Ltmp8, $2  }
0x2f8: {  	v3 =	vld [tilespmem:s28+$0xC70];
	_ =	sdelay $0x2  }
0x2f9: {  	s26 =	sadd.s32 $0x80, s26;
	s28 =	sadd.s32 $0xFFFFFF80, s25  }
0x2fa: {  	s26 =	sand.u32 $0x1000, s23;
	s28 =	sand.u32 $0x380, s28  }
0x2fb: {  	s26 =	sor.u32 s28, s26;
	[tilespmem:s24+$0xAD70] =	vst v3  }
0x2fc: {  	v3 =	vld [tilespmem:s26+$0x16100];
	_ =	sdelay $0x1  }
0x2fd: {  	s24 =	sadd.s32 $0x200, s23  }
0x2fe: {  	s28 =	sand.u32 $0x380, s25;
	s23 =	sand.u32 $0x3000, s24  }
0x2ff: {  	s23 =	sor.u32 s28, s23  }
0x300: {  	s29 =	sadd.s32 $0x16100, s26;
	[tilespmem:s23+$0xA100] =	vst v3  }
0x301: {  	v3 =	vld [tilespmem:s29+$0x10];
	_ =	sdelay $0x4  }
0x302: {  	[tilespmem:s23+$0xA110] =	vst v3  }
0x303: {  	v3 =	vld [tilespmem:s29+$0x20];
	_ =	sdelay $0x4  }
0x304: {  	[tilespmem:s23+$0xA120] =	vst v3  }
0x305: {  	v3 =	vld [tilespmem:s29+$0x30];
	_ =	sdelay $0x4  }
0x306: {  	[tilespmem:s23+$0xA130] =	vst v3  }
0x307: {  	v3 =	vld [tilespmem:s29+$0x40];
	_ =	sdelay $0x4  }
0x308: {  	[tilespmem:s23+$0xA140] =	vst v3  }
0x309: {  	v3 =	vld [tilespmem:s29+$0x50];
	_ =	sdelay $0x4  }
0x30a: {  	[tilespmem:s23+$0xA150] =	vst v3  }
0x30b: {  	v3 =	vld [tilespmem:s29+$0x60];
	_ =	sdelay $0x4  }
0x30c: {  	[tilespmem:s23+$0xA160] =	vst v3  }
0x30d: {  	v3 =	vld [tilespmem:s29+$0x70];
	_ =	sdelay $0x4  }
0x30e: {  	[tilespmem:s23+$0xA170] =	vst v3  }
0x30f: {  	v3 =	vld [tilespmem:s29+$0x400];
	_ =	sdelay $0x4  }
0x310: {  	[tilespmem:s23+$0xA500] =	vst v3  }
0x311: {  	v3 =	vld [tilespmem:s29+$0x410];
	_ =	sdelay $0x4  }
0x312: {  	[tilespmem:s23+$0xA510] =	vst v3  }
0x313: {  	v3 =	vld [tilespmem:s29+$0x420];
	_ =	sdelay $0x4  }
0x314: {  	[tilespmem:s23+$0xA520] =	vst v3  }
0x315: {  	v3 =	vld [tilespmem:s29+$0x430];
	_ =	sdelay $0x4  }
0x316: {  	[tilespmem:s23+$0xA530] =	vst v3  }
0x317: {  	v3 =	vld [tilespmem:s29+$0x440];
	_ =	sdelay $0x4  }
0x318: {  	[tilespmem:s23+$0xA540] =	vst v3  }
0x319: {  	v3 =	vld [tilespmem:s29+$0x450];
	_ =	sdelay $0x4  }
0x31a: {  	[tilespmem:s23+$0xA550] =	vst v3  }
0x31b: {  	v3 =	vld [tilespmem:s29+$0x460];
	_ =	sdelay $0x4  }
0x31c: {  	[tilespmem:s23+$0xA560] =	vst v3  }
0x31d: {  	v3 =	vld [tilespmem:s29+$0x470];
	_ =	sdelay $0x4  }
0x31e: {  	[tilespmem:s23+$0xA570] =	vst v3  }
0x31f: {  	v3 =	vld [tilespmem:s29+$0x800];
	_ =	sdelay $0x4  }
0x320: {  	[tilespmem:s23+$0xA900] =	vst v3  }
0x321: {  	v3 =	vld [tilespmem:s29+$0x810];
	_ =	sdelay $0x4  }
0x322: {  	[tilespmem:s23+$0xA910] =	vst v3  }
0x323: {  	v3 =	vld [tilespmem:s29+$0x820];
	_ =	sdelay $0x4  }
0x324: {  	[tilespmem:s23+$0xA920] =	vst v3  }
0x325: {  	v3 =	vld [tilespmem:s29+$0x830];
	_ =	sdelay $0x4  }
0x326: {  	[tilespmem:s23+$0xA930] =	vst v3  }
0x327: {  	v3 =	vld [tilespmem:s29+$0x840];
	_ =	sdelay $0x4  }
0x328: {  	[tilespmem:s23+$0xA940] =	vst v3  }
0x329: {  	v3 =	vld [tilespmem:s29+$0x850];
	_ =	sdelay $0x4  }
0x32a: {  	[tilespmem:s23+$0xA950] =	vst v3  }
0x32b: {  	v3 =	vld [tilespmem:s29+$0x860];
	_ =	sdelay $0x4  }
0x32c: {  	[tilespmem:s23+$0xA960] =	vst v3  }
0x32d: {  	v3 =	vld [tilespmem:s29+$0x870];
	_ =	sdelay $0x4  }
0x32e: {  	[tilespmem:s23+$0xA970] =	vst v3  }
0x32f: {  	v3 =	vld [tilespmem:s29+$0xC00];
	_ =	sdelay $0x4  }
0x330: {  	[tilespmem:s23+$0xAD00] =	vst v3  }
0x331: {  	v3 =	vld [tilespmem:s29+$0xC10];
	_ =	sdelay $0x4  }
0x332: {  	[tilespmem:s23+$0xAD10] =	vst v3  }
0x333: {  	v3 =	vld [tilespmem:s29+$0xC20];
	_ =	sdelay $0x4  }
0x334: {  	[tilespmem:s23+$0xAD20] =	vst v3  }
0x335: {  	v3 =	vld [tilespmem:s29+$0xC30];
	_ =	sdelay $0x4  }
0x336: {  	[tilespmem:s23+$0xAD30] =	vst v3  }
0x337: {  	v3 =	vld [tilespmem:s29+$0xC40];
	_ =	sdelay $0x4  }
0x338: {  	[tilespmem:s23+$0xAD40] =	vst v3  }
0x339: {  	v3 =	vld [tilespmem:s29+$0xC50];
	_ =	sdelay $0x4  }
0x33a: {  	[tilespmem:s23+$0xAD50] =	vst v3  }
0x33b: {  	v3 =	vld [tilespmem:s29+$0xC60];
	_ =	sdelay $0x4  }
0x33c: {  	[tilespmem:s23+$0xAD60] =	vst v3  }
0x33d: {  	v3 =	vld [tilespmem:s29+$0xC70];
	_ =	sdelay $0x2  }
0x33e: {  	s22 =	smul.u32 $0x1400, s22;
	_ =	sdelay $0x1  }
0x33f: {  	s22 =	sadd.s32 s7, s22;
	[tilespmem:s23+$0xAD70] =	vst v3  }
0x340: {  	[hbm4b:s22+s5] =	stream.linear.scatter [tilespmem:s15], [sflag:$0x4], $0xA000, $0x38;
	[tilespmem:$0x1A100] =	vst v63  }
.LBB2_12:
0x341: {  	s22 =	sadd.s32 s13, s21  }
0x342: {  	p1 =	sgt.u32 s22, $0x3E7  }
.Ltmp9:
0x343: {  	_ = 	snop;
	(pc) =	sbr.rel @p1 .LBB2_14-.Ltmp9, $4  }
0x344: {  	_ = 	snop  }
0x345: {  	_ =	swait.ge [sflag:s19], $0xA000  }
0x346: {  	[sflag:s19] =	ssyncset.done $0x0  }
0x347: {  	[sflag:s19] =	ssyncadd.s32 $0xFFFF6000  }
0x348: {  	s23 =	smul.u32 $0x9, s22;
	_ =	sdelay $0x1  }
0x349: {  	s23 =	sadd.s32 s3, s23  }
0x34a: {  	[tilespmem:s5], [sflag:$0x5] =	stream.linear.gather [hbm4b:s23+s5], $0x48, $0x38;
	[tilespmem:$0x1A100] =	vst v63  }
0x34b: {  	_ =	swait.ge [sflag:s16], $0x48  }
0x34c: {  	[sflag:s16] =	ssyncset.done $0x0  }
0x34d: {  	[sflag:s16] =	ssyncadd.s32 $0xFFFFFFB8  }
0x34e: {  	v3 =	vld.msk [tilespmem:$0x0], $0xff;
	_ =	sdelay $0x4  }
0x34f: {  	v4 =	vshll.u32 v3, $0x2  }
0x350: {  	v3 =	vand.u32 $0x7, v3;
	v4 =	vand.u32 $0xFFFFFFE0, v4  }
0x351: {  	v3 =	vor.u32 v3, v4  }
0x352: {  	v3 =	vperm.xlane v3, v0;
	_ =	sdelay $0x1  }
0x353: {  	v3 =	vadd.s32 v1, v3;
	_ =	sdelay $0x4  }
0x354: {  	[tilespmem:s17], [sflag:$0x1] =	stream.indirect_vreg.gather [hbm4b:s1+s5], $0x80, v3, vm0, $0xb8;
	[tilespmem:$0x1A100] =	vst v63  }
0x355: {  	s25 =	simm.s32 $0x900  }
0x356: {  	[tilespmem:s25], [sflag:$0x1] =	stream.indirect_vreg.gather [hbm4b:s9+s5], $0x80, v3, vm0, $0xb8;
	[tilespmem:$0x1A100] =	vst v63  }
0x357: {  	v3 =	vld [tilespmem:$0x8];
	_ =	sdelay $0x4  }
0x358: {  	v59 =	vshll.u32 v3, $0x2  }
0x359: {  	v3 =	vand.u32 $0x7, v3;
	v4 =	vand.u32 $0xFFFFFFE0, v59  }
0x35a: {  	v3 =	vor.u32 v3, v4  }
0x35b: {  	v4 =	vperm.xlane v3, v0;
	_ =	sdelay $0x1  }
0x35c: {  	v4 =	vadd.s32 v1, v4;
	_ =	sdelay $0x1  }
0x35d: {  	v3 =	vperm.xlane v3, v2;
	_ =	sdelay $0x1  }
0x35e: {  	s26 =	simm.s32 $0x2100;
	v3 =	vadd.s32 v1, v3  }
0x35f: {  	[tilespmem:s26], [sflag:$0x1] =	stream.indirect_vreg.gather [hbm4b:s1+s5], $0x80, v4, vm0, $0xb8;
	[tilespmem:$0x1A100] =	vst v63  }
0x360: {  	s28 =	simm.s32 $0x2900  }
0x361: {  	[tilespmem:s28], [sflag:$0x1] =	stream.indirect_vreg.gather [hbm4b:s9+s5], $0x80, v4, vm0, $0xb8;
	[tilespmem:$0x1A100] =	vst v63  }
0x362: {  	s29 =	simm.s32 $0x3100  }
0x363: {  	[tilespmem:s29], [sflag:$0x1] =	stream.indirect_vreg.gather [hbm4b:s1+s5], $0x80, v3, vm0, $0xb8;
	[tilespmem:$0x1A100] =	vst v63  }
0x364: {  	s24 =	simm.s32 $0x3900  }
0x365: {  	[tilespmem:s24], [sflag:$0x1] =	stream.indirect_vreg.gather [hbm4b:s9+s5], $0x80, v3, vm0, $0xb8;
	[tilespmem:$0x1A100] =	vst v63  }
0x366: {  	v3 =	vld [tilespmem:$0x18];
	_ =	sdelay $0x4  }
0x367: {  	v60 =	vshll.u32 v3, $0x2  }
0x368: {  	v3 =	vand.u32 $0x7, v3;
	v4 =	vand.u32 $0xFFFFFFE0, v60  }
0x369: {  	v3 =	vor.u32 v3, v4  }
0x36a: {  	v4 =	vperm.xlane v3, v0;
	_ =	sdelay $0x1  }
0x36b: {  	v4 =	vadd.s32 v1, v4;
	_ =	sdelay $0x1  }
0x36c: {  	v3 =	vperm.xlane v3, v2;
	_ =	sdelay $0x1  }
0x36d: {  	s25 =	simm.s32 $0x4100;
	v3 =	vadd.s32 v1, v3  }
0x36e: {  	[tilespmem:s25], [sflag:$0x1] =	stream.indirect_vreg.gather [hbm4b:s1+s5], $0x80, v4, vm0, $0xb8;
	[tilespmem:$0x1A100] =	vst v63  }
0x36f: {  	s26 =	simm.s32 $0x4900  }
0x370: {  	[tilespmem:s26], [sflag:$0x1] =	stream.indirect_vreg.gather [hbm4b:s9+s5], $0x80, v4, vm0, $0xb8;
	[tilespmem:$0x1A100] =	vst v63  }
0x371: {  	s28 =	simm.s32 $0x5100  }
0x372: {  	[tilespmem:s28], [sflag:$0x1] =	stream.indirect_vreg.gather [hbm4b:s1+s5], $0x80, v3, vm0, $0xb8;
	[tilespmem:$0x1A100] =	vst v63  }
0x373: {  	s29 =	simm.s32 $0x5900  }
0x374: {  	[tilespmem:s29], [sflag:$0x1] =	stream.indirect_vreg.gather [hbm4b:s9+s5], $0x80, v3, vm0, $0xb8;
	[tilespmem:$0x1A100] =	vst v63  }
0x375: {  	v3 =	vld [tilespmem:$0x28];
	_ =	sdelay $0x4  }
0x376: {  	v61 =	vshll.u32 v3, $0x2  }
0x377: {  	v3 =	vand.u32 $0x7, v3;
	v4 =	vand.u32 $0xFFFFFFE0, v61  }
0x378: {  	v3 =	vor.u32 v3, v4  }
0x379: {  	v4 =	vperm.xlane v3, v0;
	_ =	sdelay $0x1  }
0x37a: {  	v4 =	vadd.s32 v1, v4;
	_ =	sdelay $0x1  }
0x37b: {  	v3 =	vperm.xlane v3, v2;
	_ =	sdelay $0x1  }
0x37c: {  	s24 =	simm.s32 $0x6100;
	v3 =	vadd.s32 v1, v3  }
0x37d: {  	[tilespmem:s24], [sflag:$0x1] =	stream.indirect_vreg.gather [hbm4b:s1+s5], $0x80, v4, vm0, $0xb8;
	[tilespmem:$0x1A100] =	vst v63  }
0x37e: {  	s25 =	simm.s32 $0x6900  }
0x37f: {  	[tilespmem:s25], [sflag:$0x1] =	stream.indirect_vreg.gather [hbm4b:s9+s5], $0x80, v4, vm0, $0xb8;
	[tilespmem:$0x1A100] =	vst v63  }
0x380: {  	s26 =	simm.s32 $0x7100  }
0x381: {  	[tilespmem:s26], [sflag:$0x1] =	stream.indirect_vreg.gather [hbm4b:s1+s5], $0x80, v3, vm0, $0xb8;
	[tilespmem:$0x1A100] =	vst v63  }
0x382: {  	s28 =	simm.s32 $0x7900  }
0x383: {  	[tilespmem:s28], [sflag:$0x1] =	stream.indirect_vreg.gather [hbm4b:s9+s5], $0x80, v3, vm0, $0xb8;
	[tilespmem:$0x1A100] =	vst v63  }
0x384: {  	v3 =	vld.msk [tilespmem:$0x38], $0xff;
	_ =	sdelay $0x4  }
0x385: {  	v62 =	vshll.u32 v3, $0x2  }
0x386: {  	v3 =	vand.u32 $0x7, v3;
	v4 =	vand.u32 $0xFFFFFFE0, v62  }
0x387: {  	v3 =	vor.u32 v3, v4  }
0x388: {  	v3 =	vperm.xlane v3, v0;
	_ =	sdelay $0x1  }
0x389: {  	v3 =	vadd.s32 v1, v3;
	_ =	sdelay $0x3  }
0x38a: {  	s29 =	simm.s32 $0x8100  }
0x38b: {  	[tilespmem:s29], [sflag:$0x1] =	stream.indirect_vreg.gather [hbm4b:s1+s5], $0x80, v3, vm0, $0xb8;
	[tilespmem:$0x1A100] =	vst v63  }
0x38c: {  	s24 =	simm.s32 $0x8900  }
0x38d: {  	[tilespmem:s24], [sflag:$0x1] =	stream.indirect_vreg.gather [hbm4b:s9+s5], $0x80, v3, vm0, $0xb8;
	[tilespmem:$0x1A100] =	vst v63  }
0x38e: {  	v3 =	vld.msk [tilespmem:$0x40], $0xff;
	_ =	sdelay $0x4  }
0x38f: {  	v63 =	vshll.u32 v3, $0x2  }
0x390: {  	v3 =	vand.u32 $0x7, v3;
	v4 =	vand.u32 $0xFFFFFFE0, v63  }
0x391: {  	v3 =	vor.u32 v3, v4  }
0x392: {  	v3 =	vperm.xlane v3, v0;
	_ =	sdelay $0x1  }
0x393: {  	v3 =	vadd.s32 v1, v3;
	_ =	sdelay $0x3  }
0x394: {  	s25 =	simm.s32 $0x18100  }
0x395: {  	[tilespmem:s25], [sflag:$0x1] =	stream.indirect_vreg.gather [hbm4b:s1+s5], $0x80, v3, vm0, $0xb8;
	[tilespmem:$0x1A100] =	vst v63  }
0x396: {  	s26 =	simm.s32 $0x18900;
	s28 =	sshll.u32 s22, $0xA  }
0x397: {  	[tilespmem:s26], [sflag:$0x1] =	stream.indirect_vreg.gather [hbm4b:s9+s5], $0x80, v3, vm0, $0xb8;
	[tilespmem:$0x1A100] =	vst v63  }
0x398: {  	s22 =	sadd.s32 s2, s28;
	s29 =	simm.s32 $0x14100  }
0x399: {  	[tilespmem:s29], [sflag:$0x1] =	stream.linear.gather [hbm4b:s22+s5], $0x2000, $0x38;
	[tilespmem:$0x1A100] =	vst v63  }
.LBB2_14:
0x39a: {  	s21 =	sadd.s32 s14, s21  }
0x39b: {  	p1 =	sgt.u32 s21, $0x3E7  }
.Ltmp10:
0x39c: {  	_ = 	snop;
	(pc) =	sbr.rel @p1 .LBB2_16-.Ltmp10, $4  }
0x39d: {  	s22 =	simm.s32 @!p0 $0x4  }
0x39e: {  	_ =	swait.ge @!p0 [sflag:s22], $0xA000  }
0x39f: {  	[sflag:s22] =	ssyncset.done @!p0 $0x0  }
0x3a0: {  	[sflag:s22] =	ssyncadd.s32 @!p0 $0xFFFF6000  }
0x3a1: {  	s22 =	smul.u32 $0x9, s21;
	_ =	sdelay $0x1  }
0x3a2: {  	s23 =	simm.s32 $0x80;
	s22 =	sadd.s32 s3, s22  }
0x3a3: {  	[tilespmem:s23], [sflag:$0x5] =	stream.linear.gather [hbm4b:s22+s5], $0x48, $0x38;
	[tilespmem:$0x1A100] =	vst v63  }
0x3a4: {  	_ =	swait.ge [sflag:s16], $0x48  }
0x3a5: {  	[sflag:s16] =	ssyncset.done $0x0  }
0x3a6: {  	[sflag:s16] =	ssyncadd.s32 $0xFFFFFFB8  }
0x3a7: {  	v3 =	vld.msk [tilespmem:$0x80], $0xff;
	_ =	sdelay $0x4  }
0x3a8: {  	v4 =	vshll.u32 v3, $0x2  }
0x3a9: {  	v3 =	vand.u32 $0x7, v3;
	v4 =	vand.u32 $0xFFFFFFE0, v4  }
0x3aa: {  	v3 =	vor.u32 v3, v4  }
0x3ab: {  	v3 =	vperm.xlane v3, v0;
	_ =	sdelay $0x1  }
0x3ac: {  	v3 =	vadd.s32 v1, v3;
	_ =	sdelay $0x4  }
0x3ad: {  	[tilespmem:s15], [sflag:$0x2] =	stream.indirect_vreg.gather [hbm4b:s1+s5], $0x80, v3, vm0, $0xb8;
	[tilespmem:$0x1A100] =	vst v63  }
0x3ae: {  	s23 =	simm.s32 $0xA900  }
0x3af: {  	[tilespmem:s23], [sflag:$0x2] =	stream.indirect_vreg.gather [hbm4b:s9+s5], $0x80, v3, vm0, $0xb8;
	[tilespmem:$0x1A100] =	vst v63  }
0x3b0: {  	v3 =	vld [tilespmem:$0x88];
	_ =	sdelay $0x4  }
0x3b1: {  	v59 =	vshll.u32 v3, $0x2  }
0x3b2: {  	v3 =	vand.u32 $0x7, v3;
	v4 =	vand.u32 $0xFFFFFFE0, v59  }
0x3b3: {  	v3 =	vor.u32 v3, v4  }
0x3b4: {  	v4 =	vperm.xlane v3, v0;
	_ =	sdelay $0x1  }
0x3b5: {  	v4 =	vadd.s32 v1, v4;
	_ =	sdelay $0x1  }
0x3b6: {  	v3 =	vperm.xlane v3, v2;
	_ =	sdelay $0x1  }
0x3b7: {  	s24 =	simm.s32 $0xC100;
	v3 =	vadd.s32 v1, v3  }
0x3b8: {  	[tilespmem:s24], [sflag:$0x2] =	stream.indirect_vreg.gather [hbm4b:s1+s5], $0x80, v4, vm0, $0xb8;
	[tilespmem:$0x1A100] =	vst v63  }
0x3b9: {  	s25 =	simm.s32 $0xC900  }
0x3ba: {  	[tilespmem:s25], [sflag:$0x2] =	stream.indirect_vreg.gather [hbm4b:s9+s5], $0x80, v4, vm0, $0xb8;
	[tilespmem:$0x1A100] =	vst v63  }
0x3bb: {  	s26 =	simm.s32 $0xD100  }
0x3bc: {  	[tilespmem:s26], [sflag:$0x2] =	stream.indirect_vreg.gather [hbm4b:s1+s5], $0x80, v3, vm0, $0xb8;
	[tilespmem:$0x1A100] =	vst v63  }
0x3bd: {  	s28 =	simm.s32 $0xD900  }
0x3be: {  	[tilespmem:s28], [sflag:$0x2] =	stream.indirect_vreg.gather [hbm4b:s9+s5], $0x80, v3, vm0, $0xb8;
	[tilespmem:$0x1A100] =	vst v63  }
0x3bf: {  	v3 =	vld [tilespmem:$0x98];
	_ =	sdelay $0x4  }
0x3c0: {  	v60 =	vshll.u32 v3, $0x2  }
0x3c1: {  	v3 =	vand.u32 $0x7, v3;
	v4 =	vand.u32 $0xFFFFFFE0, v60  }
0x3c2: {  	v3 =	vor.u32 v3, v4  }
0x3c3: {  	v4 =	vperm.xlane v3, v0;
	_ =	sdelay $0x1  }
0x3c4: {  	v4 =	vadd.s32 v1, v4;
	_ =	sdelay $0x1  }
0x3c5: {  	v3 =	vperm.xlane v3, v2;
	_ =	sdelay $0x1  }
0x3c6: {  	s29 =	simm.s32 $0xE100;
	v3 =	vadd.s32 v1, v3  }
0x3c7: {  	[tilespmem:s29], [sflag:$0x2] =	stream.indirect_vreg.gather [hbm4b:s1+s5], $0x80, v4, vm0, $0xb8;
	[tilespmem:$0x1A100] =	vst v63  }
0x3c8: {  	s23 =	simm.s32 $0xE900  }
0x3c9: {  	[tilespmem:s23], [sflag:$0x2] =	stream.indirect_vreg.gather [hbm4b:s9+s5], $0x80, v4, vm0, $0xb8;
	[tilespmem:$0x1A100] =	vst v63  }
0x3ca: {  	s24 =	simm.s32 $0xF100  }
0x3cb: {  	[tilespmem:s24], [sflag:$0x2] =	stream.indirect_vreg.gather [hbm4b:s1+s5], $0x80, v3, vm0, $0xb8;
	[tilespmem:$0x1A100] =	vst v63  }
0x3cc: {  	s25 =	simm.s32 $0xF900  }
0x3cd: {  	[tilespmem:s25], [sflag:$0x2] =	stream.indirect_vreg.gather [hbm4b:s9+s5], $0x80, v3, vm0, $0xb8;
	[tilespmem:$0x1A100] =	vst v63  }
0x3ce: {  	v3 =	vld [tilespmem:$0xA8];
	_ =	sdelay $0x4  }
0x3cf: {  	v61 =	vshll.u32 v3, $0x2  }
0x3d0: {  	v3 =	vand.u32 $0x7, v3;
	v4 =	vand.u32 $0xFFFFFFE0, v61  }
0x3d1: {  	v3 =	vor.u32 v3, v4  }
0x3d2: {  	v4 =	vperm.xlane v3, v0;
	_ =	sdelay $0x1  }
0x3d3: {  	v4 =	vadd.s32 v1, v4;
	_ =	sdelay $0x1  }
0x3d4: {  	v3 =	vperm.xlane v3, v2;
	_ =	sdelay $0x1  }
0x3d5: {  	s26 =	simm.s32 $0x10100;
	v3 =	vadd.s32 v1, v3  }
0x3d6: {  	[tilespmem:s26], [sflag:$0x2] =	stream.indirect_vreg.gather [hbm4b:s1+s5], $0x80, v4, vm0, $0xb8;
	[tilespmem:$0x1A100] =	vst v63  }
0x3d7: {  	s28 =	simm.s32 $0x10900  }
0x3d8: {  	[tilespmem:s28], [sflag:$0x2] =	stream.indirect_vreg.gather [hbm4b:s9+s5], $0x80, v4, vm0, $0xb8;
	[tilespmem:$0x1A100] =	vst v63  }
0x3d9: {  	_ = 	snop  }
0x3da: {  	[tilespmem:s30], [sflag:$0x2] =	stream.indirect_vreg.gather [hbm4b:s1+s5], $0x80, v3, vm0, $0xb8;
	[tilespmem:$0x1A100] =	vst v63  }
0x3db: {  	_ = 	snop  }
0x3dc: {  	[tilespmem:s31], [sflag:$0x2] =	stream.indirect_vreg.gather [hbm4b:s9+s5], $0x80, v3, vm0, $0xb8;
	[tilespmem:$0x1A100] =	vst v63  }
0x3dd: {  	v3 =	vld.msk [tilespmem:$0xB8], $0xff;
	_ =	sdelay $0x4  }
0x3de: {  	v62 =	vshll.u32 v3, $0x2  }
0x3df: {  	v3 =	vand.u32 $0x7, v3;
	v4 =	vand.u32 $0xFFFFFFE0, v62  }
0x3e0: {  	v3 =	vor.u32 v3, v4  }
0x3e1: {  	v3 =	vperm.xlane v3, v0;
	_ =	sdelay $0x1  }
0x3e2: {  	v3 =	vadd.s32 v1, v3;
	_ =	sdelay $0x4  }
0x3e3: {  	[tilespmem:s0], [sflag:$0x2] =	stream.indirect_vreg.gather [hbm4b:s1+s5], $0x80, v3, vm0, $0xb8;
	[tilespmem:$0x1A100] =	vst v63  }
0x3e4: {  	_ = 	snop  }
0x3e5: {  	[tilespmem:s4], [sflag:$0x2] =	stream.indirect_vreg.gather [hbm4b:s9+s5], $0x80, v3, vm0, $0xb8;
	[tilespmem:$0x1A100] =	vst v63  }
0x3e6: {  	v3 =	vld.msk [tilespmem:$0xC0], $0xff;
	_ =	sdelay $0x4  }
0x3e7: {  	v63 =	vshll.u32 v3, $0x2  }
0x3e8: {  	v3 =	vand.u32 $0x7, v3;
	v4 =	vand.u32 $0xFFFFFFE0, v63  }
0x3e9: {  	v3 =	vor.u32 v3, v4  }
0x3ea: {  	v3 =	vperm.xlane v3, v0;
	_ =	sdelay $0x1  }
0x3eb: {  	v3 =	vadd.s32 v1, v3;
	_ =	sdelay $0x4  }
0x3ec: {  	[tilespmem:s8], [sflag:$0x2] =	stream.indirect_vreg.gather [hbm4b:s1+s5], $0x80, v3, vm0, $0xb8;
	[tilespmem:$0x1A100] =	vst v63  }
.Ltmp11:
0x3ed: {  	_ = 	snop;
	(pc) =	sbr.rel .LBB2_16-.Ltmp11, $4  }
0x3ee: {  	s29 =	sshll.u32 s21, $0xA  }
0x3ef: {  	[tilespmem:s10], [sflag:$0x2] =	stream.indirect_vreg.gather [hbm4b:s9+s5], $0x80, v3, vm0, $0xb8;
	[tilespmem:$0x1A100] =	vst v63  }
0x3f0: {  	s21 =	sadd.s32 s2, s29  }
0x3f1: {  	[tilespmem:s11], [sflag:$0x2] =	stream.linear.gather [hbm4b:s21+s5], $0x2000, $0x38;
	[tilespmem:$0x1A100] =	vst v63  }
.LBB2_18:
0x3f2: {  	_ =	sfence.sel $0x180000  }
0x3f3: {  	[bflag:$0x0] =	sbarrier.arrive $0xFFFF  }
0x3f4: {  	_ =	strace $0x90000047  }
0x3f5: {  	s0 =	stileid.u32;
	[bflag:$0x2] =	sbarrier.arrive $0xFFFF  }
0x3f6: {  	p0 =	sne.s32 s0, $0x0;
	s0 =	rddreg [dreg:$0x4]  }
0x3f7: {  	s0 =	sadd.s32 @!p0 $0x100000, s0  }
0x3f8: {  	[sflag:s0] =	ssyncadd.tile.s32 @!p0 $0x1;
	_ =	shalt  }
.Lfunc_end2:
_tile_overlayer_lowered:
.L_overlay_start_2:
0x3f9: {  	(tag) =	ssettag $0x2  }
0x3fa: {  	s0 =	rddreg [dreg:$0x0];
	s2 =	stileid.u32  }
0x3fb: {  	s1 =	rddreg [dreg:$0x1];
	p0 =	sne.s32 s2, $0x0  }
0x3fc: {  	s3 =	rddreg [dreg:$0x2];
	[bflag:$0x3] =	sbarrier.arrive $0xFFFF;
	s2 =	simm.s32 @!p0 $0x1C05  }
0x3fd: {  	[timem:s3], [sflag:s2] =	dma.local @!p0 [hbm:s0], s1  }
0x3fe: {  	s0 =	simm.s32 @!p0 $0x5  }
0x3ff: {  	_ =	swait.ge @!p0 [sflag:s0], s1  }
0x400: {  	s1 =	ssub.s32 @!p0 $0x0, s1;
	[sflag:s0] =	ssyncset.done @!p0 $0x0  }
0x401: {  	[sflag:s0] =	ssyncadd.s32 @!p0 s1  }
0x402: {  	[bflag:$0x3] =	sbarrier.arrive $0xFFFF  }
0x403: {  	_ =	shalt  }

</sc_bundles>
